<compile_context>
chip_gen: v7x
topology: tpu7x:2x2x1
jax: 0.10.2.dev20260603
libtpu: 0.0.44.dev20260713+nightly
codegen_flags: <defaults>
</compile_context>

<pallas_src>
import functools

import jax
import jax.numpy as jnp
from jax import lax
from jax.experimental import pallas as pl
from jax.experimental.pallas import tpu as pltpu
from jax.experimental.pallas import tpu_sc as plsc

N = 10000
E = 320000
D = 128

NC = 2
NS = 16
NW = NC * NS
EP = E // NW
C = 80
CH = EP // C
EPS = E // NS
CHS = EPS // C
DH = D // NC
NP = 10240
RP = NP // NS
ZR = 128
DW = 16

@functools.cache
def _build_deg_kernel():
    mesh = plsc.VectorSubcoreMesh(
        core_axis_name="c", subcore_axis_name="s",
        num_cores=NC, num_subcores=NS)
    return pl.kernel(
        _deg_body,
        out_type=jax.ShapeDtypeStruct((NP, D), jnp.float32),
        mesh=mesh,
        compiler_params=pltpu.CompilerParams(use_tc_tiling_on_sc=False),
        scratch_types=[
            pltpu.VMEM((CH, C), jnp.int32),
            pltpu.VMEM((C, DW), jnp.float32),
            pltpu.VMEM((ZR, DW), jnp.float32),
            pltpu.VMEM_SHARED((NP, DW), jnp.float32),
        ],
    )


def _deg_body(col_hbm, out_hbm, colbuf, ones_v, zrow, acc):
    c = lax.axis_index("c")
    s = lax.axis_index("s")
    wid = c * NS + s
    pltpu.sync_copy(col_hbm.at[wid], colbuf)

    def fill(k, _):
        zrow[k, :] = jnp.zeros((DW,), jnp.float32)
        return _

    lax.fori_loop(0, ZR, fill, 0)

    def fill1(k, _):
        ones_v[k, :] = jnp.ones((DW,), jnp.float32)
        return _

    lax.fori_loop(0, C, fill1, 0)

    base = s * RP
    for r in range(RP // ZR):
        pltpu.sync_copy(zrow, acc.at[pl.ds(base + r * ZR, ZR)])
    plsc.subcore_barrier()

    def step(j, _):
        pltpu.sync_copy(ones_v, acc.at[colbuf.at[j]], add=True)
        return _

    lax.fori_loop(0, CH, step, 0)
    plsc.subcore_barrier()
    pltpu.sync_copy(acc.at[pl.ds(base, RP)],
                    out_hbm.at[pl.ds(base, RP), pl.ds(c * DW, DW)])


@functools.cache
def _build_scatter_kernel():
    mesh = plsc.VectorSubcoreMesh(
        core_axis_name="c", subcore_axis_name="s",
        num_cores=NC, num_subcores=NS)
    return pl.kernel(
        _scatter_body,
        out_type=jax.ShapeDtypeStruct((NP, D), jnp.float32),
        mesh=mesh,
        compiler_params=pltpu.CompilerParams(use_tc_tiling_on_sc=False),
        scratch_types=[
            pltpu.VMEM((CHS, C), jnp.int32),
            pltpu.VMEM((CHS, C), jnp.int32),
            pltpu.VMEM((4, C, DH), jnp.float32),
            pltpu.VMEM((ZR, DH), jnp.float32),
            pltpu.VMEM_SHARED((NP, DH), jnp.float32),
            pltpu.SemaphoreType.DMA,
            pltpu.SemaphoreType.DMA,
            pltpu.SemaphoreType.DMA,
            pltpu.SemaphoreType.DMA,
        ],
    )


def _scatter_body(row_hbm, col_hbm, y_hbm, out_hbm,
                  rowbuf, colbuf, rows_v, zrow, acc, g0, g1, s0, s1):
    c = lax.axis_index("c")
    s = lax.axis_index("s")
    gsems = (g0, g1)
    ssems = (s0, s1)

    pltpu.sync_copy(row_hbm.at[c, s], rowbuf)
    pltpu.async_copy(y_hbm.at[rowbuf.at[0]], rows_v.at[0], g0)
    pltpu.async_copy(y_hbm.at[rowbuf.at[1]], rows_v.at[1], g1)
    pltpu.sync_copy(col_hbm.at[s], colbuf)

    ZSEG = DH // 16
    def fill_all(k, _):
        zrow[k // ZSEG, pl.ds((k % ZSEG) * 16, 16)] = jnp.zeros((16,), jnp.float32)
        return _

    lax.fori_loop(0, ZR * ZSEG, fill_all, 0)
    base = s * RP
    for r in range(RP // ZR):
        pltpu.sync_copy(zrow, acc.at[pl.ds(base + r * ZR, ZR)])
    plsc.subcore_barrier()

    def _drain(sem):
        pltpu.make_async_copy(y_hbm.at[rowbuf.at[0]], rows_v.at[0], sem).wait()

    def loop_body(j, _):
        for p in range(2):
            @pl.when(j % 2 == p)
            def _w(p=p):
                _drain(gsems[p])

                @pl.when(j >= 2)
                def _ws():
                    _drain(ssems[p])

        for k in range(4):
            @pl.when(j % 4 == k)
            def _go(k=k):
                pltpu.async_copy(rows_v.at[k], acc.at[colbuf.at[j]],
                                 ssems[k % 2], add=True)

                @pl.when(j + 2 < CHS)
                def _pf():
                    pltpu.async_copy(y_hbm.at[rowbuf.at[j + 2]],
                                     rows_v.at[(k + 2) % 4], gsems[k % 2])

        return _

    lax.fori_loop(0, CHS, loop_body, 0)
    _drain(s0)
    _drain(s1)
    plsc.subcore_barrier()
    pltpu.sync_copy(acc.at[pl.ds(base, RP)],
                    out_hbm.at[pl.ds(base, RP), pl.ds(c * DH, DH)])


_R = 1000


def _tc1_body(x_ref, w_ref, b_ref, degp_ref, y1_ref):
    deg = degp_ref[:, 0:1] + degp_ref[:, DW:DW + 1] + 1.0
    dinv = lax.rsqrt(deg)
    h = jnp.dot(x_ref[...], w_ref[...], preferred_element_type=jnp.float32)
    h = jnp.maximum(h + b_ref[...], 0.0)
    y1_ref[...] = dinv * h


def _tc2_body(sp_ref, y_ref, degp_ref, w_ref, b_ref, out_ref, y2_ref):
    deg = degp_ref[:, 0:1] + degp_ref[:, DW:DW + 1] + 1.0
    dinv = lax.rsqrt(deg)
    agg = dinv * (sp_ref[...] + y_ref[...])
    h = jnp.dot(agg, w_ref[...], preferred_element_type=jnp.float32)
    h = jnp.maximum(h + b_ref[...], 0.0)
    out_ref[...] = h
    y2_ref[...] = dinv * h


def _tc1(x, w, b2, degp):
    grid = N // _R
    return pl.pallas_call(
        _tc1_body,
        grid=(grid,),
        in_specs=[
            pl.BlockSpec((_R, D), lambda i: (i, 0)),
            pl.BlockSpec((D, D), lambda i: (0, 0)),
            pl.BlockSpec((1, D), lambda i: (0, 0)),
            pl.BlockSpec((_R, D), lambda i: (i, 0)),
        ],
        out_specs=pl.BlockSpec((_R, D), lambda i: (i, 0)),
        out_shape=jax.ShapeDtypeStruct((N, D), jnp.float32),
    )(x, w, b2, degp)


def _tc3_body(sp_ref, y_ref, degp_ref, w_ref, b_ref, out_ref):
    deg = degp_ref[:, 0:1] + degp_ref[:, DW:DW + 1] + 1.0
    dinv = lax.rsqrt(deg)
    agg = dinv * (sp_ref[...] + y_ref[...])
    h = jnp.dot(agg, w_ref[...], preferred_element_type=jnp.float32)
    out_ref[...] = jnp.maximum(h + b_ref[...], 0.0)


def _tc2(sp, y, degp, w, b2):
    grid = N // _R
    return pl.pallas_call(
        _tc2_body,
        grid=(grid,),
        in_specs=[
            pl.BlockSpec((_R, D), lambda i: (i, 0)),
            pl.BlockSpec((_R, D), lambda i: (i, 0)),
            pl.BlockSpec((_R, D), lambda i: (i, 0)),
            pl.BlockSpec((D, D), lambda i: (0, 0)),
            pl.BlockSpec((1, D), lambda i: (0, 0)),
        ],
        out_specs=[
            pl.BlockSpec((_R, D), lambda i: (i, 0)),
            pl.BlockSpec((_R, D), lambda i: (i, 0)),
        ],
        out_shape=[
            jax.ShapeDtypeStruct((N, D), jnp.float32),
            jax.ShapeDtypeStruct((N, D), jnp.float32),
        ],
    )(sp, y, degp, w, b2)


def _tc3(sp, y, degp, w, b2):
    grid = N // _R
    return pl.pallas_call(
        _tc3_body,
        grid=(grid,),
        in_specs=[
            pl.BlockSpec((_R, D), lambda i: (i, 0)),
            pl.BlockSpec((_R, D), lambda i: (i, 0)),
            pl.BlockSpec((_R, D), lambda i: (i, 0)),
            pl.BlockSpec((D, D), lambda i: (0, 0)),
            pl.BlockSpec((1, D), lambda i: (0, 0)),
        ],
        out_specs=pl.BlockSpec((_R, D), lambda i: (i, 0)),
        out_shape=jax.ShapeDtypeStruct((N, D), jnp.float32),
    )(sp, y, degp, w, b2)


def kernel(input, edge_index, batch, W, b, W0, b0, W1, b1):
    col_deg = edge_index[1].reshape(NW, CH, C)
    r2 = edge_index[0] * 2
    row = jnp.stack([r2, r2 + 1]).reshape(NC, NS, CHS, C)
    col = edge_index[1].reshape(NS, CHS, C)
    b2 = b.reshape(1, D)
    b02 = b0.reshape(1, D)
    b12 = b1.reshape(1, D)

    deg_k = _build_deg_kernel()
    scat_k = _build_scatter_kernel()
    degp = deg_k(col_deg)
    y1 = _tc1(input, W, b2, degp)
    s1 = scat_k(row, col, y1.reshape(NC * N, DH))
    h2, y2 = _tc2(s1, y1, degp, W0, b02)
    s2 = scat_k(row, col, y2.reshape(NC * N, DH))
    return _tc3(s2, y2, degp, W1, b12)

# --- scband reference (transcript-rebuilt; emitter-appended) ---
"""Pipeline reference for scband-graphlayer-84447646974764 (READ-ONLY COPY).

The authoritative reference and input builder live on the scoring server;
editing this copy changes nothing except your own understanding.
"""

import jax, jax.numpy as jnp
import numpy as np

N, E, D = 10000, 320000, 128

def _glorot(key, shape):
    fan_in, fan_out = shape[0], shape[1]
    s = (6.0 / (fan_in + fan_out)) ** 0.5
    return jax.random.uniform(key, shape, dtype=jnp.float32, minval=-s, maxval=s)

def setup_inputs(seed: int = 0) -> dict:
    key = jax.random.key(seed)
    ks = jax.random.split(key, 8)
    x = jax.random.normal(ks[0], (N, D), dtype=jnp.float32)
    edge_index = jax.random.randint(ks[1], (2, E), 0, N, dtype=jnp.int32)
    batch = jnp.zeros((N,), dtype=jnp.int32)
    W = _glorot(ks[2], (D, D))
    b = jnp.zeros((D,), dtype=jnp.float32)
    W0 = _glorot(ks[3], (D, D))
    b0 = jnp.zeros((D,), dtype=jnp.float32)
    W1 = _glorot(ks[4], (D, D))
    b1 = jnp.zeros((D,), dtype=jnp.float32)
    return {"input": x, "edge_index": edge_index, "batch": batch,
            "W": W, "b": b, "W0": W0, "b0": b0, "W1": W1, "b1": b1}

def _gcn_conv(x, row, col, Wc, bc):
    n = x.shape[0]
    # add remaining self loops
    loops = jnp.arange(n, dtype=row.dtype)
    r = jnp.concatenate([row, loops])
    c = jnp.concatenate([col, loops])
    ones = jnp.ones((r.shape[0],), dtype=x.dtype)
    deg = jax.ops.segment_sum(ones, c, num_segments=n)
    dinv = jax.lax.rsqrt(jnp.maximum(deg, 1e-12))
    norm = dinv[r] * dinv[c]
    msg = x[r] * norm[:, None]
    agg = jnp.zeros((n, x.shape[1]), dtype=x.dtype).at[c].add(msg)
    return agg @ Wc + bc

def reference(input, edge_index, batch, W, b, W0, b0, W1, b1):
    # dropout with p=0 is identity; act = ReLU
    x = jax.nn.relu(input @ W + b)
    row, col = edge_index[0], edge_index[1]
    x = jax.nn.relu(_gcn_conv(x, row, col, W0, b0))
    x = jax.nn.relu(_gcn_conv(x, row, col, W1, b1))
    return x

if __name__ == "__main__":
    import jax
    _d = setup_inputs()
    print(jax.jit(kernel)(*tuple(_d.values())))

</pallas_src>

<mosaic_0001>
#map = affine_map<(d0, d1) -> (0, 0, 0, 0)>
#map1 = affine_map<(d0, d1) -> (0, 0, 0)>
#map2 = affine_map<(d0, d1) -> (0, 0)>
module attributes {stable_mosaic.version = 14 : i64} {
  func.func @_scatter_body(%arg0: i32, %arg1: i32, %arg2: memref<2x16x250x80xi32, #tpu.memory_space<hbm>>, %arg3: memref<16x250x80xi32, #tpu.memory_space<hbm>>, %arg4: memref<20000x64xf32, #tpu.memory_space<hbm>>, %arg5: memref<10240x128xf32, #tpu.memory_space<hbm>>, %arg6: memref<250x80xi32, #tpu.memory_space<vmem>>, %arg7: memref<250x80xi32, #tpu.memory_space<vmem>>, %arg8: memref<4x80x64xf32, #tpu.memory_space<vmem>>, %arg9: memref<128x64xf32, #tpu.memory_space<vmem>>, %arg10: memref<10240x64xf32, #tpu.memory_space<vmem_shared>>, %arg11: memref<!tpu.dma_semaphore, #tpu.memory_space<semaphore_mem>>, %arg12: memref<!tpu.dma_semaphore, #tpu.memory_space<semaphore_mem>>, %arg13: memref<!tpu.dma_semaphore, #tpu.memory_space<semaphore_mem>>, %arg14: memref<!tpu.dma_semaphore, #tpu.memory_space<semaphore_mem>>) attributes {dimension_semantics = [#tpu.dimension_semantics<core_parallel>, #tpu.dimension_semantics<subcore_parallel>], iteration_bounds = array<i64: 2, 16>, scalar_prefetch = 0 : i64, scratch_operands = 9 : i64, tpu.core_type = #tpu.core_type<sc_vector_subcore>, window_params = [{transform_indices = #map}, {transform_indices = #map1}, {transform_indices = #map2}, {transform_indices = #map2}]} {
    "tpu.region"() ({
      %run_scoped3A = tpu.sem_alloc : memref<!tpu.dma_semaphore, #tpu.memory_space<semaphore_mem>>
      %dma_start3A_70 = arith.constant 0 : i32
      %dma_start3A_71 = arith.constant 0 : i32
      %dma_start3A_72 = tpu.memref_slice %arg2[%arg0, %arg1, %dma_start3A_70, %dma_start3A_71] : memref<2x16x250x80xi32, #tpu.memory_space<hbm>> -> memref<1x1x250x80xi32, #tpu.memory_space<hbm>>
      %dma_start3A_73 = tpu.memref_squeeze %dma_start3A_72 : memref<1x1x250x80xi32, #tpu.memory_space<hbm>> -> memref<250x80xi32, #tpu.memory_space<hbm>>
      %dma_start3A_74 = arith.constant 0 : i32
      %dma_start3A_75 = arith.constant 0 : i32
      %dma_start3A_76 = tpu.memref_slice %arg2[%arg0, %arg1, %dma_start3A_74, %dma_start3A_75] : memref<2x16x250x80xi32, #tpu.memory_space<hbm>> -> memref<1x1x250x80xi32, #tpu.memory_space<hbm>>
      %dma_start3A_77 = tpu.memref_squeeze %dma_start3A_76 : memref<1x1x250x80xi32, #tpu.memory_space<hbm>> -> memref<250x80xi32, #tpu.memory_space<hbm>>
      tpu.enqueue_dma source(%dma_start3A_77 : memref<250x80xi32, #tpu.memory_space<hbm>>) target(%arg6 : memref<250x80xi32, #tpu.memory_space<vmem>>) target_semaphore(%run_scoped3A : memref<!tpu.dma_semaphore, #tpu.memory_space<semaphore_mem>>)
      %dma_wait3A_78 = arith.constant 0 : i32
      %dma_wait3A_79 = arith.constant 0 : i32
      %dma_wait3A_80 = tpu.memref_slice %arg2[%arg0, %arg1, %dma_wait3A_78, %dma_wait3A_79] : memref<2x16x250x80xi32, #tpu.memory_space<hbm>> -> memref<1x1x250x80xi32, #tpu.memory_space<hbm>>
      %dma_wait3A_81 = tpu.memref_squeeze %dma_wait3A_80 : memref<1x1x250x80xi32, #tpu.memory_space<hbm>> -> memref<250x80xi32, #tpu.memory_space<hbm>>
      %dma_wait3A_82 = arith.constant 0 : i32
      %dma_wait3A_83 = arith.constant 0 : i32
      %dma_wait3A_84 = tpu.memref_slice %arg2[%arg0, %arg1, %dma_wait3A_82, %dma_wait3A_83] : memref<2x16x250x80xi32, #tpu.memory_space<hbm>> -> memref<1x1x250x80xi32, #tpu.memory_space<hbm>>
      %dma_wait3A_85 = tpu.memref_squeeze %dma_wait3A_84 : memref<1x1x250x80xi32, #tpu.memory_space<hbm>> -> memref<250x80xi32, #tpu.memory_space<hbm>>
      tpu.wait_dma2 semaphore(%run_scoped3A : memref<!tpu.dma_semaphore, #tpu.memory_space<semaphore_mem>>) src(%dma_wait3A_85 : memref<250x80xi32, #tpu.memory_space<hbm>>) dst(%arg6 : memref<250x80xi32, #tpu.memory_space<vmem>>)
      tpu.yield
    }) : () -> ()
    %dma_start3A = arith.constant 0 : i32
    %dma_start3A_0 = arith.constant 0 : i32
    %dma_start3A_1 = arith.constant 0 : i32
    %dma_start3A_2 = arith.constant 0 : i32
    %dma_start3A_3 = tpu.memref_slice %arg8[%dma_start3A_0, %dma_start3A_1, %dma_start3A_2] : memref<4x80x64xf32, #tpu.memory_space<vmem>> -> memref<1x80x64xf32, #tpu.memory_space<vmem>>
    %dma_start3A_4 = tpu.memref_squeeze %dma_start3A_3 : memref<1x80x64xf32, #tpu.memory_space<vmem>> -> memref<80x64xf32, #tpu.memory_space<vmem>>
    %dma_start3A_5 = arith.constant 0 : i32
    %dma_start3A_6 = tpu.memref_slice %arg6[%dma_start3A, %dma_start3A_5] : memref<250x80xi32, #tpu.memory_space<vmem>> -> memref<1x80xi32, #tpu.memory_space<vmem>>
    %dma_start3A_7 = tpu.memref_squeeze %dma_start3A_6 : memref<1x80xi32, #tpu.memory_space<vmem>> -> memref<80xi32, #tpu.memory_space<vmem>>
    %dma_start3A_8 = arith.constant 0 : i32
    %dma_start3A_9 = arith.constant 0 : i32
    %dma_start3A_10 = tpu.memref_slice %arg4[%dma_start3A_8, %dma_start3A_9] : memref<20000x64xf32, #tpu.memory_space<hbm>> -> memref<20000x64xf32, #tpu.memory_space<hbm>>
    tpu.enqueue_indirect_dma source(%dma_start3A_10 : memref<20000x64xf32, #tpu.memory_space<hbm>>) target(%dma_start3A_4 : memref<80x64xf32, #tpu.memory_space<vmem>>) offsets(%dma_start3A_7 : memref<80xi32, #tpu.memory_space<vmem>>) semaphore(%arg11 : memref<!tpu.dma_semaphore, #tpu.memory_space<semaphore_mem>>)
    %dma_start3A_11 = arith.constant 1 : i32
    %dma_start3A_12 = arith.constant 1 : i32
    %dma_start3A_13 = arith.constant 0 : i32
    %dma_start3A_14 = arith.constant 0 : i32
    %dma_start3A_15 = tpu.memref_slice %arg8[%dma_start3A_12, %dma_start3A_13, %dma_start3A_14] : memref<4x80x64xf32, #tpu.memory_space<vmem>> -> memref<1x80x64xf32, #tpu.memory_space<vmem>>
    %dma_start3A_16 = tpu.memref_squeeze %dma_start3A_15 : memref<1x80x64xf32, #tpu.memory_space<vmem>> -> memref<80x64xf32, #tpu.memory_space<vmem>>
    %dma_start3A_17 = arith.constant 0 : i32
    %dma_start3A_18 = tpu.memref_slice %arg6[%dma_start3A_11, %dma_start3A_17] : memref<250x80xi32, #tpu.memory_space<vmem>> -> memref<1x80xi32, #tpu.memory_space<vmem>>
    %dma_start3A_19 = tpu.memref_squeeze %dma_start3A_18 : memref<1x80xi32, #tpu.memory_space<vmem>> -> memref<80xi32, #tpu.memory_space<vmem>>
    %dma_start3A_20 = arith.constant 0 : i32
    %dma_start3A_21 = arith.constant 0 : i32
    %dma_start3A_22 = tpu.memref_slice %arg4[%dma_start3A_20, %dma_start3A_21] : memref<20000x64xf32, #tpu.memory_space<hbm>> -> memref<20000x64xf32, #tpu.memory_space<hbm>>
    tpu.enqueue_indirect_dma source(%dma_start3A_22 : memref<20000x64xf32, #tpu.memory_space<hbm>>) target(%dma_start3A_16 : memref<80x64xf32, #tpu.memory_space<vmem>>) offsets(%dma_start3A_19 : memref<80xi32, #tpu.memory_space<vmem>>) semaphore(%arg12 : memref<!tpu.dma_semaphore, #tpu.memory_space<semaphore_mem>>)
    "tpu.region"() ({
      %run_scoped3A = tpu.sem_alloc : memref<!tpu.dma_semaphore, #tpu.memory_space<semaphore_mem>>
      %dma_start3A_70 = arith.constant 0 : i32
      %dma_start3A_71 = arith.constant 0 : i32
      %dma_start3A_72 = tpu.memref_slice %arg3[%arg1, %dma_start3A_70, %dma_start3A_71] : memref<16x250x80xi32, #tpu.memory_space<hbm>> -> memref<1x250x80xi32, #tpu.memory_space<hbm>>
      %dma_start3A_73 = tpu.memref_squeeze %dma_start3A_72 : memref<1x250x80xi32, #tpu.memory_space<hbm>> -> memref<250x80xi32, #tpu.memory_space<hbm>>
      %dma_start3A_74 = arith.constant 0 : i32
      %dma_start3A_75 = arith.constant 0 : i32
      %dma_start3A_76 = tpu.memref_slice %arg3[%arg1, %dma_start3A_74, %dma_start3A_75] : memref<16x250x80xi32, #tpu.memory_space<hbm>> -> memref<1x250x80xi32, #tpu.memory_space<hbm>>
      %dma_start3A_77 = tpu.memref_squeeze %dma_start3A_76 : memref<1x250x80xi32, #tpu.memory_space<hbm>> -> memref<250x80xi32, #tpu.memory_space<hbm>>
      tpu.enqueue_dma source(%dma_start3A_77 : memref<250x80xi32, #tpu.memory_space<hbm>>) target(%arg7 : memref<250x80xi32, #tpu.memory_space<vmem>>) target_semaphore(%run_scoped3A : memref<!tpu.dma_semaphore, #tpu.memory_space<semaphore_mem>>)
      %dma_wait3A_78 = arith.constant 0 : i32
      %dma_wait3A_79 = arith.constant 0 : i32
      %dma_wait3A_80 = tpu.memref_slice %arg3[%arg1, %dma_wait3A_78, %dma_wait3A_79] : memref<16x250x80xi32, #tpu.memory_space<hbm>> -> memref<1x250x80xi32, #tpu.memory_space<hbm>>
      %dma_wait3A_81 = tpu.memref_squeeze %dma_wait3A_80 : memref<1x250x80xi32, #tpu.memory_space<hbm>> -> memref<250x80xi32, #tpu.memory_space<hbm>>
      %dma_wait3A_82 = arith.constant 0 : i32
      %dma_wait3A_83 = arith.constant 0 : i32
      %dma_wait3A_84 = tpu.memref_slice %arg3[%arg1, %dma_wait3A_82, %dma_wait3A_83] : memref<16x250x80xi32, #tpu.memory_space<hbm>> -> memref<1x250x80xi32, #tpu.memory_space<hbm>>
      %dma_wait3A_85 = tpu.memref_squeeze %dma_wait3A_84 : memref<1x250x80xi32, #tpu.memory_space<hbm>> -> memref<250x80xi32, #tpu.memory_space<hbm>>
      tpu.wait_dma2 semaphore(%run_scoped3A : memref<!tpu.dma_semaphore, #tpu.memory_space<semaphore_mem>>) src(%dma_wait3A_85 : memref<250x80xi32, #tpu.memory_space<hbm>>) dst(%arg7 : memref<250x80xi32, #tpu.memory_space<vmem>>)
      tpu.yield
    }) : () -> ()
    %scan3A = arith.constant 0 : i32
    %scan3A_23 = arith.constant 0 : i32
    %scan3A_24 = arith.constant 512 : i32
    %scan3A_25 = arith.addi %scan3A_23, %scan3A_24 : i32
    %scan3A_26 = arith.constant 1 : i32
    scf.for %scan3A_70 = %scan3A_23 to %scan3A_25 step %scan3A_26  : i32 {
      %broadcast_in_dim3A = arith.constant 0.000000e+00 : f32
      %broadcast_in_dim3A_71 = vector.broadcast %broadcast_in_dim3A : f32 to vector<16xf32>
      %jit3A = arith.constant 4 : i32
      %div3A = arith.divsi %scan3A_70, %jit3A : i32
      %sign3A = arith.constant 0 : i32
      %sign3A_72 = arith.cmpi sgt, %scan3A_70, %sign3A : i32
      %sign3A_73 = arith.extui %sign3A_72 : i1 to i32
      %sign3A_74 = arith.constant 0 : i32
      %sign3A_75 = arith.cmpi slt, %scan3A_70, %sign3A_74 : i32
      %sign3A_76 = arith.extui %sign3A_75 : i1 to i32
      %sign3A_77 = arith.subi %sign3A_73, %sign3A_76 : i32
      %sign3A_78 = arith.constant 0 : i32
      %sign3A_79 = arith.cmpi sgt, %jit3A, %sign3A_78 : i32
      %sign3A_80 = arith.extui %sign3A_79 : i1 to i32
      %sign3A_81 = arith.constant 0 : i32
      %sign3A_82 = arith.cmpi slt, %jit3A, %sign3A_81 : i32
      %sign3A_83 = arith.extui %sign3A_82 : i1 to i32
      %sign3A_84 = arith.subi %sign3A_80, %sign3A_83 : i32
      %ne3A = arith.cmpi ne, %sign3A_77, %sign3A_84 : i32
      %rem3A = arith.remsi %scan3A_70, %jit3A : i32
      %ne3A_85 = arith.constant 0 : i32
      %ne3A_86 = arith.cmpi ne, %rem3A, %ne3A_85 : i32
      %and3A = arith.andi %ne3A, %ne3A_86 : i1
      %sub3A = arith.constant 1 : i32
      %sub3A_87 = arith.subi %div3A, %sub3A : i32
      %select_n3A = arith.select %and3A, %sub3A_87, %div3A : i32
      %jit3A_88 = arith.constant 4 : i32
      %eq3A = arith.constant 0 : i32
      %eq3A_89 = arith.cmpi eq, %jit3A_88, %eq3A : i32
      %jit3A_90 = arith.constant 1 : i32
      %select_n3A_91 = arith.select %eq3A_89, %jit3A_90, %jit3A_88 : i32
      %rem3A_92 = arith.remsi %scan3A_70, %select_n3A_91 : i32
      %ne3A_93 = arith.constant 0 : i32
      %ne3A_94 = arith.cmpi ne, %rem3A_92, %ne3A_93 : i32
      %lt3A = arith.constant 0 : i32
      %lt3A_95 = arith.cmpi slt, %rem3A_92, %lt3A : i32
      %lt3A_96 = arith.constant 0 : i32
      %lt3A_97 = arith.cmpi slt, %select_n3A_91, %lt3A_96 : i32
      %ne3A_98 = arith.xori %lt3A_95, %lt3A_97 : i1
      %and3A_99 = arith.andi %ne3A_98, %ne3A_94 : i1
      %add3A_100 = arith.addi %rem3A_92, %select_n3A_91 : i32
      %select_n3A_101 = arith.select %and3A_99, %add3A_100, %rem3A_92 : i32
      %mul3A_102 = arith.constant 16 : i32
      %mul3A_103 = arith.muli %select_n3A_101, %mul3A_102 : i32
      %swap3A = arith.index_cast %select_n3A : i32 to index
      %swap3A_104 = arith.index_cast %mul3A_103 : i32 to index
      %swap3A_105 = tpu.vector_load %arg9[%swap3A, %swap3A_104] {strides = array<i32>} : memref<128x64xf32, #tpu.memory_space<vmem>>, vector<1x16xf32>,
      %swap3A_106 = vector.shape_cast %swap3A_105 : vector<1x16xf32> to vector<16xf32>
      %swap3A_107 = vector.shape_cast %broadcast_in_dim3A_71 : vector<16xf32> to vector<1x16xf32>
      tpu.vector_store %arg9[%swap3A, %swap3A_104], %swap3A_107 {strides = array<i32>} : memref<128x64xf32, #tpu.memory_space<vmem>>, vector<1x16xf32>,
    }
    %scan3A_27 = arith.constant 512 : i32
    %mul3A = arith.constant 640 : i32
    %mul3A_28 = arith.muli %arg1, %mul3A : i32
    %add3A = arith.constant 0 : i32
    %add3A_29 = arith.addi %mul3A_28, %add3A : i32
    "tpu.region"() ({
      %run_scoped3A = tpu.sem_alloc : memref<!tpu.dma_semaphore, #tpu.memory_space<semaphore_mem>>
      %dma_start3A_70 = arith.constant 0 : i32
      %dma_start3A_71 = tpu.memref_slice %arg10[%add3A_29, %dma_start3A_70] : memref<10240x64xf32, #tpu.memory_space<vmem_shared>> -> memref<128x64xf32, #tpu.memory_space<vmem_shared>>
      %dma_start3A_72 = arith.constant 0 : i32
      %dma_start3A_73 = tpu.memref_slice %arg10[%add3A_29, %dma_start3A_72] : memref<10240x64xf32, #tpu.memory_space<vmem_shared>> -> memref<128x64xf32, #tpu.memory_space<vmem_shared>>
      tpu.enqueue_dma source(%arg9 : memref<128x64xf32, #tpu.memory_space<vmem>>) target(%dma_start3A_73 : memref<128x64xf32, #tpu.memory_space<vmem_shared>>) target_semaphore(%run_scoped3A : memref<!tpu.dma_semaphore, #tpu.memory_space<semaphore_mem>>)
      %dma_wait3A_74 = arith.constant 0 : i32
      %dma_wait3A_75 = tpu.memref_slice %arg10[%add3A_29, %dma_wait3A_74] : memref<10240x64xf32, #tpu.memory_space<vmem_shared>> -> memref<128x64xf32, #tpu.memory_space<vmem_shared>>
      %dma_wait3A_76 = arith.constant 0 : i32
      %dma_wait3A_77 = tpu.memref_slice %arg10[%add3A_29, %dma_wait3A_76] : memref<10240x64xf32, #tpu.memory_space<vmem_shared>> -> memref<128x64xf32, #tpu.memory_space<vmem_shared>>
      tpu.wait_dma2 semaphore(%run_scoped3A : memref<!tpu.dma_semaphore, #tpu.memory_space<semaphore_mem>>) src(%arg9 : memref<128x64xf32, #tpu.memory_space<vmem>>) dst(%dma_wait3A_77 : memref<128x64xf32, #tpu.memory_space<vmem_shared>>)
      tpu.yield
    }) : () -> ()
    %add3A_30 = arith.constant 128 : i32
    %add3A_31 = arith.addi %mul3A_28, %add3A_30 : i32
    "tpu.region"() ({
      %run_scoped3A = tpu.sem_alloc : memref<!tpu.dma_semaphore, #tpu.memory_space<semaphore_mem>>
      %dma_start3A_70 = arith.constant 0 : i32
      %dma_start3A_71 = tpu.memref_slice %arg10[%add3A_31, %dma_start3A_70] : memref<10240x64xf32, #tpu.memory_space<vmem_shared>> -> memref<128x64xf32, #tpu.memory_space<vmem_shared>>
      %dma_start3A_72 = arith.constant 0 : i32
      %dma_start3A_73 = tpu.memref_slice %arg10[%add3A_31, %dma_start3A_72] : memref<10240x64xf32, #tpu.memory_space<vmem_shared>> -> memref<128x64xf32, #tpu.memory_space<vmem_shared>>
      tpu.enqueue_dma source(%arg9 : memref<128x64xf32, #tpu.memory_space<vmem>>) target(%dma_start3A_73 : memref<128x64xf32, #tpu.memory_space<vmem_shared>>) target_semaphore(%run_scoped3A : memref<!tpu.dma_semaphore, #tpu.memory_space<semaphore_mem>>)
      %dma_wait3A_74 = arith.constant 0 : i32
      %dma_wait3A_75 = tpu.memref_slice %arg10[%add3A_31, %dma_wait3A_74] : memref<10240x64xf32, #tpu.memory_space<vmem_shared>> -> memref<128x64xf32, #tpu.memory_space<vmem_shared>>
      %dma_wait3A_76 = arith.constant 0 : i32
      %dma_wait3A_77 = tpu.memref_slice %arg10[%add3A_31, %dma_wait3A_76] : memref<10240x64xf32, #tpu.memory_space<vmem_shared>> -> memref<128x64xf32, #tpu.memory_space<vmem_shared>>
      tpu.wait_dma2 semaphore(%run_scoped3A : memref<!tpu.dma_semaphore, #tpu.memory_space<semaphore_mem>>) src(%arg9 : memref<128x64xf32, #tpu.memory_space<vmem>>) dst(%dma_wait3A_77 : memref<128x64xf32, #tpu.memory_space<vmem_shared>>)
      tpu.yield
    }) : () -> ()
    %add3A_32 = arith.constant 256 : i32
    %add3A_33 = arith.addi %mul3A_28, %add3A_32 : i32
    "tpu.region"() ({
      %run_scoped3A = tpu.sem_alloc : memref<!tpu.dma_semaphore, #tpu.memory_space<semaphore_mem>>
      %dma_start3A_70 = arith.constant 0 : i32
      %dma_start3A_71 = tpu.memref_slice %arg10[%add3A_33, %dma_start3A_70] : memref<10240x64xf32, #tpu.memory_space<vmem_shared>> -> memref<128x64xf32, #tpu.memory_space<vmem_shared>>
      %dma_start3A_72 = arith.constant 0 : i32
      %dma_start3A_73 = tpu.memref_slice %arg10[%add3A_33, %dma_start3A_72] : memref<10240x64xf32, #tpu.memory_space<vmem_shared>> -> memref<128x64xf32, #tpu.memory_space<vmem_shared>>
      tpu.enqueue_dma source(%arg9 : memref<128x64xf32, #tpu.memory_space<vmem>>) target(%dma_start3A_73 : memref<128x64xf32, #tpu.memory_space<vmem_shared>>) target_semaphore(%run_scoped3A : memref<!tpu.dma_semaphore, #tpu.memory_space<semaphore_mem>>)
      %dma_wait3A_74 = arith.constant 0 : i32
      %dma_wait3A_75 = tpu.memref_slice %arg10[%add3A_33, %dma_wait3A_74] : memref<10240x64xf32, #tpu.memory_space<vmem_shared>> -> memref<128x64xf32, #tpu.memory_space<vmem_shared>>
      %dma_wait3A_76 = arith.constant 0 : i32
      %dma_wait3A_77 = tpu.memref_slice %arg10[%add3A_33, %dma_wait3A_76] : memref<10240x64xf32, #tpu.memory_space<vmem_shared>> -> memref<128x64xf32, #tpu.memory_space<vmem_shared>>
      tpu.wait_dma2 semaphore(%run_scoped3A : memref<!tpu.dma_semaphore, #tpu.memory_space<semaphore_mem>>) src(%arg9 : memref<128x64xf32, #tpu.memory_space<vmem>>) dst(%dma_wait3A_77 : memref<128x64xf32, #tpu.memory_space<vmem_shared>>)
      tpu.yield
    }) : () -> ()
    %add3A_34 = arith.constant 384 : i32
    %add3A_35 = arith.addi %mul3A_28, %add3A_34 : i32
    "tpu.region"() ({
      %run_scoped3A = tpu.sem_alloc : memref<!tpu.dma_semaphore, #tpu.memory_space<semaphore_mem>>
      %dma_start3A_70 = arith.constant 0 : i32
      %dma_start3A_71 = tpu.memref_slice %arg10[%add3A_35, %dma_start3A_70] : memref<10240x64xf32, #tpu.memory_space<vmem_shared>> -> memref<128x64xf32, #tpu.memory_space<vmem_shared>>
      %dma_start3A_72 = arith.constant 0 : i32
      %dma_start3A_73 = tpu.memref_slice %arg10[%add3A_35, %dma_start3A_72] : memref<10240x64xf32, #tpu.memory_space<vmem_shared>> -> memref<128x64xf32, #tpu.memory_space<vmem_shared>>
      tpu.enqueue_dma source(%arg9 : memref<128x64xf32, #tpu.memory_space<vmem>>) target(%dma_start3A_73 : memref<128x64xf32, #tpu.memory_space<vmem_shared>>) target_semaphore(%run_scoped3A : memref<!tpu.dma_semaphore, #tpu.memory_space<semaphore_mem>>)
      %dma_wait3A_74 = arith.constant 0 : i32
      %dma_wait3A_75 = tpu.memref_slice %arg10[%add3A_35, %dma_wait3A_74] : memref<10240x64xf32, #tpu.memory_space<vmem_shared>> -> memref<128x64xf32, #tpu.memory_space<vmem_shared>>
      %dma_wait3A_76 = arith.constant 0 : i32
      %dma_wait3A_77 = tpu.memref_slice %arg10[%add3A_35, %dma_wait3A_76] : memref<10240x64xf32, #tpu.memory_space<vmem_shared>> -> memref<128x64xf32, #tpu.memory_space<vmem_shared>>
      tpu.wait_dma2 semaphore(%run_scoped3A : memref<!tpu.dma_semaphore, #tpu.memory_space<semaphore_mem>>) src(%arg9 : memref<128x64xf32, #tpu.memory_space<vmem>>) dst(%dma_wait3A_77 : memref<128x64xf32, #tpu.memory_space<vmem_shared>>)
      tpu.yield
    }) : () -> ()
    %add3A_36 = arith.constant 512 : i32
    %add3A_37 = arith.addi %mul3A_28, %add3A_36 : i32
    "tpu.region"() ({
      %run_scoped3A = tpu.sem_alloc : memref<!tpu.dma_semaphore, #tpu.memory_space<semaphore_mem>>
      %dma_start3A_70 = arith.constant 0 : i32
      %dma_start3A_71 = tpu.memref_slice %arg10[%add3A_37, %dma_start3A_70] : memref<10240x64xf32, #tpu.memory_space<vmem_shared>> -> memref<128x64xf32, #tpu.memory_space<vmem_shared>>
      %dma_start3A_72 = arith.constant 0 : i32
      %dma_start3A_73 = tpu.memref_slice %arg10[%add3A_37, %dma_start3A_72] : memref<10240x64xf32, #tpu.memory_space<vmem_shared>> -> memref<128x64xf32, #tpu.memory_space<vmem_shared>>
      tpu.enqueue_dma source(%arg9 : memref<128x64xf32, #tpu.memory_space<vmem>>) target(%dma_start3A_73 : memref<128x64xf32, #tpu.memory_space<vmem_shared>>) target_semaphore(%run_scoped3A : memref<!tpu.dma_semaphore, #tpu.memory_space<semaphore_mem>>)
      %dma_wait3A_74 = arith.constant 0 : i32
      %dma_wait3A_75 = tpu.memref_slice %arg10[%add3A_37, %dma_wait3A_74] : memref<10240x64xf32, #tpu.memory_space<vmem_shared>> -> memref<128x64xf32, #tpu.memory_space<vmem_shared>>
      %dma_wait3A_76 = arith.constant 0 : i32
      %dma_wait3A_77 = tpu.memref_slice %arg10[%add3A_37, %dma_wait3A_76] : memref<10240x64xf32, #tpu.memory_space<vmem_shared>> -> memref<128x64xf32, #tpu.memory_space<vmem_shared>>
      tpu.wait_dma2 semaphore(%run_scoped3A : memref<!tpu.dma_semaphore, #tpu.memory_space<semaphore_mem>>) src(%arg9 : memref<128x64xf32, #tpu.memory_space<vmem>>) dst(%dma_wait3A_77 : memref<128x64xf32, #tpu.memory_space<vmem_shared>>)
      tpu.yield
    }) : () -> ()
    %barrier3A = arith.constant 0 : index
    tpu.barrier barrier_id(%barrier3A)
    %scan3A_38 = arith.constant 0 : i32
    %scan3A_39 = arith.constant 0 : i32
    %scan3A_40 = arith.constant 250 : i32
    %scan3A_41 = arith.addi %scan3A_39, %scan3A_40 : i32
    %scan3A_42 = arith.constant 1 : i32
    scf.for %scan3A_70 = %scan3A_39 to %scan3A_41 step %scan3A_42  : i32 {
      %jit3A = arith.constant 2 : i32
      %eq3A = arith.constant 0 : i32
      %eq3A_71 = arith.cmpi eq, %jit3A, %eq3A : i32
      %jit3A_72 = arith.constant 1 : i32
      %select_n3A = arith.select %eq3A_71, %jit3A_72, %jit3A : i32
      %rem3A = arith.remsi %scan3A_70, %select_n3A : i32
      %ne3A = arith.constant 0 : i32
      %ne3A_73 = arith.cmpi ne, %rem3A, %ne3A : i32
      %lt3A = arith.constant 0 : i32
      %lt3A_74 = arith.cmpi slt, %rem3A, %lt3A : i32
      %lt3A_75 = arith.constant 0 : i32
      %lt3A_76 = arith.cmpi slt, %select_n3A, %lt3A_75 : i32
      %ne3A_77 = arith.xori %lt3A_74, %lt3A_76 : i1
      %and3A = arith.andi %ne3A_77, %ne3A_73 : i1
      %add3A_78 = arith.addi %rem3A, %select_n3A : i32
      %select_n3A_79 = arith.select %and3A, %add3A_78, %rem3A : i32
      %eq3A_80 = arith.constant 0 : i32
      %eq3A_81 = arith.cmpi eq, %select_n3A_79, %eq3A_80 : i32
      %convert_element_type3A = arith.extui %eq3A_81 : i1 to i32
      %cond3A = arith.constant 0 : i32
      %cond3A_82 = arith.cmpi ne, %convert_element_type3A, %cond3A : i32
      scf.if %cond3A_82 {
        %dma_wait3A_188 = arith.constant 0 : i32
        %dma_wait3A_189 = arith.constant 0 : i32
        %dma_wait3A_190 = arith.constant 0 : i32
        %dma_wait3A_191 = arith.constant 0 : i32
        %dma_wait3A_192 = tpu.memref_slice %arg8[%dma_wait3A_189, %dma_wait3A_190, %dma_wait3A_191] : memref<4x80x64xf32, #tpu.memory_space<vmem>> -> memref<1x80x64xf32, #tpu.memory_space<vmem>>
        %dma_wait3A_193 = tpu.memref_squeeze %dma_wait3A_192 : memref<1x80x64xf32, #tpu.memory_space<vmem>> -> memref<80x64xf32, #tpu.memory_space<vmem>>
        %dma_wait3A_194 = arith.constant 0 : i32
        %dma_wait3A_195 = tpu.memref_slice %arg6[%dma_wait3A_188, %dma_wait3A_194] : memref<250x80xi32, #tpu.memory_space<vmem>> -> memref<1x80xi32, #tpu.memory_space<vmem>>
        %dma_wait3A_196 = tpu.memref_squeeze %dma_wait3A_195 : memref<1x80xi32, #tpu.memory_space<vmem>> -> memref<80xi32, #tpu.memory_space<vmem>>
        %dma_wait3A_197 = arith.constant 0 : i32
        %dma_wait3A_198 = arith.constant 0 : i32
        %dma_wait3A_199 = tpu.memref_slice %arg4[%dma_wait3A_197, %dma_wait3A_198] : memref<20000x64xf32, #tpu.memory_space<hbm>> -> memref<20000x64xf32, #tpu.memory_space<hbm>>
        tpu.wait_indirect_dma semaphore(%arg11 : memref<!tpu.dma_semaphore, #tpu.memory_space<semaphore_mem>>) src(%dma_wait3A_199 : memref<20000x64xf32, #tpu.memory_space<hbm>>) dst(%dma_wait3A_193 : memref<80x64xf32, #tpu.memory_space<vmem>>)
        %ge3A = arith.constant 2 : i32
        %ge3A_200 = arith.cmpi sge, %scan3A_70, %ge3A : i32
        %convert_element_type3A_201 = arith.extui %ge3A_200 : i1 to i32
        %cond3A_202 = arith.constant 0 : i32
        %cond3A_203 = arith.cmpi ne, %convert_element_type3A_201, %cond3A_202 : i32
        scf.if %cond3A_203 {
          %dma_wait3A_204 = arith.constant 0 : i32
          %dma_wait3A_205 = arith.constant 0 : i32
          %dma_wait3A_206 = arith.constant 0 : i32
          %dma_wait3A_207 = arith.constant 0 : i32
          %dma_wait3A_208 = tpu.memref_slice %arg8[%dma_wait3A_205, %dma_wait3A_206, %dma_wait3A_207] : memref<4x80x64xf32, #tpu.memory_space<vmem>> -> memref<1x80x64xf32, #tpu.memory_space<vmem>>
          %dma_wait3A_209 = tpu.memref_squeeze %dma_wait3A_208 : memref<1x80x64xf32, #tpu.memory_space<vmem>> -> memref<80x64xf32, #tpu.memory_space<vmem>>
          %dma_wait3A_210 = arith.constant 0 : i32
          %dma_wait3A_211 = tpu.memref_slice %arg6[%dma_wait3A_204, %dma_wait3A_210] : memref<250x80xi32, #tpu.memory_space<vmem>> -> memref<1x80xi32, #tpu.memory_space<vmem>>
          %dma_wait3A_212 = tpu.memref_squeeze %dma_wait3A_211 : memref<1x80xi32, #tpu.memory_space<vmem>> -> memref<80xi32, #tpu.memory_space<vmem>>
          %dma_wait3A_213 = arith.constant 0 : i32
          %dma_wait3A_214 = arith.constant 0 : i32
          %dma_wait3A_215 = tpu.memref_slice %arg4[%dma_wait3A_213, %dma_wait3A_214] : memref<20000x64xf32, #tpu.memory_space<hbm>> -> memref<20000x64xf32, #tpu.memory_space<hbm>>
          tpu.wait_indirect_dma semaphore(%arg13 : memref<!tpu.dma_semaphore, #tpu.memory_space<semaphore_mem>>) src(%dma_wait3A_215 : memref<20000x64xf32, #tpu.memory_space<hbm>>) dst(%dma_wait3A_209 : memref<80x64xf32, #tpu.memory_space<vmem>>)
        } else {
        }
      } else {
      }
      %jit3A_83 = arith.constant 2 : i32
      %eq3A_84 = arith.constant 0 : i32
      %eq3A_85 = arith.cmpi eq, %jit3A_83, %eq3A_84 : i32
      %jit3A_86 = arith.constant 1 : i32
      %select_n3A_87 = arith.select %eq3A_85, %jit3A_86, %jit3A_83 : i32
      %rem3A_88 = arith.remsi %scan3A_70, %select_n3A_87 : i32
      %ne3A_89 = arith.constant 0 : i32
      %ne3A_90 = arith.cmpi ne, %rem3A_88, %ne3A_89 : i32
      %lt3A_91 = arith.constant 0 : i32
      %lt3A_92 = arith.cmpi slt, %rem3A_88, %lt3A_91 : i32
      %lt3A_93 = arith.constant 0 : i32
      %lt3A_94 = arith.cmpi slt, %select_n3A_87, %lt3A_93 : i32
      %ne3A_95 = arith.xori %lt3A_92, %lt3A_94 : i1
      %and3A_96 = arith.andi %ne3A_95, %ne3A_90 : i1
      %add3A_97 = arith.addi %rem3A_88, %select_n3A_87 : i32
      %select_n3A_98 = arith.select %and3A_96, %add3A_97, %rem3A_88 : i32
      %eq3A_99 = arith.constant 1 : i32
      %eq3A_100 = arith.cmpi eq, %select_n3A_98, %eq3A_99 : i32
      %convert_element_type3A_101 = arith.extui %eq3A_100 : i1 to i32
      %cond3A_102 = arith.constant 0 : i32
      %cond3A_103 = arith.cmpi ne, %convert_element_type3A_101, %cond3A_102 : i32
      scf.if %cond3A_103 {
        %dma_wait3A_188 = arith.constant 0 : i32
        %dma_wait3A_189 = arith.constant 0 : i32
        %dma_wait3A_190 = arith.constant 0 : i32
        %dma_wait3A_191 = arith.constant 0 : i32
        %dma_wait3A_192 = tpu.memref_slice %arg8[%dma_wait3A_189, %dma_wait3A_190, %dma_wait3A_191] : memref<4x80x64xf32, #tpu.memory_space<vmem>> -> memref<1x80x64xf32, #tpu.memory_space<vmem>>
        %dma_wait3A_193 = tpu.memref_squeeze %dma_wait3A_192 : memref<1x80x64xf32, #tpu.memory_space<vmem>> -> memref<80x64xf32, #tpu.memory_space<vmem>>
        %dma_wait3A_194 = arith.constant 0 : i32
        %dma_wait3A_195 = tpu.memref_slice %arg6[%dma_wait3A_188, %dma_wait3A_194] : memref<250x80xi32, #tpu.memory_space<vmem>> -> memref<1x80xi32, #tpu.memory_space<vmem>>
        %dma_wait3A_196 = tpu.memref_squeeze %dma_wait3A_195 : memref<1x80xi32, #tpu.memory_space<vmem>> -> memref<80xi32, #tpu.memory_space<vmem>>
        %dma_wait3A_197 = arith.constant 0 : i32
        %dma_wait3A_198 = arith.constant 0 : i32
        %dma_wait3A_199 = tpu.memref_slice %arg4[%dma_wait3A_197, %dma_wait3A_198] : memref<20000x64xf32, #tpu.memory_space<hbm>> -> memref<20000x64xf32, #tpu.memory_space<hbm>>
        tpu.wait_indirect_dma semaphore(%arg12 : memref<!tpu.dma_semaphore, #tpu.memory_space<semaphore_mem>>) src(%dma_wait3A_199 : memref<20000x64xf32, #tpu.memory_space<hbm>>) dst(%dma_wait3A_193 : memref<80x64xf32, #tpu.memory_space<vmem>>)
        %ge3A = arith.constant 2 : i32
        %ge3A_200 = arith.cmpi sge, %scan3A_70, %ge3A : i32
        %convert_element_type3A_201 = arith.extui %ge3A_200 : i1 to i32
        %cond3A_202 = arith.constant 0 : i32
        %cond3A_203 = arith.cmpi ne, %convert_element_type3A_201, %cond3A_202 : i32
        scf.if %cond3A_203 {
          %dma_wait3A_204 = arith.constant 0 : i32
          %dma_wait3A_205 = arith.constant 0 : i32
          %dma_wait3A_206 = arith.constant 0 : i32
          %dma_wait3A_207 = arith.constant 0 : i32
          %dma_wait3A_208 = tpu.memref_slice %arg8[%dma_wait3A_205, %dma_wait3A_206, %dma_wait3A_207] : memref<4x80x64xf32, #tpu.memory_space<vmem>> -> memref<1x80x64xf32, #tpu.memory_space<vmem>>
          %dma_wait3A_209 = tpu.memref_squeeze %dma_wait3A_208 : memref<1x80x64xf32, #tpu.memory_space<vmem>> -> memref<80x64xf32, #tpu.memory_space<vmem>>
          %dma_wait3A_210 = arith.constant 0 : i32
          %dma_wait3A_211 = tpu.memref_slice %arg6[%dma_wait3A_204, %dma_wait3A_210] : memref<250x80xi32, #tpu.memory_space<vmem>> -> memref<1x80xi32, #tpu.memory_space<vmem>>
          %dma_wait3A_212 = tpu.memref_squeeze %dma_wait3A_211 : memref<1x80xi32, #tpu.memory_space<vmem>> -> memref<80xi32, #tpu.memory_space<vmem>>
          %dma_wait3A_213 = arith.constant 0 : i32
          %dma_wait3A_214 = arith.constant 0 : i32
          %dma_wait3A_215 = tpu.memref_slice %arg4[%dma_wait3A_213, %dma_wait3A_214] : memref<20000x64xf32, #tpu.memory_space<hbm>> -> memref<20000x64xf32, #tpu.memory_space<hbm>>
          tpu.wait_indirect_dma semaphore(%arg14 : memref<!tpu.dma_semaphore, #tpu.memory_space<semaphore_mem>>) src(%dma_wait3A_215 : memref<20000x64xf32, #tpu.memory_space<hbm>>) dst(%dma_wait3A_209 : memref<80x64xf32, #tpu.memory_space<vmem>>)
        } else {
        }
      } else {
      }
      %jit3A_104 = arith.constant 4 : i32
      %eq3A_105 = arith.constant 0 : i32
      %eq3A_106 = arith.cmpi eq, %jit3A_104, %eq3A_105 : i32
      %jit3A_107 = arith.constant 1 : i32
      %select_n3A_108 = arith.select %eq3A_106, %jit3A_107, %jit3A_104 : i32
      %rem3A_109 = arith.remsi %scan3A_70, %select_n3A_108 : i32
      %ne3A_110 = arith.constant 0 : i32
      %ne3A_111 = arith.cmpi ne, %rem3A_109, %ne3A_110 : i32
      %lt3A_112 = arith.constant 0 : i32
      %lt3A_113 = arith.cmpi slt, %rem3A_109, %lt3A_112 : i32
      %lt3A_114 = arith.constant 0 : i32
      %lt3A_115 = arith.cmpi slt, %select_n3A_108, %lt3A_114 : i32
      %ne3A_116 = arith.xori %lt3A_113, %lt3A_115 : i1
      %and3A_117 = arith.andi %ne3A_116, %ne3A_111 : i1
      %add3A_118 = arith.addi %rem3A_109, %select_n3A_108 : i32
      %select_n3A_119 = arith.select %and3A_117, %add3A_118, %rem3A_109 : i32
      %eq3A_120 = arith.constant 0 : i32
      %eq3A_121 = arith.cmpi eq, %select_n3A_119, %eq3A_120 : i32
      %convert_element_type3A_122 = arith.extui %eq3A_121 : i1 to i32
      %cond3A_123 = arith.constant 0 : i32
      %cond3A_124 = arith.cmpi ne, %convert_element_type3A_122, %cond3A_123 : i32
      scf.if %cond3A_124 {
        %dma_start3A_188 = arith.constant 0 : i32
        %dma_start3A_189 = arith.constant 0 : i32
        %dma_start3A_190 = arith.constant 0 : i32
        %dma_start3A_191 = tpu.memref_slice %arg8[%dma_start3A_188, %dma_start3A_189, %dma_start3A_190] : memref<4x80x64xf32, #tpu.memory_space<vmem>> -> memref<1x80x64xf32, #tpu.memory_space<vmem>>
        %dma_start3A_192 = tpu.memref_squeeze %dma_start3A_191 : memref<1x80x64xf32, #tpu.memory_space<vmem>> -> memref<80x64xf32, #tpu.memory_space<vmem>>
        %dma_start3A_193 = arith.constant 0 : i32
        %dma_start3A_194 = tpu.memref_slice %arg7[%scan3A_70, %dma_start3A_193] : memref<250x80xi32, #tpu.memory_space<vmem>> -> memref<1x80xi32, #tpu.memory_space<vmem>>
        %dma_start3A_195 = tpu.memref_squeeze %dma_start3A_194 : memref<1x80xi32, #tpu.memory_space<vmem>> -> memref<80xi32, #tpu.memory_space<vmem>>
        %dma_start3A_196 = arith.constant 0 : i32
        %dma_start3A_197 = arith.constant 0 : i32
        %dma_start3A_198 = tpu.memref_slice %arg10[%dma_start3A_196, %dma_start3A_197] : memref<10240x64xf32, #tpu.memory_space<vmem_shared>> -> memref<10240x64xf32, #tpu.memory_space<vmem_shared>>
        tpu.enqueue_indirect_dma source(%dma_start3A_192 : memref<80x64xf32, #tpu.memory_space<vmem>>) target(%dma_start3A_198 : memref<10240x64xf32, #tpu.memory_space<vmem_shared>>) offsets(%dma_start3A_195 : memref<80xi32, #tpu.memory_space<vmem>>) semaphore(%arg13 : memref<!tpu.dma_semaphore, #tpu.memory_space<semaphore_mem>>) {add = true}
        %add3A_199 = arith.constant 2 : i32
        %add3A_200 = arith.addi %scan3A_70, %add3A_199 : i32
        %lt3A_201 = arith.constant 250 : i32
        %lt3A_202 = arith.cmpi slt, %add3A_200, %lt3A_201 : i32
        %convert_element_type3A_203 = arith.extui %lt3A_202 : i1 to i32
        %cond3A_204 = arith.constant 0 : i32
        %cond3A_205 = arith.cmpi ne, %convert_element_type3A_203, %cond3A_204 : i32
        scf.if %cond3A_205 {
          %add3A_206 = arith.constant 2 : i32
          %add3A_207 = arith.addi %scan3A_70, %add3A_206 : i32
          %dma_start3A_208 = arith.constant 2 : i32
          %dma_start3A_209 = arith.constant 0 : i32
          %dma_start3A_210 = arith.constant 0 : i32
          %dma_start3A_211 = tpu.memref_slice %arg8[%dma_start3A_208, %dma_start3A_209, %dma_start3A_210] : memref<4x80x64xf32, #tpu.memory_space<vmem>> -> memref<1x80x64xf32, #tpu.memory_space<vmem>>
          %dma_start3A_212 = tpu.memref_squeeze %dma_start3A_211 : memref<1x80x64xf32, #tpu.memory_space<vmem>> -> memref<80x64xf32, #tpu.memory_space<vmem>>
          %dma_start3A_213 = arith.constant 0 : i32
          %dma_start3A_214 = tpu.memref_slice %arg6[%add3A_207, %dma_start3A_213] : memref<250x80xi32, #tpu.memory_space<vmem>> -> memref<1x80xi32, #tpu.memory_space<vmem>>
          %dma_start3A_215 = tpu.memref_squeeze %dma_start3A_214 : memref<1x80xi32, #tpu.memory_space<vmem>> -> memref<80xi32, #tpu.memory_space<vmem>>
          %dma_start3A_216 = arith.constant 0 : i32
          %dma_start3A_217 = arith.constant 0 : i32
          %dma_start3A_218 = tpu.memref_slice %arg4[%dma_start3A_216, %dma_start3A_217] : memref<20000x64xf32, #tpu.memory_space<hbm>> -> memref<20000x64xf32, #tpu.memory_space<hbm>>
          tpu.enqueue_indirect_dma source(%dma_start3A_218 : memref<20000x64xf32, #tpu.memory_space<hbm>>) target(%dma_start3A_212 : memref<80x64xf32, #tpu.memory_space<vmem>>) offsets(%dma_start3A_215 : memref<80xi32, #tpu.memory_space<vmem>>) semaphore(%arg11 : memref<!tpu.dma_semaphore, #tpu.memory_space<semaphore_mem>>)
        } else {
        }
      } else {
      }
      %jit3A_125 = arith.constant 4 : i32
      %eq3A_126 = arith.constant 0 : i32
      %eq3A_127 = arith.cmpi eq, %jit3A_125, %eq3A_126 : i32
      %jit3A_128 = arith.constant 1 : i32
      %select_n3A_129 = arith.select %eq3A_127, %jit3A_128, %jit3A_125 : i32
      %rem3A_130 = arith.remsi %scan3A_70, %select_n3A_129 : i32
      %ne3A_131 = arith.constant 0 : i32
      %ne3A_132 = arith.cmpi ne, %rem3A_130, %ne3A_131 : i32
      %lt3A_133 = arith.constant 0 : i32
      %lt3A_134 = arith.cmpi slt, %rem3A_130, %lt3A_133 : i32
      %lt3A_135 = arith.constant 0 : i32
      %lt3A_136 = arith.cmpi slt, %select_n3A_129, %lt3A_135 : i32
      %ne3A_137 = arith.xori %lt3A_134, %lt3A_136 : i1
      %and3A_138 = arith.andi %ne3A_137, %ne3A_132 : i1
      %add3A_139 = arith.addi %rem3A_130, %select_n3A_129 : i32
      %select_n3A_140 = arith.select %and3A_138, %add3A_139, %rem3A_130 : i32
      %eq3A_141 = arith.constant 1 : i32
      %eq3A_142 = arith.cmpi eq, %select_n3A_140, %eq3A_141 : i32
      %convert_element_type3A_143 = arith.extui %eq3A_142 : i1 to i32
      %cond3A_144 = arith.constant 0 : i32
      %cond3A_145 = arith.cmpi ne, %convert_element_type3A_143, %cond3A_144 : i32
      scf.if %cond3A_145 {
        %dma_start3A_188 = arith.constant 1 : i32
        %dma_start3A_189 = arith.constant 0 : i32
        %dma_start3A_190 = arith.constant 0 : i32
        %dma_start3A_191 = tpu.memref_slice %arg8[%dma_start3A_188, %dma_start3A_189, %dma_start3A_190] : memref<4x80x64xf32, #tpu.memory_space<vmem>> -> memref<1x80x64xf32, #tpu.memory_space<vmem>>
        %dma_start3A_192 = tpu.memref_squeeze %dma_start3A_191 : memref<1x80x64xf32, #tpu.memory_space<vmem>> -> memref<80x64xf32, #tpu.memory_space<vmem>>
        %dma_start3A_193 = arith.constant 0 : i32
        %dma_start3A_194 = tpu.memref_slice %arg7[%scan3A_70, %dma_start3A_193] : memref<250x80xi32, #tpu.memory_space<vmem>> -> memref<1x80xi32, #tpu.memory_space<vmem>>
        %dma_start3A_195 = tpu.memref_squeeze %dma_start3A_194 : memref<1x80xi32, #tpu.memory_space<vmem>> -> memref<80xi32, #tpu.memory_space<vmem>>
        %dma_start3A_196 = arith.constant 0 : i32
        %dma_start3A_197 = arith.constant 0 : i32
        %dma_start3A_198 = tpu.memref_slice %arg10[%dma_start3A_196, %dma_start3A_197] : memref<10240x64xf32, #tpu.memory_space<vmem_shared>> -> memref<10240x64xf32, #tpu.memory_space<vmem_shared>>
        tpu.enqueue_indirect_dma source(%dma_start3A_192 : memref<80x64xf32, #tpu.memory_space<vmem>>) target(%dma_start3A_198 : memref<10240x64xf32, #tpu.memory_space<vmem_shared>>) offsets(%dma_start3A_195 : memref<80xi32, #tpu.memory_space<vmem>>) semaphore(%arg14 : memref<!tpu.dma_semaphore, #tpu.memory_space<semaphore_mem>>) {add = true}
        %add3A_199 = arith.constant 2 : i32
        %add3A_200 = arith.addi %scan3A_70, %add3A_199 : i32
        %lt3A_201 = arith.constant 250 : i32
        %lt3A_202 = arith.cmpi slt, %add3A_200, %lt3A_201 : i32
        %convert_element_type3A_203 = arith.extui %lt3A_202 : i1 to i32
        %cond3A_204 = arith.constant 0 : i32
        %cond3A_205 = arith.cmpi ne, %convert_element_type3A_203, %cond3A_204 : i32
        scf.if %cond3A_205 {
          %add3A_206 = arith.constant 2 : i32
          %add3A_207 = arith.addi %scan3A_70, %add3A_206 : i32
          %dma_start3A_208 = arith.constant 3 : i32
          %dma_start3A_209 = arith.constant 0 : i32
          %dma_start3A_210 = arith.constant 0 : i32
          %dma_start3A_211 = tpu.memref_slice %arg8[%dma_start3A_208, %dma_start3A_209, %dma_start3A_210] : memref<4x80x64xf32, #tpu.memory_space<vmem>> -> memref<1x80x64xf32, #tpu.memory_space<vmem>>
          %dma_start3A_212 = tpu.memref_squeeze %dma_start3A_211 : memref<1x80x64xf32, #tpu.memory_space<vmem>> -> memref<80x64xf32, #tpu.memory_space<vmem>>
          %dma_start3A_213 = arith.constant 0 : i32
          %dma_start3A_214 = tpu.memref_slice %arg6[%add3A_207, %dma_start3A_213] : memref<250x80xi32, #tpu.memory_space<vmem>> -> memref<1x80xi32, #tpu.memory_space<vmem>>
          %dma_start3A_215 = tpu.memref_squeeze %dma_start3A_214 : memref<1x80xi32, #tpu.memory_space<vmem>> -> memref<80xi32, #tpu.memory_space<vmem>>
          %dma_start3A_216 = arith.constant 0 : i32
          %dma_start3A_217 = arith.constant 0 : i32
          %dma_start3A_218 = tpu.memref_slice %arg4[%dma_start3A_216, %dma_start3A_217] : memref<20000x64xf32, #tpu.memory_space<hbm>> -> memref<20000x64xf32, #tpu.memory_space<hbm>>
          tpu.enqueue_indirect_dma source(%dma_start3A_218 : memref<20000x64xf32, #tpu.memory_space<hbm>>) target(%dma_start3A_212 : memref<80x64xf32, #tpu.memory_space<vmem>>) offsets(%dma_start3A_215 : memref<80xi32, #tpu.memory_space<vmem>>) semaphore(%arg12 : memref<!tpu.dma_semaphore, #tpu.memory_space<semaphore_mem>>)
        } else {
        }
      } else {
      }
      %jit3A_146 = arith.constant 4 : i32
      %eq3A_147 = arith.constant 0 : i32
      %eq3A_148 = arith.cmpi eq, %jit3A_146, %eq3A_147 : i32
      %jit3A_149 = arith.constant 1 : i32
      %select_n3A_150 = arith.select %eq3A_148, %jit3A_149, %jit3A_146 : i32
      %rem3A_151 = arith.remsi %scan3A_70, %select_n3A_150 : i32
      %ne3A_152 = arith.constant 0 : i32
      %ne3A_153 = arith.cmpi ne, %rem3A_151, %ne3A_152 : i32
      %lt3A_154 = arith.constant 0 : i32
      %lt3A_155 = arith.cmpi slt, %rem3A_151, %lt3A_154 : i32
      %lt3A_156 = arith.constant 0 : i32
      %lt3A_157 = arith.cmpi slt, %select_n3A_150, %lt3A_156 : i32
      %ne3A_158 = arith.xori %lt3A_155, %lt3A_157 : i1
      %and3A_159 = arith.andi %ne3A_158, %ne3A_153 : i1
      %add3A_160 = arith.addi %rem3A_151, %select_n3A_150 : i32
      %select_n3A_161 = arith.select %and3A_159, %add3A_160, %rem3A_151 : i32
      %eq3A_162 = arith.constant 2 : i32
      %eq3A_163 = arith.cmpi eq, %select_n3A_161, %eq3A_162 : i32
      %convert_element_type3A_164 = arith.extui %eq3A_163 : i1 to i32
      %cond3A_165 = arith.constant 0 : i32
      %cond3A_166 = arith.cmpi ne, %convert_element_type3A_164, %cond3A_165 : i32
      scf.if %cond3A_166 {
        %dma_start3A_188 = arith.constant 2 : i32
        %dma_start3A_189 = arith.constant 0 : i32
        %dma_start3A_190 = arith.constant 0 : i32
        %dma_start3A_191 = tpu.memref_slice %arg8[%dma_start3A_188, %dma_start3A_189, %dma_start3A_190] : memref<4x80x64xf32, #tpu.memory_space<vmem>> -> memref<1x80x64xf32, #tpu.memory_space<vmem>>
        %dma_start3A_192 = tpu.memref_squeeze %dma_start3A_191 : memref<1x80x64xf32, #tpu.memory_space<vmem>> -> memref<80x64xf32, #tpu.memory_space<vmem>>
        %dma_start3A_193 = arith.constant 0 : i32
        %dma_start3A_194 = tpu.memref_slice %arg7[%scan3A_70, %dma_start3A_193] : memref<250x80xi32, #tpu.memory_space<vmem>> -> memref<1x80xi32, #tpu.memory_space<vmem>>
        %dma_start3A_195 = tpu.memref_squeeze %dma_start3A_194 : memref<1x80xi32, #tpu.memory_space<vmem>> -> memref<80xi32, #tpu.memory_space<vmem>>
        %dma_start3A_196 = arith.constant 0 : i32
        %dma_start3A_197 = arith.constant 0 : i32
        %dma_start3A_198 = tpu.memref_slice %arg10[%dma_start3A_196, %dma_start3A_197] : memref<10240x64xf32, #tpu.memory_space<vmem_shared>> -> memref<10240x64xf32, #tpu.memory_space<vmem_shared>>
        tpu.enqueue_indirect_dma source(%dma_start3A_192 : memref<80x64xf32, #tpu.memory_space<vmem>>) target(%dma_start3A_198 : memref<10240x64xf32, #tpu.memory_space<vmem_shared>>) offsets(%dma_start3A_195 : memref<80xi32, #tpu.memory_space<vmem>>) semaphore(%arg13 : memref<!tpu.dma_semaphore, #tpu.memory_space<semaphore_mem>>) {add = true}
        %add3A_199 = arith.constant 2 : i32
        %add3A_200 = arith.addi %scan3A_70, %add3A_199 : i32
        %lt3A_201 = arith.constant 250 : i32
        %lt3A_202 = arith.cmpi slt, %add3A_200, %lt3A_201 : i32
        %convert_element_type3A_203 = arith.extui %lt3A_202 : i1 to i32
        %cond3A_204 = arith.constant 0 : i32
        %cond3A_205 = arith.cmpi ne, %convert_element_type3A_203, %cond3A_204 : i32
        scf.if %cond3A_205 {
          %add3A_206 = arith.constant 2 : i32
          %add3A_207 = arith.addi %scan3A_70, %add3A_206 : i32
          %dma_start3A_208 = arith.constant 0 : i32
          %dma_start3A_209 = arith.constant 0 : i32
          %dma_start3A_210 = arith.constant 0 : i32
          %dma_start3A_211 = tpu.memref_slice %arg8[%dma_start3A_208, %dma_start3A_209, %dma_start3A_210] : memref<4x80x64xf32, #tpu.memory_space<vmem>> -> memref<1x80x64xf32, #tpu.memory_space<vmem>>
          %dma_start3A_212 = tpu.memref_squeeze %dma_start3A_211 : memref<1x80x64xf32, #tpu.memory_space<vmem>> -> memref<80x64xf32, #tpu.memory_space<vmem>>
          %dma_start3A_213 = arith.constant 0 : i32
          %dma_start3A_214 = tpu.memref_slice %arg6[%add3A_207, %dma_start3A_213] : memref<250x80xi32, #tpu.memory_space<vmem>> -> memref<1x80xi32, #tpu.memory_space<vmem>>
          %dma_start3A_215 = tpu.memref_squeeze %dma_start3A_214 : memref<1x80xi32, #tpu.memory_space<vmem>> -> memref<80xi32, #tpu.memory_space<vmem>>
          %dma_start3A_216 = arith.constant 0 : i32
          %dma_start3A_217 = arith.constant 0 : i32
          %dma_start3A_218 = tpu.memref_slice %arg4[%dma_start3A_216, %dma_start3A_217] : memref<20000x64xf32, #tpu.memory_space<hbm>> -> memref<20000x64xf32, #tpu.memory_space<hbm>>
          tpu.enqueue_indirect_dma source(%dma_start3A_218 : memref<20000x64xf32, #tpu.memory_space<hbm>>) target(%dma_start3A_212 : memref<80x64xf32, #tpu.memory_space<vmem>>) offsets(%dma_start3A_215 : memref<80xi32, #tpu.memory_space<vmem>>) semaphore(%arg11 : memref<!tpu.dma_semaphore, #tpu.memory_space<semaphore_mem>>)
        } else {
        }
      } else {
      }
      %jit3A_167 = arith.constant 4 : i32
      %eq3A_168 = arith.constant 0 : i32
      %eq3A_169 = arith.cmpi eq, %jit3A_167, %eq3A_168 : i32
      %jit3A_170 = arith.constant 1 : i32
      %select_n3A_171 = arith.select %eq3A_169, %jit3A_170, %jit3A_167 : i32
      %rem3A_172 = arith.remsi %scan3A_70, %select_n3A_171 : i32
      %ne3A_173 = arith.constant 0 : i32
      %ne3A_174 = arith.cmpi ne, %rem3A_172, %ne3A_173 : i32
      %lt3A_175 = arith.constant 0 : i32
      %lt3A_176 = arith.cmpi slt, %rem3A_172, %lt3A_175 : i32
      %lt3A_177 = arith.constant 0 : i32
      %lt3A_178 = arith.cmpi slt, %select_n3A_171, %lt3A_177 : i32
      %ne3A_179 = arith.xori %lt3A_176, %lt3A_178 : i1
      %and3A_180 = arith.andi %ne3A_179, %ne3A_174 : i1
      %add3A_181 = arith.addi %rem3A_172, %select_n3A_171 : i32
      %select_n3A_182 = arith.select %and3A_180, %add3A_181, %rem3A_172 : i32
      %eq3A_183 = arith.constant 3 : i32
      %eq3A_184 = arith.cmpi eq, %select_n3A_182, %eq3A_183 : i32
      %convert_element_type3A_185 = arith.extui %eq3A_184 : i1 to i32
      %cond3A_186 = arith.constant 0 : i32
      %cond3A_187 = arith.cmpi ne, %convert_element_type3A_185, %cond3A_186 : i32
      scf.if %cond3A_187 {
        %dma_start3A_188 = arith.constant 3 : i32
        %dma_start3A_189 = arith.constant 0 : i32
        %dma_start3A_190 = arith.constant 0 : i32
        %dma_start3A_191 = tpu.memref_slice %arg8[%dma_start3A_188, %dma_start3A_189, %dma_start3A_190] : memref<4x80x64xf32, #tpu.memory_space<vmem>> -> memref<1x80x64xf32, #tpu.memory_space<vmem>>
        %dma_start3A_192 = tpu.memref_squeeze %dma_start3A_191 : memref<1x80x64xf32, #tpu.memory_space<vmem>> -> memref<80x64xf32, #tpu.memory_space<vmem>>
        %dma_start3A_193 = arith.constant 0 : i32
        %dma_start3A_194 = tpu.memref_slice %arg7[%scan3A_70, %dma_start3A_193] : memref<250x80xi32, #tpu.memory_space<vmem>> -> memref<1x80xi32, #tpu.memory_space<vmem>>
        %dma_start3A_195 = tpu.memref_squeeze %dma_start3A_194 : memref<1x80xi32, #tpu.memory_space<vmem>> -> memref<80xi32, #tpu.memory_space<vmem>>
        %dma_start3A_196 = arith.constant 0 : i32
        %dma_start3A_197 = arith.constant 0 : i32
        %dma_start3A_198 = tpu.memref_slice %arg10[%dma_start3A_196, %dma_start3A_197] : memref<10240x64xf32, #tpu.memory_space<vmem_shared>> -> memref<10240x64xf32, #tpu.memory_space<vmem_shared>>
        tpu.enqueue_indirect_dma source(%dma_start3A_192 : memref<80x64xf32, #tpu.memory_space<vmem>>) target(%dma_start3A_198 : memref<10240x64xf32, #tpu.memory_space<vmem_shared>>) offsets(%dma_start3A_195 : memref<80xi32, #tpu.memory_space<vmem>>) semaphore(%arg14 : memref<!tpu.dma_semaphore, #tpu.memory_space<semaphore_mem>>) {add = true}
        %add3A_199 = arith.constant 2 : i32
        %add3A_200 = arith.addi %scan3A_70, %add3A_199 : i32
        %lt3A_201 = arith.constant 250 : i32
        %lt3A_202 = arith.cmpi slt, %add3A_200, %lt3A_201 : i32
        %convert_element_type3A_203 = arith.extui %lt3A_202 : i1 to i32
        %cond3A_204 = arith.constant 0 : i32
        %cond3A_205 = arith.cmpi ne, %convert_element_type3A_203, %cond3A_204 : i32
        scf.if %cond3A_205 {
          %add3A_206 = arith.constant 2 : i32
          %add3A_207 = arith.addi %scan3A_70, %add3A_206 : i32
          %dma_start3A_208 = arith.constant 1 : i32
          %dma_start3A_209 = arith.constant 0 : i32
          %dma_start3A_210 = arith.constant 0 : i32
          %dma_start3A_211 = tpu.memref_slice %arg8[%dma_start3A_208, %dma_start3A_209, %dma_start3A_210] : memref<4x80x64xf32, #tpu.memory_space<vmem>> -> memref<1x80x64xf32, #tpu.memory_space<vmem>>
          %dma_start3A_212 = tpu.memref_squeeze %dma_start3A_211 : memref<1x80x64xf32, #tpu.memory_space<vmem>> -> memref<80x64xf32, #tpu.memory_space<vmem>>
          %dma_start3A_213 = arith.constant 0 : i32
          %dma_start3A_214 = tpu.memref_slice %arg6[%add3A_207, %dma_start3A_213] : memref<250x80xi32, #tpu.memory_space<vmem>> -> memref<1x80xi32, #tpu.memory_space<vmem>>
          %dma_start3A_215 = tpu.memref_squeeze %dma_start3A_214 : memref<1x80xi32, #tpu.memory_space<vmem>> -> memref<80xi32, #tpu.memory_space<vmem>>
          %dma_start3A_216 = arith.constant 0 : i32
          %dma_start3A_217 = arith.constant 0 : i32
          %dma_start3A_218 = tpu.memref_slice %arg4[%dma_start3A_216, %dma_start3A_217] : memref<20000x64xf32, #tpu.memory_space<hbm>> -> memref<20000x64xf32, #tpu.memory_space<hbm>>
          tpu.enqueue_indirect_dma source(%dma_start3A_218 : memref<20000x64xf32, #tpu.memory_space<hbm>>) target(%dma_start3A_212 : memref<80x64xf32, #tpu.memory_space<vmem>>) offsets(%dma_start3A_215 : memref<80xi32, #tpu.memory_space<vmem>>) semaphore(%arg12 : memref<!tpu.dma_semaphore, #tpu.memory_space<semaphore_mem>>)
        } else {
        }
      } else {
      }
    }
    %scan3A_43 = arith.constant 250 : i32
    %dma_wait3A = arith.constant 0 : i32
    %dma_wait3A_44 = arith.constant 0 : i32
    %dma_wait3A_45 = arith.constant 0 : i32
    %dma_wait3A_46 = arith.constant 0 : i32
    %dma_wait3A_47 = tpu.memref_slice %arg8[%dma_wait3A_44, %dma_wait3A_45, %dma_wait3A_46] : memref<4x80x64xf32, #tpu.memory_space<vmem>> -> memref<1x80x64xf32, #tpu.memory_space<vmem>>
    %dma_wait3A_48 = tpu.memref_squeeze %dma_wait3A_47 : memref<1x80x64xf32, #tpu.memory_space<vmem>> -> memref<80x64xf32, #tpu.memory_space<vmem>>
    %dma_wait3A_49 = arith.constant 0 : i32
    %dma_wait3A_50 = tpu.memref_slice %arg6[%dma_wait3A, %dma_wait3A_49] : memref<250x80xi32, #tpu.memory_space<vmem>> -> memref<1x80xi32, #tpu.memory_space<vmem>>
    %dma_wait3A_51 = tpu.memref_squeeze %dma_wait3A_50 : memref<1x80xi32, #tpu.memory_space<vmem>> -> memref<80xi32, #tpu.memory_space<vmem>>
    %dma_wait3A_52 = arith.constant 0 : i32
    %dma_wait3A_53 = arith.constant 0 : i32
    %dma_wait3A_54 = tpu.memref_slice %arg4[%dma_wait3A_52, %dma_wait3A_53] : memref<20000x64xf32, #tpu.memory_space<hbm>> -> memref<20000x64xf32, #tpu.memory_space<hbm>>
    tpu.wait_indirect_dma semaphore(%arg13 : memref<!tpu.dma_semaphore, #tpu.memory_space<semaphore_mem>>) src(%dma_wait3A_54 : memref<20000x64xf32, #tpu.memory_space<hbm>>) dst(%dma_wait3A_48 : memref<80x64xf32, #tpu.memory_space<vmem>>)
    %dma_wait3A_55 = arith.constant 0 : i32
    %dma_wait3A_56 = arith.constant 0 : i32
    %dma_wait3A_57 = arith.constant 0 : i32
    %dma_wait3A_58 = arith.constant 0 : i32
    %dma_wait3A_59 = tpu.memref_slice %arg8[%dma_wait3A_56, %dma_wait3A_57, %dma_wait3A_58] : memref<4x80x64xf32, #tpu.memory_space<vmem>> -> memref<1x80x64xf32, #tpu.memory_space<vmem>>
    %dma_wait3A_60 = tpu.memref_squeeze %dma_wait3A_59 : memref<1x80x64xf32, #tpu.memory_space<vmem>> -> memref<80x64xf32, #tpu.memory_space<vmem>>
    %dma_wait3A_61 = arith.constant 0 : i32
    %dma_wait3A_62 = tpu.memref_slice %arg6[%dma_wait3A_55, %dma_wait3A_61] : memref<250x80xi32, #tpu.memory_space<vmem>> -> memref<1x80xi32, #tpu.memory_space<vmem>>
    %dma_wait3A_63 = tpu.memref_squeeze %dma_wait3A_62 : memref<1x80xi32, #tpu.memory_space<vmem>> -> memref<80xi32, #tpu.memory_space<vmem>>
    %dma_wait3A_64 = arith.constant 0 : i32
    %dma_wait3A_65 = arith.constant 0 : i32
    %dma_wait3A_66 = tpu.memref_slice %arg4[%dma_wait3A_64, %dma_wait3A_65] : memref<20000x64xf32, #tpu.memory_space<hbm>> -> memref<20000x64xf32, #tpu.memory_space<hbm>>
    tpu.wait_indirect_dma semaphore(%arg14 : memref<!tpu.dma_semaphore, #tpu.memory_space<semaphore_mem>>) src(%dma_wait3A_66 : memref<20000x64xf32, #tpu.memory_space<hbm>>) dst(%dma_wait3A_60 : memref<80x64xf32, #tpu.memory_space<vmem>>)
    %barrier3A_67 = arith.constant 0 : index
    tpu.barrier barrier_id(%barrier3A_67)
    %mul3A_68 = arith.constant 64 : i32
    %mul3A_69 = arith.muli %arg0, %mul3A_68 : i32
    "tpu.region"() ({
      %run_scoped3A = tpu.sem_alloc : memref<!tpu.dma_semaphore, #tpu.memory_space<semaphore_mem>>
      %dma_start3A_70 = tpu.memref_slice %arg5[%mul3A_28, %mul3A_69] : memref<10240x128xf32, #tpu.memory_space<hbm>> -> memref<640x64xf32, #tpu.memory_space<hbm>>
      %dma_start3A_71 = arith.constant 0 : i32
      %dma_start3A_72 = tpu.memref_slice %arg10[%mul3A_28, %dma_start3A_71] : memref<10240x64xf32, #tpu.memory_space<vmem_shared>> -> memref<640x64xf32, #tpu.memory_space<vmem_shared>>
      tpu.enqueue_dma source(%dma_start3A_72 : memref<640x64xf32, #tpu.memory_space<vmem_shared>>) target(%dma_start3A_70 : memref<640x64xf32, #tpu.memory_space<hbm>>) target_semaphore(%run_scoped3A : memref<!tpu.dma_semaphore, #tpu.memory_space<semaphore_mem>>)
      %dma_wait3A_73 = tpu.memref_slice %arg5[%mul3A_28, %mul3A_69] : memref<10240x128xf32, #tpu.memory_space<hbm>> -> memref<640x64xf32, #tpu.memory_space<hbm>>
      %dma_wait3A_74 = arith.constant 0 : i32
      %dma_wait3A_75 = tpu.memref_slice %arg10[%mul3A_28, %dma_wait3A_74] : memref<10240x64xf32, #tpu.memory_space<vmem_shared>> -> memref<640x64xf32, #tpu.memory_space<vmem_shared>>
      tpu.wait_dma2 semaphore(%run_scoped3A : memref<!tpu.dma_semaphore, #tpu.memory_space<semaphore_mem>>) src(%dma_wait3A_75 : memref<640x64xf32, #tpu.memory_space<vmem_shared>>) dst(%dma_wait3A_73 : memref<640x64xf32, #tpu.memory_space<hbm>>)
      tpu.yield
    }) : () -> ()
    return
  }
}

#map = affine_map<(d0, d1) -> (0, 0, 0)>
#map1 = affine_map<(d0, d1) -> (0, 0)>
module attributes {stable_mosaic.version = 14 : i64} {
  func.func @_deg_body(%arg0: i32, %arg1: i32, %arg2: memref<32x125x80xi32, #tpu.memory_space<hbm>>, %arg3: memref<10240x128xf32, #tpu.memory_space<hbm>>, %arg4: memref<125x80xi32, #tpu.memory_space<vmem>>, %arg5: memref<80x16xf32, #tpu.memory_space<vmem>>, %arg6: memref<128x16xf32, #tpu.memory_space<vmem>>, %arg7: memref<10240x16xf32, #tpu.memory_space<vmem_shared>>) attributes {dimension_semantics = [#tpu.dimension_semantics<core_parallel>, #tpu.dimension_semantics<subcore_parallel>], iteration_bounds = array<i64: 2, 16>, scalar_prefetch = 0 : i64, scratch_operands = 4 : i64, tpu.core_type = #tpu.core_type<sc_vector_subcore>, window_params = [{transform_indices = #map}, {transform_indices = #map1}]} {
    %mul3A = arith.constant 16 : i32
    %mul3A_0 = arith.muli %arg0, %mul3A : i32
    %add3A = arith.addi %mul3A_0, %arg1 : i32
    "tpu.region"() ({
      %run_scoped3A = tpu.sem_alloc : memref<!tpu.dma_semaphore, #tpu.memory_space<semaphore_mem>>
      %dma_start3A = arith.constant 0 : i32
      %dma_start3A_33 = arith.constant 0 : i32
      %dma_start3A_34 = tpu.memref_slice %arg2[%add3A, %dma_start3A, %dma_start3A_33] : memref<32x125x80xi32, #tpu.memory_space<hbm>> -> memref<1x125x80xi32, #tpu.memory_space<hbm>>
      %dma_start3A_35 = tpu.memref_squeeze %dma_start3A_34 : memref<1x125x80xi32, #tpu.memory_space<hbm>> -> memref<125x80xi32, #tpu.memory_space<hbm>>
      %dma_start3A_36 = arith.constant 0 : i32
      %dma_start3A_37 = arith.constant 0 : i32
      %dma_start3A_38 = tpu.memref_slice %arg2[%add3A, %dma_start3A_36, %dma_start3A_37] : memref<32x125x80xi32, #tpu.memory_space<hbm>> -> memref<1x125x80xi32, #tpu.memory_space<hbm>>
      %dma_start3A_39 = tpu.memref_squeeze %dma_start3A_38 : memref<1x125x80xi32, #tpu.memory_space<hbm>> -> memref<125x80xi32, #tpu.memory_space<hbm>>
      tpu.enqueue_dma source(%dma_start3A_39 : memref<125x80xi32, #tpu.memory_space<hbm>>) target(%arg4 : memref<125x80xi32, #tpu.memory_space<vmem>>) target_semaphore(%run_scoped3A : memref<!tpu.dma_semaphore, #tpu.memory_space<semaphore_mem>>)
      %dma_wait3A = arith.constant 0 : i32
      %dma_wait3A_40 = arith.constant 0 : i32
      %dma_wait3A_41 = tpu.memref_slice %arg2[%add3A, %dma_wait3A, %dma_wait3A_40] : memref<32x125x80xi32, #tpu.memory_space<hbm>> -> memref<1x125x80xi32, #tpu.memory_space<hbm>>
      %dma_wait3A_42 = tpu.memref_squeeze %dma_wait3A_41 : memref<1x125x80xi32, #tpu.memory_space<hbm>> -> memref<125x80xi32, #tpu.memory_space<hbm>>
      %dma_wait3A_43 = arith.constant 0 : i32
      %dma_wait3A_44 = arith.constant 0 : i32
      %dma_wait3A_45 = tpu.memref_slice %arg2[%add3A, %dma_wait3A_43, %dma_wait3A_44] : memref<32x125x80xi32, #tpu.memory_space<hbm>> -> memref<1x125x80xi32, #tpu.memory_space<hbm>>
      %dma_wait3A_46 = tpu.memref_squeeze %dma_wait3A_45 : memref<1x125x80xi32, #tpu.memory_space<hbm>> -> memref<125x80xi32, #tpu.memory_space<hbm>>
      tpu.wait_dma2 semaphore(%run_scoped3A : memref<!tpu.dma_semaphore, #tpu.memory_space<semaphore_mem>>) src(%dma_wait3A_46 : memref<125x80xi32, #tpu.memory_space<hbm>>) dst(%arg4 : memref<125x80xi32, #tpu.memory_space<vmem>>)
      tpu.yield
    }) : () -> ()
    %scan3A = arith.constant 0 : i32
    %scan3A_1 = arith.constant 0 : i32
    %scan3A_2 = arith.constant 128 : i32
    %scan3A_3 = arith.addi %scan3A_1, %scan3A_2 : i32
    %scan3A_4 = arith.constant 1 : i32
    scf.for %scan3A_33 = %scan3A_1 to %scan3A_3 step %scan3A_4  : i32 {
      %broadcast_in_dim3A = arith.constant 0.000000e+00 : f32
      %broadcast_in_dim3A_34 = vector.broadcast %broadcast_in_dim3A : f32 to vector<16xf32>
      %swap3A = arith.index_cast %scan3A_33 : i32 to index
      %swap3A_35 = arith.constant 0 : index
      %swap3A_36 = tpu.vector_load %arg6[%swap3A, %swap3A_35] {strides = array<i32>} : memref<128x16xf32, #tpu.memory_space<vmem>>, vector<1x16xf32>,
      %swap3A_37 = vector.shape_cast %swap3A_36 : vector<1x16xf32> to vector<16xf32>
      %swap3A_38 = vector.shape_cast %broadcast_in_dim3A_34 : vector<16xf32> to vector<1x16xf32>
      tpu.vector_store %arg6[%swap3A, %swap3A_35], %swap3A_38 {strides = array<i32>} : memref<128x16xf32, #tpu.memory_space<vmem>>, vector<1x16xf32>,
    }
    %scan3A_5 = arith.constant 128 : i32
    %scan3A_6 = arith.constant 0 : i32
    %scan3A_7 = arith.constant 0 : i32
    %scan3A_8 = arith.constant 80 : i32
    %scan3A_9 = arith.addi %scan3A_7, %scan3A_8 : i32
    %scan3A_10 = arith.constant 1 : i32
    scf.for %scan3A_33 = %scan3A_7 to %scan3A_9 step %scan3A_10  : i32 {
      %broadcast_in_dim3A = arith.constant 1.000000e+00 : f32
      %broadcast_in_dim3A_34 = vector.broadcast %broadcast_in_dim3A : f32 to vector<16xf32>
      %swap3A = arith.index_cast %scan3A_33 : i32 to index
      %swap3A_35 = arith.constant 0 : index
      %swap3A_36 = tpu.vector_load %arg5[%swap3A, %swap3A_35] {strides = array<i32>} : memref<80x16xf32, #tpu.memory_space<vmem>>, vector<1x16xf32>,
      %swap3A_37 = vector.shape_cast %swap3A_36 : vector<1x16xf32> to vector<16xf32>
      %swap3A_38 = vector.shape_cast %broadcast_in_dim3A_34 : vector<16xf32> to vector<1x16xf32>
      tpu.vector_store %arg5[%swap3A, %swap3A_35], %swap3A_38 {strides = array<i32>} : memref<80x16xf32, #tpu.memory_space<vmem>>, vector<1x16xf32>,
    }
    %scan3A_11 = arith.constant 80 : i32
    %mul3A_12 = arith.constant 640 : i32
    %mul3A_13 = arith.muli %arg1, %mul3A_12 : i32
    %add3A_14 = arith.constant 0 : i32
    %add3A_15 = arith.addi %mul3A_13, %add3A_14 : i32
    "tpu.region"() ({
      %run_scoped3A = tpu.sem_alloc : memref<!tpu.dma_semaphore, #tpu.memory_space<semaphore_mem>>
      %dma_start3A = arith.constant 0 : i32
      %dma_start3A_33 = tpu.memref_slice %arg7[%add3A_15, %dma_start3A] : memref<10240x16xf32, #tpu.memory_space<vmem_shared>> -> memref<128x16xf32, #tpu.memory_space<vmem_shared>>
      %dma_start3A_34 = arith.constant 0 : i32
      %dma_start3A_35 = tpu.memref_slice %arg7[%add3A_15, %dma_start3A_34] : memref<10240x16xf32, #tpu.memory_space<vmem_shared>> -> memref<128x16xf32, #tpu.memory_space<vmem_shared>>
      tpu.enqueue_dma source(%arg6 : memref<128x16xf32, #tpu.memory_space<vmem>>) target(%dma_start3A_35 : memref<128x16xf32, #tpu.memory_space<vmem_shared>>) target_semaphore(%run_scoped3A : memref<!tpu.dma_semaphore, #tpu.memory_space<semaphore_mem>>)
      %dma_wait3A = arith.constant 0 : i32
      %dma_wait3A_36 = tpu.memref_slice %arg7[%add3A_15, %dma_wait3A] : memref<10240x16xf32, #tpu.memory_space<vmem_shared>> -> memref<128x16xf32, #tpu.memory_space<vmem_shared>>
      %dma_wait3A_37 = arith.constant 0 : i32
      %dma_wait3A_38 = tpu.memref_slice %arg7[%add3A_15, %dma_wait3A_37] : memref<10240x16xf32, #tpu.memory_space<vmem_shared>> -> memref<128x16xf32, #tpu.memory_space<vmem_shared>>
      tpu.wait_dma2 semaphore(%run_scoped3A : memref<!tpu.dma_semaphore, #tpu.memory_space<semaphore_mem>>) src(%arg6 : memref<128x16xf32, #tpu.memory_space<vmem>>) dst(%dma_wait3A_38 : memref<128x16xf32, #tpu.memory_space<vmem_shared>>)
      tpu.yield
    }) : () -> ()
    %add3A_16 = arith.constant 128 : i32
    %add3A_17 = arith.addi %mul3A_13, %add3A_16 : i32
    "tpu.region"() ({
      %run_scoped3A = tpu.sem_alloc : memref<!tpu.dma_semaphore, #tpu.memory_space<semaphore_mem>>
      %dma_start3A = arith.constant 0 : i32
      %dma_start3A_33 = tpu.memref_slice %arg7[%add3A_17, %dma_start3A] : memref<10240x16xf32, #tpu.memory_space<vmem_shared>> -> memref<128x16xf32, #tpu.memory_space<vmem_shared>>
      %dma_start3A_34 = arith.constant 0 : i32
      %dma_start3A_35 = tpu.memref_slice %arg7[%add3A_17, %dma_start3A_34] : memref<10240x16xf32, #tpu.memory_space<vmem_shared>> -> memref<128x16xf32, #tpu.memory_space<vmem_shared>>
      tpu.enqueue_dma source(%arg6 : memref<128x16xf32, #tpu.memory_space<vmem>>) target(%dma_start3A_35 : memref<128x16xf32, #tpu.memory_space<vmem_shared>>) target_semaphore(%run_scoped3A : memref<!tpu.dma_semaphore, #tpu.memory_space<semaphore_mem>>)
      %dma_wait3A = arith.constant 0 : i32
      %dma_wait3A_36 = tpu.memref_slice %arg7[%add3A_17, %dma_wait3A] : memref<10240x16xf32, #tpu.memory_space<vmem_shared>> -> memref<128x16xf32, #tpu.memory_space<vmem_shared>>
      %dma_wait3A_37 = arith.constant 0 : i32
      %dma_wait3A_38 = tpu.memref_slice %arg7[%add3A_17, %dma_wait3A_37] : memref<10240x16xf32, #tpu.memory_space<vmem_shared>> -> memref<128x16xf32, #tpu.memory_space<vmem_shared>>
      tpu.wait_dma2 semaphore(%run_scoped3A : memref<!tpu.dma_semaphore, #tpu.memory_space<semaphore_mem>>) src(%arg6 : memref<128x16xf32, #tpu.memory_space<vmem>>) dst(%dma_wait3A_38 : memref<128x16xf32, #tpu.memory_space<vmem_shared>>)
      tpu.yield
    }) : () -> ()
    %add3A_18 = arith.constant 256 : i32
    %add3A_19 = arith.addi %mul3A_13, %add3A_18 : i32
    "tpu.region"() ({
      %run_scoped3A = tpu.sem_alloc : memref<!tpu.dma_semaphore, #tpu.memory_space<semaphore_mem>>
      %dma_start3A = arith.constant 0 : i32
      %dma_start3A_33 = tpu.memref_slice %arg7[%add3A_19, %dma_start3A] : memref<10240x16xf32, #tpu.memory_space<vmem_shared>> -> memref<128x16xf32, #tpu.memory_space<vmem_shared>>
      %dma_start3A_34 = arith.constant 0 : i32
      %dma_start3A_35 = tpu.memref_slice %arg7[%add3A_19, %dma_start3A_34] : memref<10240x16xf32, #tpu.memory_space<vmem_shared>> -> memref<128x16xf32, #tpu.memory_space<vmem_shared>>
      tpu.enqueue_dma source(%arg6 : memref<128x16xf32, #tpu.memory_space<vmem>>) target(%dma_start3A_35 : memref<128x16xf32, #tpu.memory_space<vmem_shared>>) target_semaphore(%run_scoped3A : memref<!tpu.dma_semaphore, #tpu.memory_space<semaphore_mem>>)
      %dma_wait3A = arith.constant 0 : i32
      %dma_wait3A_36 = tpu.memref_slice %arg7[%add3A_19, %dma_wait3A] : memref<10240x16xf32, #tpu.memory_space<vmem_shared>> -> memref<128x16xf32, #tpu.memory_space<vmem_shared>>
      %dma_wait3A_37 = arith.constant 0 : i32
      %dma_wait3A_38 = tpu.memref_slice %arg7[%add3A_19, %dma_wait3A_37] : memref<10240x16xf32, #tpu.memory_space<vmem_shared>> -> memref<128x16xf32, #tpu.memory_space<vmem_shared>>
      tpu.wait_dma2 semaphore(%run_scoped3A : memref<!tpu.dma_semaphore, #tpu.memory_space<semaphore_mem>>) src(%arg6 : memref<128x16xf32, #tpu.memory_space<vmem>>) dst(%dma_wait3A_38 : memref<128x16xf32, #tpu.memory_space<vmem_shared>>)
      tpu.yield
    }) : () -> ()
    %add3A_20 = arith.constant 384 : i32
    %add3A_21 = arith.addi %mul3A_13, %add3A_20 : i32
    "tpu.region"() ({
      %run_scoped3A = tpu.sem_alloc : memref<!tpu.dma_semaphore, #tpu.memory_space<semaphore_mem>>
      %dma_start3A = arith.constant 0 : i32
      %dma_start3A_33 = tpu.memref_slice %arg7[%add3A_21, %dma_start3A] : memref<10240x16xf32, #tpu.memory_space<vmem_shared>> -> memref<128x16xf32, #tpu.memory_space<vmem_shared>>
      %dma_start3A_34 = arith.constant 0 : i32
      %dma_start3A_35 = tpu.memref_slice %arg7[%add3A_21, %dma_start3A_34] : memref<10240x16xf32, #tpu.memory_space<vmem_shared>> -> memref<128x16xf32, #tpu.memory_space<vmem_shared>>
      tpu.enqueue_dma source(%arg6 : memref<128x16xf32, #tpu.memory_space<vmem>>) target(%dma_start3A_35 : memref<128x16xf32, #tpu.memory_space<vmem_shared>>) target_semaphore(%run_scoped3A : memref<!tpu.dma_semaphore, #tpu.memory_space<semaphore_mem>>)
      %dma_wait3A = arith.constant 0 : i32
      %dma_wait3A_36 = tpu.memref_slice %arg7[%add3A_21, %dma_wait3A] : memref<10240x16xf32, #tpu.memory_space<vmem_shared>> -> memref<128x16xf32, #tpu.memory_space<vmem_shared>>
      %dma_wait3A_37 = arith.constant 0 : i32
      %dma_wait3A_38 = tpu.memref_slice %arg7[%add3A_21, %dma_wait3A_37] : memref<10240x16xf32, #tpu.memory_space<vmem_shared>> -> memref<128x16xf32, #tpu.memory_space<vmem_shared>>
      tpu.wait_dma2 semaphore(%run_scoped3A : memref<!tpu.dma_semaphore, #tpu.memory_space<semaphore_mem>>) src(%arg6 : memref<128x16xf32, #tpu.memory_space<vmem>>) dst(%dma_wait3A_38 : memref<128x16xf32, #tpu.memory_space<vmem_shared>>)
      tpu.yield
    }) : () -> ()
    %add3A_22 = arith.constant 512 : i32
    %add3A_23 = arith.addi %mul3A_13, %add3A_22 : i32
    "tpu.region"() ({
      %run_scoped3A = tpu.sem_alloc : memref<!tpu.dma_semaphore, #tpu.memory_space<semaphore_mem>>
      %dma_start3A = arith.constant 0 : i32
      %dma_start3A_33 = tpu.memref_slice %arg7[%add3A_23, %dma_start3A] : memref<10240x16xf32, #tpu.memory_space<vmem_shared>> -> memref<128x16xf32, #tpu.memory_space<vmem_shared>>
      %dma_start3A_34 = arith.constant 0 : i32
      %dma_start3A_35 = tpu.memref_slice %arg7[%add3A_23, %dma_start3A_34] : memref<10240x16xf32, #tpu.memory_space<vmem_shared>> -> memref<128x16xf32, #tpu.memory_space<vmem_shared>>
      tpu.enqueue_dma source(%arg6 : memref<128x16xf32, #tpu.memory_space<vmem>>) target(%dma_start3A_35 : memref<128x16xf32, #tpu.memory_space<vmem_shared>>) target_semaphore(%run_scoped3A : memref<!tpu.dma_semaphore, #tpu.memory_space<semaphore_mem>>)
      %dma_wait3A = arith.constant 0 : i32
      %dma_wait3A_36 = tpu.memref_slice %arg7[%add3A_23, %dma_wait3A] : memref<10240x16xf32, #tpu.memory_space<vmem_shared>> -> memref<128x16xf32, #tpu.memory_space<vmem_shared>>
      %dma_wait3A_37 = arith.constant 0 : i32
      %dma_wait3A_38 = tpu.memref_slice %arg7[%add3A_23, %dma_wait3A_37] : memref<10240x16xf32, #tpu.memory_space<vmem_shared>> -> memref<128x16xf32, #tpu.memory_space<vmem_shared>>
      tpu.wait_dma2 semaphore(%run_scoped3A : memref<!tpu.dma_semaphore, #tpu.memory_space<semaphore_mem>>) src(%arg6 : memref<128x16xf32, #tpu.memory_space<vmem>>) dst(%dma_wait3A_38 : memref<128x16xf32, #tpu.memory_space<vmem_shared>>)
      tpu.yield
    }) : () -> ()
    %barrier3A = arith.constant 0 : index
    tpu.barrier barrier_id(%barrier3A)
    %scan3A_24 = arith.constant 0 : i32
    %scan3A_25 = arith.constant 0 : i32
    %scan3A_26 = arith.constant 125 : i32
    %scan3A_27 = arith.addi %scan3A_25, %scan3A_26 : i32
    %scan3A_28 = arith.constant 1 : i32
    scf.for %scan3A_33 = %scan3A_25 to %scan3A_27 step %scan3A_28  : i32 {
      "tpu.region"() ({
        %run_scoped3A = tpu.sem_alloc : memref<!tpu.dma_semaphore, #tpu.memory_space<semaphore_mem>>
        %dma_start3A = arith.constant 0 : i32
        %dma_start3A_34 = tpu.memref_slice %arg4[%scan3A_33, %dma_start3A] : memref<125x80xi32, #tpu.memory_space<vmem>> -> memref<1x80xi32, #tpu.memory_space<vmem>>
        %dma_start3A_35 = tpu.memref_squeeze %dma_start3A_34 : memref<1x80xi32, #tpu.memory_space<vmem>> -> memref<80xi32, #tpu.memory_space<vmem>>
        %dma_start3A_36 = arith.constant 0 : i32
        %dma_start3A_37 = arith.constant 0 : i32
        %dma_start3A_38 = tpu.memref_slice %arg7[%dma_start3A_36, %dma_start3A_37] : memref<10240x16xf32, #tpu.memory_space<vmem_shared>> -> memref<10240x16xf32, #tpu.memory_space<vmem_shared>>
        tpu.enqueue_indirect_dma source(%arg5 : memref<80x16xf32, #tpu.memory_space<vmem>>) target(%dma_start3A_38 : memref<10240x16xf32, #tpu.memory_space<vmem_shared>>) offsets(%dma_start3A_35 : memref<80xi32, #tpu.memory_space<vmem>>) semaphore(%run_scoped3A : memref<!tpu.dma_semaphore, #tpu.memory_space<semaphore_mem>>) {add = true}
        %dma_wait3A = arith.constant 0 : i32
        %dma_wait3A_39 = tpu.memref_slice %arg4[%scan3A_33, %dma_wait3A] : memref<125x80xi32, #tpu.memory_space<vmem>> -> memref<1x80xi32, #tpu.memory_space<vmem>>
        %dma_wait3A_40 = tpu.memref_squeeze %dma_wait3A_39 : memref<1x80xi32, #tpu.memory_space<vmem>> -> memref<80xi32, #tpu.memory_space<vmem>>
        %dma_wait3A_41 = arith.constant 0 : i32
        %dma_wait3A_42 = arith.constant 0 : i32
        %dma_wait3A_43 = tpu.memref_slice %arg7[%dma_wait3A_41, %dma_wait3A_42] : memref<10240x16xf32, #tpu.memory_space<vmem_shared>> -> memref<10240x16xf32, #tpu.memory_space<vmem_shared>>
        tpu.wait_indirect_dma semaphore(%run_scoped3A : memref<!tpu.dma_semaphore, #tpu.memory_space<semaphore_mem>>) src(%arg5 : memref<80x16xf32, #tpu.memory_space<vmem>>) dst(%dma_wait3A_43 : memref<10240x16xf32, #tpu.memory_space<vmem_shared>>)
        tpu.yield
      }) : () -> ()
    }
    %scan3A_29 = arith.constant 125 : i32
    %barrier3A_30 = arith.constant 0 : index
    tpu.barrier barrier_id(%barrier3A_30)
    %mul3A_31 = arith.constant 16 : i32
    %mul3A_32 = arith.muli %arg0, %mul3A_31 : i32
    "tpu.region"() ({
      %run_scoped3A = tpu.sem_alloc : memref<!tpu.dma_semaphore, #tpu.memory_space<semaphore_mem>>
      %dma_start3A = tpu.memref_slice %arg3[%mul3A_13, %mul3A_32] : memref<10240x128xf32, #tpu.memory_space<hbm>> -> memref<640x16xf32, #tpu.memory_space<hbm>>
      %dma_start3A_33 = arith.constant 0 : i32
      %dma_start3A_34 = tpu.memref_slice %arg7[%mul3A_13, %dma_start3A_33] : memref<10240x16xf32, #tpu.memory_space<vmem_shared>> -> memref<640x16xf32, #tpu.memory_space<vmem_shared>>
      tpu.enqueue_dma source(%dma_start3A_34 : memref<640x16xf32, #tpu.memory_space<vmem_shared>>) target(%dma_start3A : memref<640x16xf32, #tpu.memory_space<hbm>>) target_semaphore(%run_scoped3A : memref<!tpu.dma_semaphore, #tpu.memory_space<semaphore_mem>>)
      %dma_wait3A = tpu.memref_slice %arg3[%mul3A_13, %mul3A_32] : memref<10240x128xf32, #tpu.memory_space<hbm>> -> memref<640x16xf32, #tpu.memory_space<hbm>>
      %dma_wait3A_35 = arith.constant 0 : i32
      %dma_wait3A_36 = tpu.memref_slice %arg7[%mul3A_13, %dma_wait3A_35] : memref<10240x16xf32, #tpu.memory_space<vmem_shared>> -> memref<640x16xf32, #tpu.memory_space<vmem_shared>>
      tpu.wait_dma2 semaphore(%run_scoped3A : memref<!tpu.dma_semaphore, #tpu.memory_space<semaphore_mem>>) src(%dma_wait3A_36 : memref<640x16xf32, #tpu.memory_space<vmem_shared>>) dst(%dma_wait3A : memref<640x16xf32, #tpu.memory_space<hbm>>)
      tpu.yield
    }) : () -> ()
    return
  }
}

#map = affine_map<(d0, d1) -> (0, 0, 0, 0)>
#map1 = affine_map<(d0, d1) -> (0, 0, 0)>
#map2 = affine_map<(d0, d1) -> (0, 0)>
module attributes {stable_mosaic.version = 14 : i64} {
  func.func @_scatter_body(%arg0: i32, %arg1: i32, %arg2: memref<2x16x250x80xi32, #tpu.memory_space<hbm>>, %arg3: memref<16x250x80xi32, #tpu.memory_space<hbm>>, %arg4: memref<20000x64xf32, #tpu.memory_space<hbm>>, %arg5: memref<10240x128xf32, #tpu.memory_space<hbm>>, %arg6: memref<250x80xi32, #tpu.memory_space<vmem>>, %arg7: memref<250x80xi32, #tpu.memory_space<vmem>>, %arg8: memref<4x80x64xf32, #tpu.memory_space<vmem>>, %arg9: memref<128x64xf32, #tpu.memory_space<vmem>>, %arg10: memref<10240x64xf32, #tpu.memory_space<vmem_shared>>, %arg11: memref<!tpu.dma_semaphore, #tpu.memory_space<semaphore_mem>>, %arg12: memref<!tpu.dma_semaphore, #tpu.memory_space<semaphore_mem>>, %arg13: memref<!tpu.dma_semaphore, #tpu.memory_space<semaphore_mem>>, %arg14: memref<!tpu.dma_semaphore, #tpu.memory_space<semaphore_mem>>) attributes {dimension_semantics = [#tpu.dimension_semantics<core_parallel>, #tpu.dimension_semantics<subcore_parallel>], iteration_bounds = array<i64: 2, 16>, scalar_prefetch = 0 : i64, scratch_operands = 9 : i64, tpu.core_type = #tpu.core_type<sc_vector_subcore>, window_params = [{transform_indices = #map}, {transform_indices = #map1}, {transform_indices = #map2}, {transform_indices = #map2}]} {
    "tpu.region"() ({
      %run_scoped3A = tpu.sem_alloc : memref<!tpu.dma_semaphore, #tpu.memory_space<semaphore_mem>>
      %dma_start3A_70 = arith.constant 0 : i32
      %dma_start3A_71 = arith.constant 0 : i32
      %dma_start3A_72 = tpu.memref_slice %arg2[%arg0, %arg1, %dma_start3A_70, %dma_start3A_71] : memref<2x16x250x80xi32, #tpu.memory_space<hbm>> -> memref<1x1x250x80xi32, #tpu.memory_space<hbm>>
      %dma_start3A_73 = tpu.memref_squeeze %dma_start3A_72 : memref<1x1x250x80xi32, #tpu.memory_space<hbm>> -> memref<250x80xi32, #tpu.memory_space<hbm>>
      %dma_start3A_74 = arith.constant 0 : i32
      %dma_start3A_75 = arith.constant 0 : i32
      %dma_start3A_76 = tpu.memref_slice %arg2[%arg0, %arg1, %dma_start3A_74, %dma_start3A_75] : memref<2x16x250x80xi32, #tpu.memory_space<hbm>> -> memref<1x1x250x80xi32, #tpu.memory_space<hbm>>
      %dma_start3A_77 = tpu.memref_squeeze %dma_start3A_76 : memref<1x1x250x80xi32, #tpu.memory_space<hbm>> -> memref<250x80xi32, #tpu.memory_space<hbm>>
      tpu.enqueue_dma source(%dma_start3A_77 : memref<250x80xi32, #tpu.memory_space<hbm>>) target(%arg6 : memref<250x80xi32, #tpu.memory_space<vmem>>) target_semaphore(%run_scoped3A : memref<!tpu.dma_semaphore, #tpu.memory_space<semaphore_mem>>)
      %dma_wait3A_78 = arith.constant 0 : i32
      %dma_wait3A_79 = arith.constant 0 : i32
      %dma_wait3A_80 = tpu.memref_slice %arg2[%arg0, %arg1, %dma_wait3A_78, %dma_wait3A_79] : memref<2x16x250x80xi32, #tpu.memory_space<hbm>> -> memref<1x1x250x80xi32, #tpu.memory_space<hbm>>
      %dma_wait3A_81 = tpu.memref_squeeze %dma_wait3A_80 : memref<1x1x250x80xi32, #tpu.memory_space<hbm>> -> memref<250x80xi32, #tpu.memory_space<hbm>>
      %dma_wait3A_82 = arith.constant 0 : i32
      %dma_wait3A_83 = arith.constant 0 : i32
      %dma_wait3A_84 = tpu.memref_slice %arg2[%arg0, %arg1, %dma_wait3A_82, %dma_wait3A_83] : memref<2x16x250x80xi32, #tpu.memory_space<hbm>> -> memref<1x1x250x80xi32, #tpu.memory_space<hbm>>
      %dma_wait3A_85 = tpu.memref_squeeze %dma_wait3A_84 : memref<1x1x250x80xi32, #tpu.memory_space<hbm>> -> memref<250x80xi32, #tpu.memory_space<hbm>>
      tpu.wait_dma2 semaphore(%run_scoped3A : memref<!tpu.dma_semaphore, #tpu.memory_space<semaphore_mem>>) src(%dma_wait3A_85 : memref<250x80xi32, #tpu.memory_space<hbm>>) dst(%arg6 : memref<250x80xi32, #tpu.memory_space<vmem>>)
      tpu.yield
    }) : () -> ()
    %dma_start3A = arith.constant 0 : i32
    %dma_start3A_0 = arith.constant 0 : i32
    %dma_start3A_1 = arith.constant 0 : i32
    %dma_start3A_2 = arith.constant 0 : i32
    %dma_start3A_3 = tpu.memref_slice %arg8[%dma_start3A_0, %dma_start3A_1, %dma_start3A_2] : memref<4x80x64xf32, #tpu.memory_space<vmem>> -> memref<1x80x64xf32, #tpu.memory_space<vmem>>
    %dma_start3A_4 = tpu.memref_squeeze %dma_start3A_3 : memref<1x80x64xf32, #tpu.memory_space<vmem>> -> memref<80x64xf32, #tpu.memory_space<vmem>>
    %dma_start3A_5 = arith.constant 0 : i32
    %dma_start3A_6 = tpu.memref_slice %arg6[%dma_start3A, %dma_start3A_5] : memref<250x80xi32, #tpu.memory_space<vmem>> -> memref<1x80xi32, #tpu.memory_space<vmem>>
    %dma_start3A_7 = tpu.memref_squeeze %dma_start3A_6 : memref<1x80xi32, #tpu.memory_space<vmem>> -> memref<80xi32, #tpu.memory_space<vmem>>
    %dma_start3A_8 = arith.constant 0 : i32
    %dma_start3A_9 = arith.constant 0 : i32
    %dma_start3A_10 = tpu.memref_slice %arg4[%dma_start3A_8, %dma_start3A_9] : memref<20000x64xf32, #tpu.memory_space<hbm>> -> memref<20000x64xf32, #tpu.memory_space<hbm>>
    tpu.enqueue_indirect_dma source(%dma_start3A_10 : memref<20000x64xf32, #tpu.memory_space<hbm>>) target(%dma_start3A_4 : memref<80x64xf32, #tpu.memory_space<vmem>>) offsets(%dma_start3A_7 : memref<80xi32, #tpu.memory_space<vmem>>) semaphore(%arg11 : memref<!tpu.dma_semaphore, #tpu.memory_space<semaphore_mem>>)
    %dma_start3A_11 = arith.constant 1 : i32
    %dma_start3A_12 = arith.constant 1 : i32
    %dma_start3A_13 = arith.constant 0 : i32
    %dma_start3A_14 = arith.constant 0 : i32
    %dma_start3A_15 = tpu.memref_slice %arg8[%dma_start3A_12, %dma_start3A_13, %dma_start3A_14] : memref<4x80x64xf32, #tpu.memory_space<vmem>> -> memref<1x80x64xf32, #tpu.memory_space<vmem>>
    %dma_start3A_16 = tpu.memref_squeeze %dma_start3A_15 : memref<1x80x64xf32, #tpu.memory_space<vmem>> -> memref<80x64xf32, #tpu.memory_space<vmem>>
    %dma_start3A_17 = arith.constant 0 : i32
    %dma_start3A_18 = tpu.memref_slice %arg6[%dma_start3A_11, %dma_start3A_17] : memref<250x80xi32, #tpu.memory_space<vmem>> -> memref<1x80xi32, #tpu.memory_space<vmem>>
    %dma_start3A_19 = tpu.memref_squeeze %dma_start3A_18 : memref<1x80xi32, #tpu.memory_space<vmem>> -> memref<80xi32, #tpu.memory_space<vmem>>
    %dma_start3A_20 = arith.constant 0 : i32
    %dma_start3A_21 = arith.constant 0 : i32
    %dma_start3A_22 = tpu.memref_slice %arg4[%dma_start3A_20, %dma_start3A_21] : memref<20000x64xf32, #tpu.memory_space<hbm>> -> memref<20000x64xf32, #tpu.memory_space<hbm>>
    tpu.enqueue_indirect_dma source(%dma_start3A_22 : memref<20000x64xf32, #tpu.memory_space<hbm>>) target(%dma_start3A_16 : memref<80x64xf32, #tpu.memory_space<vmem>>) offsets(%dma_start3A_19 : memref<80xi32, #tpu.memory_space<vmem>>) semaphore(%arg12 : memref<!tpu.dma_semaphore, #tpu.memory_space<semaphore_mem>>)
    "tpu.region"() ({
      %run_scoped3A = tpu.sem_alloc : memref<!tpu.dma_semaphore, #tpu.memory_space<semaphore_mem>>
      %dma_start3A_70 = arith.constant 0 : i32
      %dma_start3A_71 = arith.constant 0 : i32
      %dma_start3A_72 = tpu.memref_slice %arg3[%arg1, %dma_start3A_70, %dma_start3A_71] : memref<16x250x80xi32, #tpu.memory_space<hbm>> -> memref<1x250x80xi32, #tpu.memory_space<hbm>>
      %dma_start3A_73 = tpu.memref_squeeze %dma_start3A_72 : memref<1x250x80xi32, #tpu.memory_space<hbm>> -> memref<250x80xi32, #tpu.memory_space<hbm>>
      %dma_start3A_74 = arith.constant 0 : i32
      %dma_start3A_75 = arith.constant 0 : i32
      %dma_start3A_76 = tpu.memref_slice %arg3[%arg1, %dma_start3A_74, %dma_start3A_75] : memref<16x250x80xi32, #tpu.memory_space<hbm>> -> memref<1x250x80xi32, #tpu.memory_space<hbm>>
      %dma_start3A_77 = tpu.memref_squeeze %dma_start3A_76 : memref<1x250x80xi32, #tpu.memory_space<hbm>> -> memref<250x80xi32, #tpu.memory_space<hbm>>
      tpu.enqueue_dma source(%dma_start3A_77 : memref<250x80xi32, #tpu.memory_space<hbm>>) target(%arg7 : memref<250x80xi32, #tpu.memory_space<vmem>>) target_semaphore(%run_scoped3A : memref<!tpu.dma_semaphore, #tpu.memory_space<semaphore_mem>>)
      %dma_wait3A_78 = arith.constant 0 : i32
      %dma_wait3A_79 = arith.constant 0 : i32
      %dma_wait3A_80 = tpu.memref_slice %arg3[%arg1, %dma_wait3A_78, %dma_wait3A_79] : memref<16x250x80xi32, #tpu.memory_space<hbm>> -> memref<1x250x80xi32, #tpu.memory_space<hbm>>
      %dma_wait3A_81 = tpu.memref_squeeze %dma_wait3A_80 : memref<1x250x80xi32, #tpu.memory_space<hbm>> -> memref<250x80xi32, #tpu.memory_space<hbm>>
      %dma_wait3A_82 = arith.constant 0 : i32
      %dma_wait3A_83 = arith.constant 0 : i32
      %dma_wait3A_84 = tpu.memref_slice %arg3[%arg1, %dma_wait3A_82, %dma_wait3A_83] : memref<16x250x80xi32, #tpu.memory_space<hbm>> -> memref<1x250x80xi32, #tpu.memory_space<hbm>>
      %dma_wait3A_85 = tpu.memref_squeeze %dma_wait3A_84 : memref<1x250x80xi32, #tpu.memory_space<hbm>> -> memref<250x80xi32, #tpu.memory_space<hbm>>
      tpu.wait_dma2 semaphore(%run_scoped3A : memref<!tpu.dma_semaphore, #tpu.memory_space<semaphore_mem>>) src(%dma_wait3A_85 : memref<250x80xi32, #tpu.memory_space<hbm>>) dst(%arg7 : memref<250x80xi32, #tpu.memory_space<vmem>>)
      tpu.yield
    }) : () -> ()
    %scan3A = arith.constant 0 : i32
    %scan3A_23 = arith.constant 0 : i32
    %scan3A_24 = arith.constant 512 : i32
    %scan3A_25 = arith.addi %scan3A_23, %scan3A_24 : i32
    %scan3A_26 = arith.constant 1 : i32
    scf.for %scan3A_70 = %scan3A_23 to %scan3A_25 step %scan3A_26  : i32 {
      %broadcast_in_dim3A = arith.constant 0.000000e+00 : f32
      %broadcast_in_dim3A_71 = vector.broadcast %broadcast_in_dim3A : f32 to vector<16xf32>
      %jit3A = arith.constant 4 : i32
      %div3A = arith.divsi %scan3A_70, %jit3A : i32
      %sign3A = arith.constant 0 : i32
      %sign3A_72 = arith.cmpi sgt, %scan3A_70, %sign3A : i32
      %sign3A_73 = arith.extui %sign3A_72 : i1 to i32
      %sign3A_74 = arith.constant 0 : i32
      %sign3A_75 = arith.cmpi slt, %scan3A_70, %sign3A_74 : i32
      %sign3A_76 = arith.extui %sign3A_75 : i1 to i32
      %sign3A_77 = arith.subi %sign3A_73, %sign3A_76 : i32
      %sign3A_78 = arith.constant 0 : i32
      %sign3A_79 = arith.cmpi sgt, %jit3A, %sign3A_78 : i32
      %sign3A_80 = arith.extui %sign3A_79 : i1 to i32
      %sign3A_81 = arith.constant 0 : i32
      %sign3A_82 = arith.cmpi slt, %jit3A, %sign3A_81 : i32
      %sign3A_83 = arith.extui %sign3A_82 : i1 to i32
      %sign3A_84 = arith.subi %sign3A_80, %sign3A_83 : i32
      %ne3A = arith.cmpi ne, %sign3A_77, %sign3A_84 : i32
      %rem3A = arith.remsi %scan3A_70, %jit3A : i32
      %ne3A_85 = arith.constant 0 : i32
      %ne3A_86 = arith.cmpi ne, %rem3A, %ne3A_85 : i32
      %and3A = arith.andi %ne3A, %ne3A_86 : i1
      %sub3A = arith.constant 1 : i32
      %sub3A_87 = arith.subi %div3A, %sub3A : i32
      %select_n3A = arith.select %and3A, %sub3A_87, %div3A : i32
      %jit3A_88 = arith.constant 4 : i32
      %eq3A = arith.constant 0 : i32
      %eq3A_89 = arith.cmpi eq, %jit3A_88, %eq3A : i32
      %jit3A_90 = arith.constant 1 : i32
      %select_n3A_91 = arith.select %eq3A_89, %jit3A_90, %jit3A_88 : i32
      %rem3A_92 = arith.remsi %scan3A_70, %select_n3A_91 : i32
      %ne3A_93 = arith.constant 0 : i32
      %ne3A_94 = arith.cmpi ne, %rem3A_92, %ne3A_93 : i32
      %lt3A = arith.constant 0 : i32
      %lt3A_95 = arith.cmpi slt, %rem3A_92, %lt3A : i32
      %lt3A_96 = arith.constant 0 : i32
      %lt3A_97 = arith.cmpi slt, %select_n3A_91, %lt3A_96 : i32
      %ne3A_98 = arith.xori %lt3A_95, %lt3A_97 : i1
      %and3A_99 = arith.andi %ne3A_98, %ne3A_94 : i1
      %add3A_100 = arith.addi %rem3A_92, %select_n3A_91 : i32
      %select_n3A_101 = arith.select %and3A_99, %add3A_100, %rem3A_92 : i32
      %mul3A_102 = arith.constant 16 : i32
      %mul3A_103 = arith.muli %select_n3A_101, %mul3A_102 : i32
      %swap3A = arith.index_cast %select_n3A : i32 to index
      %swap3A_104 = arith.index_cast %mul3A_103 : i32 to index
      %swap3A_105 = tpu.vector_load %arg9[%swap3A, %swap3A_104] {strides = array<i32>} : memref<128x64xf32, #tpu.memory_space<vmem>>, vector<1x16xf32>,
      %swap3A_106 = vector.shape_cast %swap3A_105 : vector<1x16xf32> to vector<16xf32>
      %swap3A_107 = vector.shape_cast %broadcast_in_dim3A_71 : vector<16xf32> to vector<1x16xf32>
      tpu.vector_store %arg9[%swap3A, %swap3A_104], %swap3A_107 {strides = array<i32>} : memref<128x64xf32, #tpu.memory_space<vmem>>, vector<1x16xf32>,
    }
    %scan3A_27 = arith.constant 512 : i32
    %mul3A = arith.constant 640 : i32
    %mul3A_28 = arith.muli %arg1, %mul3A : i32
    %add3A = arith.constant 0 : i32
    %add3A_29 = arith.addi %mul3A_28, %add3A : i32
    "tpu.region"() ({
      %run_scoped3A = tpu.sem_alloc : memref<!tpu.dma_semaphore, #tpu.memory_space<semaphore_mem>>
      %dma_start3A_70 = arith.constant 0 : i32
      %dma_start3A_71 = tpu.memref_slice %arg10[%add3A_29, %dma_start3A_70] : memref<10240x64xf32, #tpu.memory_space<vmem_shared>> -> memref<128x64xf32, #tpu.memory_space<vmem_shared>>
      %dma_start3A_72 = arith.constant 0 : i32
      %dma_start3A_73 = tpu.memref_slice %arg10[%add3A_29, %dma_start3A_72] : memref<10240x64xf32, #tpu.memory_space<vmem_shared>> -> memref<128x64xf32, #tpu.memory_space<vmem_shared>>
      tpu.enqueue_dma source(%arg9 : memref<128x64xf32, #tpu.memory_space<vmem>>) target(%dma_start3A_73 : memref<128x64xf32, #tpu.memory_space<vmem_shared>>) target_semaphore(%run_scoped3A : memref<!tpu.dma_semaphore, #tpu.memory_space<semaphore_mem>>)
      %dma_wait3A_74 = arith.constant 0 : i32
      %dma_wait3A_75 = tpu.memref_slice %arg10[%add3A_29, %dma_wait3A_74] : memref<10240x64xf32, #tpu.memory_space<vmem_shared>> -> memref<128x64xf32, #tpu.memory_space<vmem_shared>>
      %dma_wait3A_76 = arith.constant 0 : i32
      %dma_wait3A_77 = tpu.memref_slice %arg10[%add3A_29, %dma_wait3A_76] : memref<10240x64xf32, #tpu.memory_space<vmem_shared>> -> memref<128x64xf32, #tpu.memory_space<vmem_shared>>
      tpu.wait_dma2 semaphore(%run_scoped3A : memref<!tpu.dma_semaphore, #tpu.memory_space<semaphore_mem>>) src(%arg9 : memref<128x64xf32, #tpu.memory_space<vmem>>) dst(%dma_wait3A_77 : memref<128x64xf32, #tpu.memory_space<vmem_shared>>)
      tpu.yield
    }) : () -> ()
    %add3A_30 = arith.constant 128 : i32
    %add3A_31 = arith.addi %mul3A_28, %add3A_30 : i32
    "tpu.region"() ({
      %run_scoped3A = tpu.sem_alloc : memref<!tpu.dma_semaphore, #tpu.memory_space<semaphore_mem>>
      %dma_start3A_70 = arith.constant 0 : i32
      %dma_start3A_71 = tpu.memref_slice %arg10[%add3A_31, %dma_start3A_70] : memref<10240x64xf32, #tpu.memory_space<vmem_shared>> -> memref<128x64xf32, #tpu.memory_space<vmem_shared>>
      %dma_start3A_72 = arith.constant 0 : i32
      %dma_start3A_73 = tpu.memref_slice %arg10[%add3A_31, %dma_start3A_72] : memref<10240x64xf32, #tpu.memory_space<vmem_shared>> -> memref<128x64xf32, #tpu.memory_space<vmem_shared>>
      tpu.enqueue_dma source(%arg9 : memref<128x64xf32, #tpu.memory_space<vmem>>) target(%dma_start3A_73 : memref<128x64xf32, #tpu.memory_space<vmem_shared>>) target_semaphore(%run_scoped3A : memref<!tpu.dma_semaphore, #tpu.memory_space<semaphore_mem>>)
      %dma_wait3A_74 = arith.constant 0 : i32
      %dma_wait3A_75 = tpu.memref_slice %arg10[%add3A_31, %dma_wait3A_74] : memref<10240x64xf32, #tpu.memory_space<vmem_shared>> -> memref<128x64xf32, #tpu.memory_space<vmem_shared>>
      %dma_wait3A_76 = arith.constant 0 : i32
      %dma_wait3A_77 = tpu.memref_slice %arg10[%add3A_31, %dma_wait3A_76] : memref<10240x64xf32, #tpu.memory_space<vmem_shared>> -> memref<128x64xf32, #tpu.memory_space<vmem_shared>>
      tpu.wait_dma2 semaphore(%run_scoped3A : memref<!tpu.dma_semaphore, #tpu.memory_space<semaphore_mem>>) src(%arg9 : memref<128x64xf32, #tpu.memory_space<vmem>>) dst(%dma_wait3A_77 : memref<128x64xf32, #tpu.memory_space<vmem_shared>>)
      tpu.yield
    }) : () -> ()
    %add3A_32 = arith.constant 256 : i32
    %add3A_33 = arith.addi %mul3A_28, %add3A_32 : i32
    "tpu.region"() ({
      %run_scoped3A = tpu.sem_alloc : memref<!tpu.dma_semaphore, #tpu.memory_space<semaphore_mem>>
      %dma_start3A_70 = arith.constant 0 : i32
      %dma_start3A_71 = tpu.memref_slice %arg10[%add3A_33, %dma_start3A_70] : memref<10240x64xf32, #tpu.memory_space<vmem_shared>> -> memref<128x64xf32, #tpu.memory_space<vmem_shared>>
      %dma_start3A_72 = arith.constant 0 : i32
      %dma_start3A_73 = tpu.memref_slice %arg10[%add3A_33, %dma_start3A_72] : memref<10240x64xf32, #tpu.memory_space<vmem_shared>> -> memref<128x64xf32, #tpu.memory_space<vmem_shared>>
      tpu.enqueue_dma source(%arg9 : memref<128x64xf32, #tpu.memory_space<vmem>>) target(%dma_start3A_73 : memref<128x64xf32, #tpu.memory_space<vmem_shared>>) target_semaphore(%run_scoped3A : memref<!tpu.dma_semaphore, #tpu.memory_space<semaphore_mem>>)
      %dma_wait3A_74 = arith.constant 0 : i32
      %dma_wait3A_75 = tpu.memref_slice %arg10[%add3A_33, %dma_wait3A_74] : memref<10240x64xf32, #tpu.memory_space<vmem_shared>> -> memref<128x64xf32, #tpu.memory_space<vmem_shared>>
      %dma_wait3A_76 = arith.constant 0 : i32
      %dma_wait3A_77 = tpu.memref_slice %arg10[%add3A_33, %dma_wait3A_76] : memref<10240x64xf32, #tpu.memory_space<vmem_shared>> -> memref<128x64xf32, #tpu.memory_space<vmem_shared>>
      tpu.wait_dma2 semaphore(%run_scoped3A : memref<!tpu.dma_semaphore, #tpu.memory_space<semaphore_mem>>) src(%arg9 : memref<128x64xf32, #tpu.memory_space<vmem>>) dst(%dma_wait3A_77 : memref<128x64xf32, #tpu.memory_space<vmem_shared>>)
      tpu.yield
    }) : () -> ()
    %add3A_34 = arith.constant 384 : i32
    %add3A_35 = arith.addi %mul3A_28, %add3A_34 : i32
    "tpu.region"() ({
      %run_scoped3A = tpu.sem_alloc : memref<!tpu.dma_semaphore, #tpu.memory_space<semaphore_mem>>
      %dma_start3A_70 = arith.constant 0 : i32
      %dma_start3A_71 = tpu.memref_slice %arg10[%add3A_35, %dma_start3A_70] : memref<10240x64xf32, #tpu.memory_space<vmem_shared>> -> memref<128x64xf32, #tpu.memory_space<vmem_shared>>
      %dma_start3A_72 = arith.constant 0 : i32
      %dma_start3A_73 = tpu.memref_slice %arg10[%add3A_35, %dma_start3A_72] : memref<10240x64xf32, #tpu.memory_space<vmem_shared>> -> memref<128x64xf32, #tpu.memory_space<vmem_shared>>
      tpu.enqueue_dma source(%arg9 : memref<128x64xf32, #tpu.memory_space<vmem>>) target(%dma_start3A_73 : memref<128x64xf32, #tpu.memory_space<vmem_shared>>) target_semaphore(%run_scoped3A : memref<!tpu.dma_semaphore, #tpu.memory_space<semaphore_mem>>)
      %dma_wait3A_74 = arith.constant 0 : i32
      %dma_wait3A_75 = tpu.memref_slice %arg10[%add3A_35, %dma_wait3A_74] : memref<10240x64xf32, #tpu.memory_space<vmem_shared>> -> memref<128x64xf32, #tpu.memory_space<vmem_shared>>
      %dma_wait3A_76 = arith.constant 0 : i32
      %dma_wait3A_77 = tpu.memref_slice %arg10[%add3A_35, %dma_wait3A_76] : memref<10240x64xf32, #tpu.memory_space<vmem_shared>> -> memref<128x64xf32, #tpu.memory_space<vmem_shared>>
      tpu.wait_dma2 semaphore(%run_scoped3A : memref<!tpu.dma_semaphore, #tpu.memory_space<semaphore_mem>>) src(%arg9 : memref<128x64xf32, #tpu.memory_space<vmem>>) dst(%dma_wait3A_77 : memref<128x64xf32, #tpu.memory_space<vmem_shared>>)
      tpu.yield
    }) : () -> ()
    %add3A_36 = arith.constant 512 : i32
    %add3A_37 = arith.addi %mul3A_28, %add3A_36 : i32
    "tpu.region"() ({
      %run_scoped3A = tpu.sem_alloc : memref<!tpu.dma_semaphore, #tpu.memory_space<semaphore_mem>>
      %dma_start3A_70 = arith.constant 0 : i32
      %dma_start3A_71 = tpu.memref_slice %arg10[%add3A_37, %dma_start3A_70] : memref<10240x64xf32, #tpu.memory_space<vmem_shared>> -> memref<128x64xf32, #tpu.memory_space<vmem_shared>>
      %dma_start3A_72 = arith.constant 0 : i32
      %dma_start3A_73 = tpu.memref_slice %arg10[%add3A_37, %dma_start3A_72] : memref<10240x64xf32, #tpu.memory_space<vmem_shared>> -> memref<128x64xf32, #tpu.memory_space<vmem_shared>>
      tpu.enqueue_dma source(%arg9 : memref<128x64xf32, #tpu.memory_space<vmem>>) target(%dma_start3A_73 : memref<128x64xf32, #tpu.memory_space<vmem_shared>>) target_semaphore(%run_scoped3A : memref<!tpu.dma_semaphore, #tpu.memory_space<semaphore_mem>>)
      %dma_wait3A_74 = arith.constant 0 : i32
      %dma_wait3A_75 = tpu.memref_slice %arg10[%add3A_37, %dma_wait3A_74] : memref<10240x64xf32, #tpu.memory_space<vmem_shared>> -> memref<128x64xf32, #tpu.memory_space<vmem_shared>>
      %dma_wait3A_76 = arith.constant 0 : i32
      %dma_wait3A_77 = tpu.memref_slice %arg10[%add3A_37, %dma_wait3A_76] : memref<10240x64xf32, #tpu.memory_space<vmem_shared>> -> memref<128x64xf32, #tpu.memory_space<vmem_shared>>
      tpu.wait_dma2 semaphore(%run_scoped3A : memref<!tpu.dma_semaphore, #tpu.memory_space<semaphore_mem>>) src(%arg9 : memref<128x64xf32, #tpu.memory_space<vmem>>) dst(%dma_wait3A_77 : memref<128x64xf32, #tpu.memory_space<vmem_shared>>)
      tpu.yield
    }) : () -> ()
    %barrier3A = arith.constant 0 : index
    tpu.barrier barrier_id(%barrier3A)
    %scan3A_38 = arith.constant 0 : i32
    %scan3A_39 = arith.constant 0 : i32
    %scan3A_40 = arith.constant 250 : i32
    %scan3A_41 = arith.addi %scan3A_39, %scan3A_40 : i32
    %scan3A_42 = arith.constant 1 : i32
    scf.for %scan3A_70 = %scan3A_39 to %scan3A_41 step %scan3A_42  : i32 {
      %jit3A = arith.constant 2 : i32
      %eq3A = arith.constant 0 : i32
      %eq3A_71 = arith.cmpi eq, %jit3A, %eq3A : i32
      %jit3A_72 = arith.constant 1 : i32
      %select_n3A = arith.select %eq3A_71, %jit3A_72, %jit3A : i32
      %rem3A = arith.remsi %scan3A_70, %select_n3A : i32
      %ne3A = arith.constant 0 : i32
      %ne3A_73 = arith.cmpi ne, %rem3A, %ne3A : i32
      %lt3A = arith.constant 0 : i32
      %lt3A_74 = arith.cmpi slt, %rem3A, %lt3A : i32
      %lt3A_75 = arith.constant 0 : i32
      %lt3A_76 = arith.cmpi slt, %select_n3A, %lt3A_75 : i32
      %ne3A_77 = arith.xori %lt3A_74, %lt3A_76 : i1
      %and3A = arith.andi %ne3A_77, %ne3A_73 : i1
      %add3A_78 = arith.addi %rem3A, %select_n3A : i32
      %select_n3A_79 = arith.select %and3A, %add3A_78, %rem3A : i32
      %eq3A_80 = arith.constant 0 : i32
      %eq3A_81 = arith.cmpi eq, %select_n3A_79, %eq3A_80 : i32
      %convert_element_type3A = arith.extui %eq3A_81 : i1 to i32
      %cond3A = arith.constant 0 : i32
      %cond3A_82 = arith.cmpi ne, %convert_element_type3A, %cond3A : i32
      scf.if %cond3A_82 {
        %dma_wait3A_188 = arith.constant 0 : i32
        %dma_wait3A_189 = arith.constant 0 : i32
        %dma_wait3A_190 = arith.constant 0 : i32
        %dma_wait3A_191 = arith.constant 0 : i32
        %dma_wait3A_192 = tpu.memref_slice %arg8[%dma_wait3A_189, %dma_wait3A_190, %dma_wait3A_191] : memref<4x80x64xf32, #tpu.memory_space<vmem>> -> memref<1x80x64xf32, #tpu.memory_space<vmem>>
        %dma_wait3A_193 = tpu.memref_squeeze %dma_wait3A_192 : memref<1x80x64xf32, #tpu.memory_space<vmem>> -> memref<80x64xf32, #tpu.memory_space<vmem>>
        %dma_wait3A_194 = arith.constant 0 : i32
        %dma_wait3A_195 = tpu.memref_slice %arg6[%dma_wait3A_188, %dma_wait3A_194] : memref<250x80xi32, #tpu.memory_space<vmem>> -> memref<1x80xi32, #tpu.memory_space<vmem>>
        %dma_wait3A_196 = tpu.memref_squeeze %dma_wait3A_195 : memref<1x80xi32, #tpu.memory_space<vmem>> -> memref<80xi32, #tpu.memory_space<vmem>>
        %dma_wait3A_197 = arith.constant 0 : i32
        %dma_wait3A_198 = arith.constant 0 : i32
        %dma_wait3A_199 = tpu.memref_slice %arg4[%dma_wait3A_197, %dma_wait3A_198] : memref<20000x64xf32, #tpu.memory_space<hbm>> -> memref<20000x64xf32, #tpu.memory_space<hbm>>
        tpu.wait_indirect_dma semaphore(%arg11 : memref<!tpu.dma_semaphore, #tpu.memory_space<semaphore_mem>>) src(%dma_wait3A_199 : memref<20000x64xf32, #tpu.memory_space<hbm>>) dst(%dma_wait3A_193 : memref<80x64xf32, #tpu.memory_space<vmem>>)
        %ge3A = arith.constant 2 : i32
        %ge3A_200 = arith.cmpi sge, %scan3A_70, %ge3A : i32
        %convert_element_type3A_201 = arith.extui %ge3A_200 : i1 to i32
        %cond3A_202 = arith.constant 0 : i32
        %cond3A_203 = arith.cmpi ne, %convert_element_type3A_201, %cond3A_202 : i32
        scf.if %cond3A_203 {
          %dma_wait3A_204 = arith.constant 0 : i32
          %dma_wait3A_205 = arith.constant 0 : i32
          %dma_wait3A_206 = arith.constant 0 : i32
          %dma_wait3A_207 = arith.constant 0 : i32
          %dma_wait3A_208 = tpu.memref_slice %arg8[%dma_wait3A_205, %dma_wait3A_206, %dma_wait3A_207] : memref<4x80x64xf32, #tpu.memory_space<vmem>> -> memref<1x80x64xf32, #tpu.memory_space<vmem>>
          %dma_wait3A_209 = tpu.memref_squeeze %dma_wait3A_208 : memref<1x80x64xf32, #tpu.memory_space<vmem>> -> memref<80x64xf32, #tpu.memory_space<vmem>>
          %dma_wait3A_210 = arith.constant 0 : i32
          %dma_wait3A_211 = tpu.memref_slice %arg6[%dma_wait3A_204, %dma_wait3A_210] : memref<250x80xi32, #tpu.memory_space<vmem>> -> memref<1x80xi32, #tpu.memory_space<vmem>>
          %dma_wait3A_212 = tpu.memref_squeeze %dma_wait3A_211 : memref<1x80xi32, #tpu.memory_space<vmem>> -> memref<80xi32, #tpu.memory_space<vmem>>
          %dma_wait3A_213 = arith.constant 0 : i32
          %dma_wait3A_214 = arith.constant 0 : i32
          %dma_wait3A_215 = tpu.memref_slice %arg4[%dma_wait3A_213, %dma_wait3A_214] : memref<20000x64xf32, #tpu.memory_space<hbm>> -> memref<20000x64xf32, #tpu.memory_space<hbm>>
          tpu.wait_indirect_dma semaphore(%arg13 : memref<!tpu.dma_semaphore, #tpu.memory_space<semaphore_mem>>) src(%dma_wait3A_215 : memref<20000x64xf32, #tpu.memory_space<hbm>>) dst(%dma_wait3A_209 : memref<80x64xf32, #tpu.memory_space<vmem>>)
        } else {
        }
      } else {
      }
      %jit3A_83 = arith.constant 2 : i32
      %eq3A_84 = arith.constant 0 : i32
      %eq3A_85 = arith.cmpi eq, %jit3A_83, %eq3A_84 : i32
      %jit3A_86 = arith.constant 1 : i32
      %select_n3A_87 = arith.select %eq3A_85, %jit3A_86, %jit3A_83 : i32
      %rem3A_88 = arith.remsi %scan3A_70, %select_n3A_87 : i32
      %ne3A_89 = arith.constant 0 : i32
      %ne3A_90 = arith.cmpi ne, %rem3A_88, %ne3A_89 : i32
      %lt3A_91 = arith.constant 0 : i32
      %lt3A_92 = arith.cmpi slt, %rem3A_88, %lt3A_91 : i32
      %lt3A_93 = arith.constant 0 : i32
      %lt3A_94 = arith.cmpi slt, %select_n3A_87, %lt3A_93 : i32
      %ne3A_95 = arith.xori %lt3A_92, %lt3A_94 : i1
      %and3A_96 = arith.andi %ne3A_95, %ne3A_90 : i1
      %add3A_97 = arith.addi %rem3A_88, %select_n3A_87 : i32
      %select_n3A_98 = arith.select %and3A_96, %add3A_97, %rem3A_88 : i32
      %eq3A_99 = arith.constant 1 : i32
      %eq3A_100 = arith.cmpi eq, %select_n3A_98, %eq3A_99 : i32
      %convert_element_type3A_101 = arith.extui %eq3A_100 : i1 to i32
      %cond3A_102 = arith.constant 0 : i32
      %cond3A_103 = arith.cmpi ne, %convert_element_type3A_101, %cond3A_102 : i32
      scf.if %cond3A_103 {
        %dma_wait3A_188 = arith.constant 0 : i32
        %dma_wait3A_189 = arith.constant 0 : i32
        %dma_wait3A_190 = arith.constant 0 : i32
        %dma_wait3A_191 = arith.constant 0 : i32
        %dma_wait3A_192 = tpu.memref_slice %arg8[%dma_wait3A_189, %dma_wait3A_190, %dma_wait3A_191] : memref<4x80x64xf32, #tpu.memory_space<vmem>> -> memref<1x80x64xf32, #tpu.memory_space<vmem>>
        %dma_wait3A_193 = tpu.memref_squeeze %dma_wait3A_192 : memref<1x80x64xf32, #tpu.memory_space<vmem>> -> memref<80x64xf32, #tpu.memory_space<vmem>>
        %dma_wait3A_194 = arith.constant 0 : i32
        %dma_wait3A_195 = tpu.memref_slice %arg6[%dma_wait3A_188, %dma_wait3A_194] : memref<250x80xi32, #tpu.memory_space<vmem>> -> memref<1x80xi32, #tpu.memory_space<vmem>>
        %dma_wait3A_196 = tpu.memref_squeeze %dma_wait3A_195 : memref<1x80xi32, #tpu.memory_space<vmem>> -> memref<80xi32, #tpu.memory_space<vmem>>
        %dma_wait3A_197 = arith.constant 0 : i32
        %dma_wait3A_198 = arith.constant 0 : i32
        %dma_wait3A_199 = tpu.memref_slice %arg4[%dma_wait3A_197, %dma_wait3A_198] : memref<20000x64xf32, #tpu.memory_space<hbm>> -> memref<20000x64xf32, #tpu.memory_space<hbm>>
        tpu.wait_indirect_dma semaphore(%arg12 : memref<!tpu.dma_semaphore, #tpu.memory_space<semaphore_mem>>) src(%dma_wait3A_199 : memref<20000x64xf32, #tpu.memory_space<hbm>>) dst(%dma_wait3A_193 : memref<80x64xf32, #tpu.memory_space<vmem>>)
        %ge3A = arith.constant 2 : i32
        %ge3A_200 = arith.cmpi sge, %scan3A_70, %ge3A : i32
        %convert_element_type3A_201 = arith.extui %ge3A_200 : i1 to i32
        %cond3A_202 = arith.constant 0 : i32
        %cond3A_203 = arith.cmpi ne, %convert_element_type3A_201, %cond3A_202 : i32
        scf.if %cond3A_203 {
          %dma_wait3A_204 = arith.constant 0 : i32
          %dma_wait3A_205 = arith.constant 0 : i32
          %dma_wait3A_206 = arith.constant 0 : i32
          %dma_wait3A_207 = arith.constant 0 : i32
          %dma_wait3A_208 = tpu.memref_slice %arg8[%dma_wait3A_205, %dma_wait3A_206, %dma_wait3A_207] : memref<4x80x64xf32, #tpu.memory_space<vmem>> -> memref<1x80x64xf32, #tpu.memory_space<vmem>>
          %dma_wait3A_209 = tpu.memref_squeeze %dma_wait3A_208 : memref<1x80x64xf32, #tpu.memory_space<vmem>> -> memref<80x64xf32, #tpu.memory_space<vmem>>
          %dma_wait3A_210 = arith.constant 0 : i32
          %dma_wait3A_211 = tpu.memref_slice %arg6[%dma_wait3A_204, %dma_wait3A_210] : memref<250x80xi32, #tpu.memory_space<vmem>> -> memref<1x80xi32, #tpu.memory_space<vmem>>
          %dma_wait3A_212 = tpu.memref_squeeze %dma_wait3A_211 : memref<1x80xi32, #tpu.memory_space<vmem>> -> memref<80xi32, #tpu.memory_space<vmem>>
          %dma_wait3A_213 = arith.constant 0 : i32
          %dma_wait3A_214 = arith.constant 0 : i32
          %dma_wait3A_215 = tpu.memref_slice %arg4[%dma_wait3A_213, %dma_wait3A_214] : memref<20000x64xf32, #tpu.memory_space<hbm>> -> memref<20000x64xf32, #tpu.memory_space<hbm>>
          tpu.wait_indirect_dma semaphore(%arg14 : memref<!tpu.dma_semaphore, #tpu.memory_space<semaphore_mem>>) src(%dma_wait3A_215 : memref<20000x64xf32, #tpu.memory_space<hbm>>) dst(%dma_wait3A_209 : memref<80x64xf32, #tpu.memory_space<vmem>>)
        } else {
        }
      } else {
      }
      %jit3A_104 = arith.constant 4 : i32
      %eq3A_105 = arith.constant 0 : i32
      %eq3A_106 = arith.cmpi eq, %jit3A_104, %eq3A_105 : i32
      %jit3A_107 = arith.constant 1 : i32
      %select_n3A_108 = arith.select %eq3A_106, %jit3A_107, %jit3A_104 : i32
      %rem3A_109 = arith.remsi %scan3A_70, %select_n3A_108 : i32
      %ne3A_110 = arith.constant 0 : i32
      %ne3A_111 = arith.cmpi ne, %rem3A_109, %ne3A_110 : i32
      %lt3A_112 = arith.constant 0 : i32
      %lt3A_113 = arith.cmpi slt, %rem3A_109, %lt3A_112 : i32
      %lt3A_114 = arith.constant 0 : i32
      %lt3A_115 = arith.cmpi slt, %select_n3A_108, %lt3A_114 : i32
      %ne3A_116 = arith.xori %lt3A_113, %lt3A_115 : i1
      %and3A_117 = arith.andi %ne3A_116, %ne3A_111 : i1
      %add3A_118 = arith.addi %rem3A_109, %select_n3A_108 : i32
      %select_n3A_119 = arith.select %and3A_117, %add3A_118, %rem3A_109 : i32
      %eq3A_120 = arith.constant 0 : i32
      %eq3A_121 = arith.cmpi eq, %select_n3A_119, %eq3A_120 : i32
      %convert_element_type3A_122 = arith.extui %eq3A_121 : i1 to i32
      %cond3A_123 = arith.constant 0 : i32
      %cond3A_124 = arith.cmpi ne, %convert_element_type3A_122, %cond3A_123 : i32
      scf.if %cond3A_124 {
        %dma_start3A_188 = arith.constant 0 : i32
        %dma_start3A_189 = arith.constant 0 : i32
        %dma_start3A_190 = arith.constant 0 : i32
        %dma_start3A_191 = tpu.memref_slice %arg8[%dma_start3A_188, %dma_start3A_189, %dma_start3A_190] : memref<4x80x64xf32, #tpu.memory_space<vmem>> -> memref<1x80x64xf32, #tpu.memory_space<vmem>>
        %dma_start3A_192 = tpu.memref_squeeze %dma_start3A_191 : memref<1x80x64xf32, #tpu.memory_space<vmem>> -> memref<80x64xf32, #tpu.memory_space<vmem>>
        %dma_start3A_193 = arith.constant 0 : i32
        %dma_start3A_194 = tpu.memref_slice %arg7[%scan3A_70, %dma_start3A_193] : memref<250x80xi32, #tpu.memory_space<vmem>> -> memref<1x80xi32, #tpu.memory_space<vmem>>
        %dma_start3A_195 = tpu.memref_squeeze %dma_start3A_194 : memref<1x80xi32, #tpu.memory_space<vmem>> -> memref<80xi32, #tpu.memory_space<vmem>>
        %dma_start3A_196 = arith.constant 0 : i32
        %dma_start3A_197 = arith.constant 0 : i32
        %dma_start3A_198 = tpu.memref_slice %arg10[%dma_start3A_196, %dma_start3A_197] : memref<10240x64xf32, #tpu.memory_space<vmem_shared>> -> memref<10240x64xf32, #tpu.memory_space<vmem_shared>>
        tpu.enqueue_indirect_dma source(%dma_start3A_192 : memref<80x64xf32, #tpu.memory_space<vmem>>) target(%dma_start3A_198 : memref<10240x64xf32, #tpu.memory_space<vmem_shared>>) offsets(%dma_start3A_195 : memref<80xi32, #tpu.memory_space<vmem>>) semaphore(%arg13 : memref<!tpu.dma_semaphore, #tpu.memory_space<semaphore_mem>>) {add = true}
        %add3A_199 = arith.constant 2 : i32
        %add3A_200 = arith.addi %scan3A_70, %add3A_199 : i32
        %lt3A_201 = arith.constant 250 : i32
        %lt3A_202 = arith.cmpi slt, %add3A_200, %lt3A_201 : i32
        %convert_element_type3A_203 = arith.extui %lt3A_202 : i1 to i32
        %cond3A_204 = arith.constant 0 : i32
        %cond3A_205 = arith.cmpi ne, %convert_element_type3A_203, %cond3A_204 : i32
        scf.if %cond3A_205 {
          %add3A_206 = arith.constant 2 : i32
          %add3A_207 = arith.addi %scan3A_70, %add3A_206 : i32
          %dma_start3A_208 = arith.constant 2 : i32
          %dma_start3A_209 = arith.constant 0 : i32
          %dma_start3A_210 = arith.constant 0 : i32
          %dma_start3A_211 = tpu.memref_slice %arg8[%dma_start3A_208, %dma_start3A_209, %dma_start3A_210] : memref<4x80x64xf32, #tpu.memory_space<vmem>> -> memref<1x80x64xf32, #tpu.memory_space<vmem>>
          %dma_start3A_212 = tpu.memref_squeeze %dma_start3A_211 : memref<1x80x64xf32, #tpu.memory_space<vmem>> -> memref<80x64xf32, #tpu.memory_space<vmem>>
          %dma_start3A_213 = arith.constant 0 : i32
          %dma_start3A_214 = tpu.memref_slice %arg6[%add3A_207, %dma_start3A_213] : memref<250x80xi32, #tpu.memory_space<vmem>> -> memref<1x80xi32, #tpu.memory_space<vmem>>
          %dma_start3A_215 = tpu.memref_squeeze %dma_start3A_214 : memref<1x80xi32, #tpu.memory_space<vmem>> -> memref<80xi32, #tpu.memory_space<vmem>>
          %dma_start3A_216 = arith.constant 0 : i32
          %dma_start3A_217 = arith.constant 0 : i32
          %dma_start3A_218 = tpu.memref_slice %arg4[%dma_start3A_216, %dma_start3A_217] : memref<20000x64xf32, #tpu.memory_space<hbm>> -> memref<20000x64xf32, #tpu.memory_space<hbm>>
          tpu.enqueue_indirect_dma source(%dma_start3A_218 : memref<20000x64xf32, #tpu.memory_space<hbm>>) target(%dma_start3A_212 : memref<80x64xf32, #tpu.memory_space<vmem>>) offsets(%dma_start3A_215 : memref<80xi32, #tpu.memory_space<vmem>>) semaphore(%arg11 : memref<!tpu.dma_semaphore, #tpu.memory_space<semaphore_mem>>)
        } else {
        }
      } else {
      }
      %jit3A_125 = arith.constant 4 : i32
      %eq3A_126 = arith.constant 0 : i32
      %eq3A_127 = arith.cmpi eq, %jit3A_125, %eq3A_126 : i32
      %jit3A_128 = arith.constant 1 : i32
      %select_n3A_129 = arith.select %eq3A_127, %jit3A_128, %jit3A_125 : i32
      %rem3A_130 = arith.remsi %scan3A_70, %select_n3A_129 : i32
      %ne3A_131 = arith.constant 0 : i32
      %ne3A_132 = arith.cmpi ne, %rem3A_130, %ne3A_131 : i32
      %lt3A_133 = arith.constant 0 : i32
      %lt3A_134 = arith.cmpi slt, %rem3A_130, %lt3A_133 : i32
      %lt3A_135 = arith.constant 0 : i32
      %lt3A_136 = arith.cmpi slt, %select_n3A_129, %lt3A_135 : i32
      %ne3A_137 = arith.xori %lt3A_134, %lt3A_136 : i1
      %and3A_138 = arith.andi %ne3A_137, %ne3A_132 : i1
      %add3A_139 = arith.addi %rem3A_130, %select_n3A_129 : i32
      %select_n3A_140 = arith.select %and3A_138, %add3A_139, %rem3A_130 : i32
      %eq3A_141 = arith.constant 1 : i32
      %eq3A_142 = arith.cmpi eq, %select_n3A_140, %eq3A_141 : i32
      %convert_element_type3A_143 = arith.extui %eq3A_142 : i1 to i32
      %cond3A_144 = arith.constant 0 : i32
      %cond3A_145 = arith.cmpi ne, %convert_element_type3A_143, %cond3A_144 : i32
      scf.if %cond3A_145 {
        %dma_start3A_188 = arith.constant 1 : i32
        %dma_start3A_189 = arith.constant 0 : i32
        %dma_start3A_190 = arith.constant 0 : i32
        %dma_start3A_191 = tpu.memref_slice %arg8[%dma_start3A_188, %dma_start3A_189, %dma_start3A_190] : memref<4x80x64xf32, #tpu.memory_space<vmem>> -> memref<1x80x64xf32, #tpu.memory_space<vmem>>
        %dma_start3A_192 = tpu.memref_squeeze %dma_start3A_191 : memref<1x80x64xf32, #tpu.memory_space<vmem>> -> memref<80x64xf32, #tpu.memory_space<vmem>>
        %dma_start3A_193 = arith.constant 0 : i32
        %dma_start3A_194 = tpu.memref_slice %arg7[%scan3A_70, %dma_start3A_193] : memref<250x80xi32, #tpu.memory_space<vmem>> -> memref<1x80xi32, #tpu.memory_space<vmem>>
        %dma_start3A_195 = tpu.memref_squeeze %dma_start3A_194 : memref<1x80xi32, #tpu.memory_space<vmem>> -> memref<80xi32, #tpu.memory_space<vmem>>
        %dma_start3A_196 = arith.constant 0 : i32
        %dma_start3A_197 = arith.constant 0 : i32
        %dma_start3A_198 = tpu.memref_slice %arg10[%dma_start3A_196, %dma_start3A_197] : memref<10240x64xf32, #tpu.memory_space<vmem_shared>> -> memref<10240x64xf32, #tpu.memory_space<vmem_shared>>
        tpu.enqueue_indirect_dma source(%dma_start3A_192 : memref<80x64xf32, #tpu.memory_space<vmem>>) target(%dma_start3A_198 : memref<10240x64xf32, #tpu.memory_space<vmem_shared>>) offsets(%dma_start3A_195 : memref<80xi32, #tpu.memory_space<vmem>>) semaphore(%arg14 : memref<!tpu.dma_semaphore, #tpu.memory_space<semaphore_mem>>) {add = true}
        %add3A_199 = arith.constant 2 : i32
        %add3A_200 = arith.addi %scan3A_70, %add3A_199 : i32
        %lt3A_201 = arith.constant 250 : i32
        %lt3A_202 = arith.cmpi slt, %add3A_200, %lt3A_201 : i32
        %convert_element_type3A_203 = arith.extui %lt3A_202 : i1 to i32
        %cond3A_204 = arith.constant 0 : i32
        %cond3A_205 = arith.cmpi ne, %convert_element_type3A_203, %cond3A_204 : i32
        scf.if %cond3A_205 {
          %add3A_206 = arith.constant 2 : i32
          %add3A_207 = arith.addi %scan3A_70, %add3A_206 : i32
          %dma_start3A_208 = arith.constant 3 : i32
          %dma_start3A_209 = arith.constant 0 : i32
          %dma_start3A_210 = arith.constant 0 : i32
          %dma_start3A_211 = tpu.memref_slice %arg8[%dma_start3A_208, %dma_start3A_209, %dma_start3A_210] : memref<4x80x64xf32, #tpu.memory_space<vmem>> -> memref<1x80x64xf32, #tpu.memory_space<vmem>>
          %dma_start3A_212 = tpu.memref_squeeze %dma_start3A_211 : memref<1x80x64xf32, #tpu.memory_space<vmem>> -> memref<80x64xf32, #tpu.memory_space<vmem>>
          %dma_start3A_213 = arith.constant 0 : i32
          %dma_start3A_214 = tpu.memref_slice %arg6[%add3A_207, %dma_start3A_213] : memref<250x80xi32, #tpu.memory_space<vmem>> -> memref<1x80xi32, #tpu.memory_space<vmem>>
          %dma_start3A_215 = tpu.memref_squeeze %dma_start3A_214 : memref<1x80xi32, #tpu.memory_space<vmem>> -> memref<80xi32, #tpu.memory_space<vmem>>
          %dma_start3A_216 = arith.constant 0 : i32
          %dma_start3A_217 = arith.constant 0 : i32
          %dma_start3A_218 = tpu.memref_slice %arg4[%dma_start3A_216, %dma_start3A_217] : memref<20000x64xf32, #tpu.memory_space<hbm>> -> memref<20000x64xf32, #tpu.memory_space<hbm>>
          tpu.enqueue_indirect_dma source(%dma_start3A_218 : memref<20000x64xf32, #tpu.memory_space<hbm>>) target(%dma_start3A_212 : memref<80x64xf32, #tpu.memory_space<vmem>>) offsets(%dma_start3A_215 : memref<80xi32, #tpu.memory_space<vmem>>) semaphore(%arg12 : memref<!tpu.dma_semaphore, #tpu.memory_space<semaphore_mem>>)
        } else {
        }
      } else {
      }
      %jit3A_146 = arith.constant 4 : i32
      %eq3A_147 = arith.constant 0 : i32
      %eq3A_148 = arith.cmpi eq, %jit3A_146, %eq3A_147 : i32
      %jit3A_149 = arith.constant 1 : i32
      %select_n3A_150 = arith.select %eq3A_148, %jit3A_149, %jit3A_146 : i32
      %rem3A_151 = arith.remsi %scan3A_70, %select_n3A_150 : i32
      %ne3A_152 = arith.constant 0 : i32
      %ne3A_153 = arith.cmpi ne, %rem3A_151, %ne3A_152 : i32
      %lt3A_154 = arith.constant 0 : i32
      %lt3A_155 = arith.cmpi slt, %rem3A_151, %lt3A_154 : i32
      %lt3A_156 = arith.constant 0 : i32
      %lt3A_157 = arith.cmpi slt, %select_n3A_150, %lt3A_156 : i32
      %ne3A_158 = arith.xori %lt3A_155, %lt3A_157 : i1
      %and3A_159 = arith.andi %ne3A_158, %ne3A_153 : i1
      %add3A_160 = arith.addi %rem3A_151, %select_n3A_150 : i32
      %select_n3A_161 = arith.select %and3A_159, %add3A_160, %rem3A_151 : i32
      %eq3A_162 = arith.constant 2 : i32
      %eq3A_163 = arith.cmpi eq, %select_n3A_161, %eq3A_162 : i32
      %convert_element_type3A_164 = arith.extui %eq3A_163 : i1 to i32
      %cond3A_165 = arith.constant 0 : i32
      %cond3A_166 = arith.cmpi ne, %convert_element_type3A_164, %cond3A_165 : i32
      scf.if %cond3A_166 {
        %dma_start3A_188 = arith.constant 2 : i32
        %dma_start3A_189 = arith.constant 0 : i32
        %dma_start3A_190 = arith.constant 0 : i32
        %dma_start3A_191 = tpu.memref_slice %arg8[%dma_start3A_188, %dma_start3A_189, %dma_start3A_190] : memref<4x80x64xf32, #tpu.memory_space<vmem>> -> memref<1x80x64xf32, #tpu.memory_space<vmem>>
        %dma_start3A_192 = tpu.memref_squeeze %dma_start3A_191 : memref<1x80x64xf32, #tpu.memory_space<vmem>> -> memref<80x64xf32, #tpu.memory_space<vmem>>
        %dma_start3A_193 = arith.constant 0 : i32
        %dma_start3A_194 = tpu.memref_slice %arg7[%scan3A_70, %dma_start3A_193] : memref<250x80xi32, #tpu.memory_space<vmem>> -> memref<1x80xi32, #tpu.memory_space<vmem>>
        %dma_start3A_195 = tpu.memref_squeeze %dma_start3A_194 : memref<1x80xi32, #tpu.memory_space<vmem>> -> memref<80xi32, #tpu.memory_space<vmem>>
        %dma_start3A_196 = arith.constant 0 : i32
        %dma_start3A_197 = arith.constant 0 : i32
        %dma_start3A_198 = tpu.memref_slice %arg10[%dma_start3A_196, %dma_start3A_197] : memref<10240x64xf32, #tpu.memory_space<vmem_shared>> -> memref<10240x64xf32, #tpu.memory_space<vmem_shared>>
        tpu.enqueue_indirect_dma source(%dma_start3A_192 : memref<80x64xf32, #tpu.memory_space<vmem>>) target(%dma_start3A_198 : memref<10240x64xf32, #tpu.memory_space<vmem_shared>>) offsets(%dma_start3A_195 : memref<80xi32, #tpu.memory_space<vmem>>) semaphore(%arg13 : memref<!tpu.dma_semaphore, #tpu.memory_space<semaphore_mem>>) {add = true}
        %add3A_199 = arith.constant 2 : i32
        %add3A_200 = arith.addi %scan3A_70, %add3A_199 : i32
        %lt3A_201 = arith.constant 250 : i32
        %lt3A_202 = arith.cmpi slt, %add3A_200, %lt3A_201 : i32
        %convert_element_type3A_203 = arith.extui %lt3A_202 : i1 to i32
        %cond3A_204 = arith.constant 0 : i32
        %cond3A_205 = arith.cmpi ne, %convert_element_type3A_203, %cond3A_204 : i32
        scf.if %cond3A_205 {
          %add3A_206 = arith.constant 2 : i32
          %add3A_207 = arith.addi %scan3A_70, %add3A_206 : i32
          %dma_start3A_208 = arith.constant 0 : i32
          %dma_start3A_209 = arith.constant 0 : i32
          %dma_start3A_210 = arith.constant 0 : i32
          %dma_start3A_211 = tpu.memref_slice %arg8[%dma_start3A_208, %dma_start3A_209, %dma_start3A_210] : memref<4x80x64xf32, #tpu.memory_space<vmem>> -> memref<1x80x64xf32, #tpu.memory_space<vmem>>
          %dma_start3A_212 = tpu.memref_squeeze %dma_start3A_211 : memref<1x80x64xf32, #tpu.memory_space<vmem>> -> memref<80x64xf32, #tpu.memory_space<vmem>>
          %dma_start3A_213 = arith.constant 0 : i32
          %dma_start3A_214 = tpu.memref_slice %arg6[%add3A_207, %dma_start3A_213] : memref<250x80xi32, #tpu.memory_space<vmem>> -> memref<1x80xi32, #tpu.memory_space<vmem>>
          %dma_start3A_215 = tpu.memref_squeeze %dma_start3A_214 : memref<1x80xi32, #tpu.memory_space<vmem>> -> memref<80xi32, #tpu.memory_space<vmem>>
          %dma_start3A_216 = arith.constant 0 : i32
          %dma_start3A_217 = arith.constant 0 : i32
          %dma_start3A_218 = tpu.memref_slice %arg4[%dma_start3A_216, %dma_start3A_217] : memref<20000x64xf32, #tpu.memory_space<hbm>> -> memref<20000x64xf32, #tpu.memory_space<hbm>>
          tpu.enqueue_indirect_dma source(%dma_start3A_218 : memref<20000x64xf32, #tpu.memory_space<hbm>>) target(%dma_start3A_212 : memref<80x64xf32, #tpu.memory_space<vmem>>) offsets(%dma_start3A_215 : memref<80xi32, #tpu.memory_space<vmem>>) semaphore(%arg11 : memref<!tpu.dma_semaphore, #tpu.memory_space<semaphore_mem>>)
        } else {
        }
      } else {
      }
      %jit3A_167 = arith.constant 4 : i32
      %eq3A_168 = arith.constant 0 : i32
      %eq3A_169 = arith.cmpi eq, %jit3A_167, %eq3A_168 : i32
      %jit3A_170 = arith.constant 1 : i32
      %select_n3A_171 = arith.select %eq3A_169, %jit3A_170, %jit3A_167 : i32
      %rem3A_172 = arith.remsi %scan3A_70, %select_n3A_171 : i32
      %ne3A_173 = arith.constant 0 : i32
      %ne3A_174 = arith.cmpi ne, %rem3A_172, %ne3A_173 : i32
      %lt3A_175 = arith.constant 0 : i32
      %lt3A_176 = arith.cmpi slt, %rem3A_172, %lt3A_175 : i32
      %lt3A_177 = arith.constant 0 : i32
      %lt3A_178 = arith.cmpi slt, %select_n3A_171, %lt3A_177 : i32
      %ne3A_179 = arith.xori %lt3A_176, %lt3A_178 : i1
      %and3A_180 = arith.andi %ne3A_179, %ne3A_174 : i1
      %add3A_181 = arith.addi %rem3A_172, %select_n3A_171 : i32
      %select_n3A_182 = arith.select %and3A_180, %add3A_181, %rem3A_172 : i32
      %eq3A_183 = arith.constant 3 : i32
      %eq3A_184 = arith.cmpi eq, %select_n3A_182, %eq3A_183 : i32
      %convert_element_type3A_185 = arith.extui %eq3A_184 : i1 to i32
      %cond3A_186 = arith.constant 0 : i32
      %cond3A_187 = arith.cmpi ne, %convert_element_type3A_185, %cond3A_186 : i32
      scf.if %cond3A_187 {
        %dma_start3A_188 = arith.constant 3 : i32
        %dma_start3A_189 = arith.constant 0 : i32
        %dma_start3A_190 = arith.constant 0 : i32
        %dma_start3A_191 = tpu.memref_slice %arg8[%dma_start3A_188, %dma_start3A_189, %dma_start3A_190] : memref<4x80x64xf32, #tpu.memory_space<vmem>> -> memref<1x80x64xf32, #tpu.memory_space<vmem>>
        %dma_start3A_192 = tpu.memref_squeeze %dma_start3A_191 : memref<1x80x64xf32, #tpu.memory_space<vmem>> -> memref<80x64xf32, #tpu.memory_space<vmem>>
        %dma_start3A_193 = arith.constant 0 : i32
        %dma_start3A_194 = tpu.memref_slice %arg7[%scan3A_70, %dma_start3A_193] : memref<250x80xi32, #tpu.memory_space<vmem>> -> memref<1x80xi32, #tpu.memory_space<vmem>>
        %dma_start3A_195 = tpu.memref_squeeze %dma_start3A_194 : memref<1x80xi32, #tpu.memory_space<vmem>> -> memref<80xi32, #tpu.memory_space<vmem>>
        %dma_start3A_196 = arith.constant 0 : i32
        %dma_start3A_197 = arith.constant 0 : i32
        %dma_start3A_198 = tpu.memref_slice %arg10[%dma_start3A_196, %dma_start3A_197] : memref<10240x64xf32, #tpu.memory_space<vmem_shared>> -> memref<10240x64xf32, #tpu.memory_space<vmem_shared>>
        tpu.enqueue_indirect_dma source(%dma_start3A_192 : memref<80x64xf32, #tpu.memory_space<vmem>>) target(%dma_start3A_198 : memref<10240x64xf32, #tpu.memory_space<vmem_shared>>) offsets(%dma_start3A_195 : memref<80xi32, #tpu.memory_space<vmem>>) semaphore(%arg14 : memref<!tpu.dma_semaphore, #tpu.memory_space<semaphore_mem>>) {add = true}
        %add3A_199 = arith.constant 2 : i32
        %add3A_200 = arith.addi %scan3A_70, %add3A_199 : i32
        %lt3A_201 = arith.constant 250 : i32
        %lt3A_202 = arith.cmpi slt, %add3A_200, %lt3A_201 : i32
        %convert_element_type3A_203 = arith.extui %lt3A_202 : i1 to i32
        %cond3A_204 = arith.constant 0 : i32
        %cond3A_205 = arith.cmpi ne, %convert_element_type3A_203, %cond3A_204 : i32
        scf.if %cond3A_205 {
          %add3A_206 = arith.constant 2 : i32
          %add3A_207 = arith.addi %scan3A_70, %add3A_206 : i32
          %dma_start3A_208 = arith.constant 1 : i32
          %dma_start3A_209 = arith.constant 0 : i32
          %dma_start3A_210 = arith.constant 0 : i32
          %dma_start3A_211 = tpu.memref_slice %arg8[%dma_start3A_208, %dma_start3A_209, %dma_start3A_210] : memref<4x80x64xf32, #tpu.memory_space<vmem>> -> memref<1x80x64xf32, #tpu.memory_space<vmem>>
          %dma_start3A_212 = tpu.memref_squeeze %dma_start3A_211 : memref<1x80x64xf32, #tpu.memory_space<vmem>> -> memref<80x64xf32, #tpu.memory_space<vmem>>
          %dma_start3A_213 = arith.constant 0 : i32
          %dma_start3A_214 = tpu.memref_slice %arg6[%add3A_207, %dma_start3A_213] : memref<250x80xi32, #tpu.memory_space<vmem>> -> memref<1x80xi32, #tpu.memory_space<vmem>>
          %dma_start3A_215 = tpu.memref_squeeze %dma_start3A_214 : memref<1x80xi32, #tpu.memory_space<vmem>> -> memref<80xi32, #tpu.memory_space<vmem>>
          %dma_start3A_216 = arith.constant 0 : i32
          %dma_start3A_217 = arith.constant 0 : i32
          %dma_start3A_218 = tpu.memref_slice %arg4[%dma_start3A_216, %dma_start3A_217] : memref<20000x64xf32, #tpu.memory_space<hbm>> -> memref<20000x64xf32, #tpu.memory_space<hbm>>
          tpu.enqueue_indirect_dma source(%dma_start3A_218 : memref<20000x64xf32, #tpu.memory_space<hbm>>) target(%dma_start3A_212 : memref<80x64xf32, #tpu.memory_space<vmem>>) offsets(%dma_start3A_215 : memref<80xi32, #tpu.memory_space<vmem>>) semaphore(%arg12 : memref<!tpu.dma_semaphore, #tpu.memory_space<semaphore_mem>>)
        } else {
        }
      } else {
      }
    }
    %scan3A_43 = arith.constant 250 : i32
    %dma_wait3A = arith.constant 0 : i32
    %dma_wait3A_44 = arith.constant 0 : i32
    %dma_wait3A_45 = arith.constant 0 : i32
    %dma_wait3A_46 = arith.constant 0 : i32
    %dma_wait3A_47 = tpu.memref_slice %arg8[%dma_wait3A_44, %dma_wait3A_45, %dma_wait3A_46] : memref<4x80x64xf32, #tpu.memory_space<vmem>> -> memref<1x80x64xf32, #tpu.memory_space<vmem>>
    %dma_wait3A_48 = tpu.memref_squeeze %dma_wait3A_47 : memref<1x80x64xf32, #tpu.memory_space<vmem>> -> memref<80x64xf32, #tpu.memory_space<vmem>>
    %dma_wait3A_49 = arith.constant 0 : i32
    %dma_wait3A_50 = tpu.memref_slice %arg6[%dma_wait3A, %dma_wait3A_49] : memref<250x80xi32, #tpu.memory_space<vmem>> -> memref<1x80xi32, #tpu.memory_space<vmem>>
    %dma_wait3A_51 = tpu.memref_squeeze %dma_wait3A_50 : memref<1x80xi32, #tpu.memory_space<vmem>> -> memref<80xi32, #tpu.memory_space<vmem>>
    %dma_wait3A_52 = arith.constant 0 : i32
    %dma_wait3A_53 = arith.constant 0 : i32
    %dma_wait3A_54 = tpu.memref_slice %arg4[%dma_wait3A_52, %dma_wait3A_53] : memref<20000x64xf32, #tpu.memory_space<hbm>> -> memref<20000x64xf32, #tpu.memory_space<hbm>>
    tpu.wait_indirect_dma semaphore(%arg13 : memref<!tpu.dma_semaphore, #tpu.memory_space<semaphore_mem>>) src(%dma_wait3A_54 : memref<20000x64xf32, #tpu.memory_space<hbm>>) dst(%dma_wait3A_48 : memref<80x64xf32, #tpu.memory_space<vmem>>)
    %dma_wait3A_55 = arith.constant 0 : i32
    %dma_wait3A_56 = arith.constant 0 : i32
    %dma_wait3A_57 = arith.constant 0 : i32
    %dma_wait3A_58 = arith.constant 0 : i32
    %dma_wait3A_59 = tpu.memref_slice %arg8[%dma_wait3A_56, %dma_wait3A_57, %dma_wait3A_58] : memref<4x80x64xf32, #tpu.memory_space<vmem>> -> memref<1x80x64xf32, #tpu.memory_space<vmem>>
    %dma_wait3A_60 = tpu.memref_squeeze %dma_wait3A_59 : memref<1x80x64xf32, #tpu.memory_space<vmem>> -> memref<80x64xf32, #tpu.memory_space<vmem>>
    %dma_wait3A_61 = arith.constant 0 : i32
    %dma_wait3A_62 = tpu.memref_slice %arg6[%dma_wait3A_55, %dma_wait3A_61] : memref<250x80xi32, #tpu.memory_space<vmem>> -> memref<1x80xi32, #tpu.memory_space<vmem>>
    %dma_wait3A_63 = tpu.memref_squeeze %dma_wait3A_62 : memref<1x80xi32, #tpu.memory_space<vmem>> -> memref<80xi32, #tpu.memory_space<vmem>>
    %dma_wait3A_64 = arith.constant 0 : i32
    %dma_wait3A_65 = arith.constant 0 : i32
    %dma_wait3A_66 = tpu.memref_slice %arg4[%dma_wait3A_64, %dma_wait3A_65] : memref<20000x64xf32, #tpu.memory_space<hbm>> -> memref<20000x64xf32, #tpu.memory_space<hbm>>
    tpu.wait_indirect_dma semaphore(%arg14 : memref<!tpu.dma_semaphore, #tpu.memory_space<semaphore_mem>>) src(%dma_wait3A_66 : memref<20000x64xf32, #tpu.memory_space<hbm>>) dst(%dma_wait3A_60 : memref<80x64xf32, #tpu.memory_space<vmem>>)
    %barrier3A_67 = arith.constant 0 : index
    tpu.barrier barrier_id(%barrier3A_67)
    %mul3A_68 = arith.constant 64 : i32
    %mul3A_69 = arith.muli %arg0, %mul3A_68 : i32
    "tpu.region"() ({
      %run_scoped3A = tpu.sem_alloc : memref<!tpu.dma_semaphore, #tpu.memory_space<semaphore_mem>>
      %dma_start3A_70 = tpu.memref_slice %arg5[%mul3A_28, %mul3A_69] : memref<10240x128xf32, #tpu.memory_space<hbm>> -> memref<640x64xf32, #tpu.memory_space<hbm>>
      %dma_start3A_71 = arith.constant 0 : i32
      %dma_start3A_72 = tpu.memref_slice %arg10[%mul3A_28, %dma_start3A_71] : memref<10240x64xf32, #tpu.memory_space<vmem_shared>> -> memref<640x64xf32, #tpu.memory_space<vmem_shared>>
      tpu.enqueue_dma source(%dma_start3A_72 : memref<640x64xf32, #tpu.memory_space<vmem_shared>>) target(%dma_start3A_70 : memref<640x64xf32, #tpu.memory_space<hbm>>) target_semaphore(%run_scoped3A : memref<!tpu.dma_semaphore, #tpu.memory_space<semaphore_mem>>)
      %dma_wait3A_73 = tpu.memref_slice %arg5[%mul3A_28, %mul3A_69] : memref<10240x128xf32, #tpu.memory_space<hbm>> -> memref<640x64xf32, #tpu.memory_space<hbm>>
      %dma_wait3A_74 = arith.constant 0 : i32
      %dma_wait3A_75 = tpu.memref_slice %arg10[%mul3A_28, %dma_wait3A_74] : memref<10240x64xf32, #tpu.memory_space<vmem_shared>> -> memref<640x64xf32, #tpu.memory_space<vmem_shared>>
      tpu.wait_dma2 semaphore(%run_scoped3A : memref<!tpu.dma_semaphore, #tpu.memory_space<semaphore_mem>>) src(%dma_wait3A_75 : memref<640x64xf32, #tpu.memory_space<vmem_shared>>) dst(%dma_wait3A_73 : memref<640x64xf32, #tpu.memory_space<hbm>>)
      tpu.yield
    }) : () -> ()
    return
  }
}

module attributes {stable_mosaic.version = 14 : i64} {
  func.func @_tc1_body(%arg0: i32, %arg1: memref<1000x128xf32, #tpu.memory_space<vmem>>, %arg2: memref<128x128xf32, #tpu.memory_space<vmem>>, %arg3: memref<1x128xf32, #tpu.memory_space<vmem>>, %arg4: memref<1000x128xf32, #tpu.memory_space<vmem>>, %arg5: memref<1000x128xf32, #tpu.memory_space<vmem>>) attributes {dimension_semantics = [#tpu.dimension_semantics<arbitrary>], iteration_bounds = array<i64: 10>, scalar_prefetch = 0 : i64, scratch_operands = 0 : i64, tpu.core_type = #tpu.core_type<tc>, window_params = [{transform_indices = @transform_0, window_bounds = array<i64: 1000, 128>}, {pipeline_mode = #tpu.pipeline_mode<synchronous>, transform_indices = @transform_1, window_bounds = array<i64: 128, 128>}, {pipeline_mode = #tpu.pipeline_mode<synchronous>, transform_indices = @transform_2, window_bounds = array<i64: 1, 128>}, {transform_indices = @transform_3, window_bounds = array<i64: 1000, 128>}, {transform_indices = @transform_4, window_bounds = array<i64: 1000, 128>}]} {
    %get3A = arith.constant 0 : index
    %get3A_0 = arith.constant 0 : index
    %get3A_1 = vector.load %arg4[%get3A, %get3A_0] : memref<1000x128xf32, #tpu.memory_space<vmem>>, vector<1000x1xf32>
    %get3A_2 = arith.constant 0 : index
    %get3A_3 = arith.constant 16 : index
    %get3A_4 = vector.load %arg4[%get3A_2, %get3A_3] : memref<1000x128xf32, #tpu.memory_space<vmem>>, vector<1000x1xf32>
    %add3A = arith.addf %get3A_1, %get3A_4 : vector<1000x1xf32>
    %add3A_5 = arith.constant 1.000000e+00 : f32
    %add3A_6 = vector.broadcast %add3A_5 : f32 to vector<1000x1xf32>
    %add3A_7 = arith.addf %add3A, %add3A_6 : vector<1000x1xf32>
    %rsqrt3A = math.rsqrt %add3A_7 : vector<1000x1xf32>
    %get3A_8 = arith.constant 0 : index
    %get3A_9 = arith.constant 0 : index
    %get3A_10 = vector.load %arg1[%get3A_8, %get3A_9] : memref<1000x128xf32, #tpu.memory_space<vmem>>, vector<1000x128xf32>
    %get3A_11 = arith.constant 0 : index
    %get3A_12 = arith.constant 0 : index
    %get3A_13 = vector.load %arg2[%get3A_11, %get3A_12] : memref<128x128xf32, #tpu.memory_space<vmem>>, vector<128x128xf32>
    %dot_general3A = arith.constant dense<0.000000e+00> : vector<1000x128xf32>
    %dot_general3A_14 = tpu.matmul %get3A_10, %get3A_13, %dot_general3A {dimension_numbers = #tpu.dot_dimension_numbers<[1], [0], [0], [1], [0, 0, 1, 1], [], []>, transpose_lhs_hint = false} : vector<1000x128xf32>, vector<128x128xf32>, vector<1000x128xf32> -> vector<1000x128xf32>
    %get3A_15 = arith.constant 0 : index
    %get3A_16 = arith.constant 0 : index
    %get3A_17 = vector.load %arg3[%get3A_15, %get3A_16] : memref<1x128xf32, #tpu.memory_space<vmem>>, vector<1x128xf32>
    %add3A_18 = vector.broadcast %get3A_17 : vector<1x128xf32> to vector<1000x128xf32>
    %add3A_19 = arith.addf %dot_general3A_14, %add3A_18 : vector<1000x128xf32>
    %max3A = arith.constant 0.000000e+00 : f32
    %max3A_20 = vector.broadcast %max3A : f32 to vector<1000x128xf32>
    %max3A_21 = arith.maximumf %add3A_19, %max3A_20 : vector<1000x128xf32>
    %mul3A = vector.broadcast %rsqrt3A : vector<1000x1xf32> to vector<1000x128xf32>
    %mul3A_22 = arith.mulf %mul3A, %max3A_21 : vector<1000x128xf32>
    %swap3A = arith.constant 0 : index
    %swap3A_23 = arith.constant 0 : index
    %swap3A_24 = vector.load %arg5[%swap3A, %swap3A_23] : memref<1000x128xf32, #tpu.memory_space<vmem>>, vector<1000x128xf32>
    tpu.vector_store %arg5[%swap3A, %swap3A_23], %mul3A_22 {strides = array<i32>} : memref<1000x128xf32, #tpu.memory_space<vmem>>, vector<1000x128xf32>,
    return
  }
  func.func @transform_0(%arg0: i32) -> (i32, i32) {
    %c0_i32 = arith.constant 0 : i32
    %c0_i32_0 = arith.constant 0 : i32
    return %arg0, %c0_i32 : i32, i32
  }
  func.func @transform_1(%arg0: i32) -> (i32, i32) {
    %c0_i32 = arith.constant 0 : i32
    %c0_i32_0 = arith.constant 0 : i32
    %c0_i32_1 = arith.constant 0 : i32
    return %c0_i32, %c0_i32_0 : i32, i32
  }
  func.func @transform_2(%arg0: i32) -> (i32, i32) {
    %c0_i32 = arith.constant 0 : i32
    %c0_i32_0 = arith.constant 0 : i32
    %c0_i32_1 = arith.constant 0 : i32
    return %c0_i32, %c0_i32_0 : i32, i32
  }
  func.func @transform_3(%arg0: i32) -> (i32, i32) {
    %c0_i32 = arith.constant 0 : i32
    %c0_i32_0 = arith.constant 0 : i32
    return %arg0, %c0_i32 : i32, i32
  }
  func.func @transform_4(%arg0: i32) -> (i32, i32) {
    %c0_i32 = arith.constant 0 : i32
    %c0_i32_0 = arith.constant 0 : i32
    return %arg0, %c0_i32 : i32, i32
  }
}

module attributes {stable_mosaic.version = 14 : i64} {
  func.func @_tc2_body(%arg0: i32, %arg1: memref<1000x128xf32, #tpu.memory_space<vmem>>, %arg2: memref<1000x128xf32, #tpu.memory_space<vmem>>, %arg3: memref<1000x128xf32, #tpu.memory_space<vmem>>, %arg4: memref<128x128xf32, #tpu.memory_space<vmem>>, %arg5: memref<1x128xf32, #tpu.memory_space<vmem>>, %arg6: memref<1000x128xf32, #tpu.memory_space<vmem>>, %arg7: memref<1000x128xf32, #tpu.memory_space<vmem>>) attributes {dimension_semantics = [#tpu.dimension_semantics<arbitrary>], iteration_bounds = array<i64: 10>, scalar_prefetch = 0 : i64, scratch_operands = 0 : i64, tpu.core_type = #tpu.core_type<tc>, window_params = [{transform_indices = @transform_0, window_bounds = array<i64: 1000, 128>}, {transform_indices = @transform_1, window_bounds = array<i64: 1000, 128>}, {transform_indices = @transform_2, window_bounds = array<i64: 1000, 128>}, {pipeline_mode = #tpu.pipeline_mode<synchronous>, transform_indices = @transform_3, window_bounds = array<i64: 128, 128>}, {pipeline_mode = #tpu.pipeline_mode<synchronous>, transform_indices = @transform_4, window_bounds = array<i64: 1, 128>}, {transform_indices = @transform_5, window_bounds = array<i64: 1000, 128>}, {transform_indices = @transform_6, window_bounds = array<i64: 1000, 128>}]} {
    %get3A = arith.constant 0 : index
    %get3A_0 = arith.constant 0 : index
    %get3A_1 = vector.load %arg3[%get3A, %get3A_0] : memref<1000x128xf32, #tpu.memory_space<vmem>>, vector<1000x1xf32>
    %get3A_2 = arith.constant 0 : index
    %get3A_3 = arith.constant 16 : index
    %get3A_4 = vector.load %arg3[%get3A_2, %get3A_3] : memref<1000x128xf32, #tpu.memory_space<vmem>>, vector<1000x1xf32>
    %add3A = arith.addf %get3A_1, %get3A_4 : vector<1000x1xf32>
    %add3A_5 = arith.constant 1.000000e+00 : f32
    %add3A_6 = vector.broadcast %add3A_5 : f32 to vector<1000x1xf32>
    %add3A_7 = arith.addf %add3A, %add3A_6 : vector<1000x1xf32>
    %rsqrt3A = math.rsqrt %add3A_7 : vector<1000x1xf32>
    %get3A_8 = arith.constant 0 : index
    %get3A_9 = arith.constant 0 : index
    %get3A_10 = vector.load %arg1[%get3A_8, %get3A_9] : memref<1000x128xf32, #tpu.memory_space<vmem>>, vector<1000x128xf32>
    %get3A_11 = arith.constant 0 : index
    %get3A_12 = arith.constant 0 : index
    %get3A_13 = vector.load %arg2[%get3A_11, %get3A_12] : memref<1000x128xf32, #tpu.memory_space<vmem>>, vector<1000x128xf32>
    %add3A_14 = arith.addf %get3A_10, %get3A_13 : vector<1000x128xf32>
    %mul3A = vector.broadcast %rsqrt3A : vector<1000x1xf32> to vector<1000x128xf32>
    %mul3A_15 = arith.mulf %mul3A, %add3A_14 : vector<1000x128xf32>
    %get3A_16 = arith.constant 0 : index
    %get3A_17 = arith.constant 0 : index
    %get3A_18 = vector.load %arg4[%get3A_16, %get3A_17] : memref<128x128xf32, #tpu.memory_space<vmem>>, vector<128x128xf32>
    %dot_general3A = arith.constant dense<0.000000e+00> : vector<1000x128xf32>
    %dot_general3A_19 = tpu.matmul %mul3A_15, %get3A_18, %dot_general3A {dimension_numbers = #tpu.dot_dimension_numbers<[1], [0], [0], [1], [0, 0, 1, 1], [], []>, transpose_lhs_hint = false} : vector<1000x128xf32>, vector<128x128xf32>, vector<1000x128xf32> -> vector<1000x128xf32>
    %get3A_20 = arith.constant 0 : index
    %get3A_21 = arith.constant 0 : index
    %get3A_22 = vector.load %arg5[%get3A_20, %get3A_21] : memref<1x128xf32, #tpu.memory_space<vmem>>, vector<1x128xf32>
    %add3A_23 = vector.broadcast %get3A_22 : vector<1x128xf32> to vector<1000x128xf32>
    %add3A_24 = arith.addf %dot_general3A_19, %add3A_23 : vector<1000x128xf32>
    %max3A = arith.constant 0.000000e+00 : f32
    %max3A_25 = vector.broadcast %max3A : f32 to vector<1000x128xf32>
    %max3A_26 = arith.maximumf %add3A_24, %max3A_25 : vector<1000x128xf32>
    %swap3A = arith.constant 0 : index
    %swap3A_27 = arith.constant 0 : index
    %swap3A_28 = vector.load %arg6[%swap3A, %swap3A_27] : memref<1000x128xf32, #tpu.memory_space<vmem>>, vector<1000x128xf32>
    tpu.vector_store %arg6[%swap3A, %swap3A_27], %max3A_26 {strides = array<i32>} : memref<1000x128xf32, #tpu.memory_space<vmem>>, vector<1000x128xf32>,
    %mul3A_29 = vector.broadcast %rsqrt3A : vector<1000x1xf32> to vector<1000x128xf32>
    %mul3A_30 = arith.mulf %mul3A_29, %max3A_26 : vector<1000x128xf32>
    %swap3A_31 = arith.constant 0 : index
    %swap3A_32 = arith.constant 0 : index
    %swap3A_33 = vector.load %arg7[%swap3A_31, %swap3A_32] : memref<1000x128xf32, #tpu.memory_space<vmem>>, vector<1000x128xf32>
    tpu.vector_store %arg7[%swap3A_31, %swap3A_32], %mul3A_30 {strides = array<i32>} : memref<1000x128xf32, #tpu.memory_space<vmem>>, vector<1000x128xf32>,
    return
  }
  func.func @transform_0(%arg0: i32) -> (i32, i32) {
    %c0_i32 = arith.constant 0 : i32
    %c0_i32_0 = arith.constant 0 : i32
    return %arg0, %c0_i32 : i32, i32
  }
  func.func @transform_1(%arg0: i32) -> (i32, i32) {
    %c0_i32 = arith.constant 0 : i32
    %c0_i32_0 = arith.constant 0 : i32
    return %arg0, %c0_i32 : i32, i32
  }
  func.func @transform_2(%arg0: i32) -> (i32, i32) {
    %c0_i32 = arith.constant 0 : i32
    %c0_i32_0 = arith.constant 0 : i32
    return %arg0, %c0_i32 : i32, i32
  }
  func.func @transform_3(%arg0: i32) -> (i32, i32) {
    %c0_i32 = arith.constant 0 : i32
    %c0_i32_0 = arith.constant 0 : i32
    %c0_i32_1 = arith.constant 0 : i32
    return %c0_i32, %c0_i32_0 : i32, i32
  }
  func.func @transform_4(%arg0: i32) -> (i32, i32) {
    %c0_i32 = arith.constant 0 : i32
    %c0_i32_0 = arith.constant 0 : i32
    %c0_i32_1 = arith.constant 0 : i32
    return %c0_i32, %c0_i32_0 : i32, i32
  }
  func.func @transform_5(%arg0: i32) -> (i32, i32) {
    %c0_i32 = arith.constant 0 : i32
    %c0_i32_0 = arith.constant 0 : i32
    return %arg0, %c0_i32 : i32, i32
  }
  func.func @transform_6(%arg0: i32) -> (i32, i32) {
    %c0_i32 = arith.constant 0 : i32
    %c0_i32_0 = arith.constant 0 : i32
    return %arg0, %c0_i32 : i32, i32
  }
}

module attributes {stable_mosaic.version = 14 : i64} {
  func.func @_tc3_body(%arg0: i32, %arg1: memref<1000x128xf32, #tpu.memory_space<vmem>>, %arg2: memref<1000x128xf32, #tpu.memory_space<vmem>>, %arg3: memref<1000x128xf32, #tpu.memory_space<vmem>>, %arg4: memref<128x128xf32, #tpu.memory_space<vmem>>, %arg5: memref<1x128xf32, #tpu.memory_space<vmem>>, %arg6: memref<1000x128xf32, #tpu.memory_space<vmem>>) attributes {dimension_semantics = [#tpu.dimension_semantics<arbitrary>], iteration_bounds = array<i64: 10>, scalar_prefetch = 0 : i64, scratch_operands = 0 : i64, tpu.core_type = #tpu.core_type<tc>, window_params = [{transform_indices = @transform_0, window_bounds = array<i64: 1000, 128>}, {transform_indices = @transform_1, window_bounds = array<i64: 1000, 128>}, {transform_indices = @transform_2, window_bounds = array<i64: 1000, 128>}, {pipeline_mode = #tpu.pipeline_mode<synchronous>, transform_indices = @transform_3, window_bounds = array<i64: 128, 128>}, {pipeline_mode = #tpu.pipeline_mode<synchronous>, transform_indices = @transform_4, window_bounds = array<i64: 1, 128>}, {transform_indices = @transform_5, window_bounds = array<i64: 1000, 128>}]} {
    %get3A = arith.constant 0 : index
    %get3A_0 = arith.constant 0 : index
    %get3A_1 = vector.load %arg3[%get3A, %get3A_0] : memref<1000x128xf32, #tpu.memory_space<vmem>>, vector<1000x1xf32>
    %get3A_2 = arith.constant 0 : index
    %get3A_3 = arith.constant 16 : index
    %get3A_4 = vector.load %arg3[%get3A_2, %get3A_3] : memref<1000x128xf32, #tpu.memory_space<vmem>>, vector<1000x1xf32>
    %add3A = arith.addf %get3A_1, %get3A_4 : vector<1000x1xf32>
    %add3A_5 = arith.constant 1.000000e+00 : f32
    %add3A_6 = vector.broadcast %add3A_5 : f32 to vector<1000x1xf32>
    %add3A_7 = arith.addf %add3A, %add3A_6 : vector<1000x1xf32>
    %rsqrt3A = math.rsqrt %add3A_7 : vector<1000x1xf32>
    %get3A_8 = arith.constant 0 : index
    %get3A_9 = arith.constant 0 : index
    %get3A_10 = vector.load %arg1[%get3A_8, %get3A_9] : memref<1000x128xf32, #tpu.memory_space<vmem>>, vector<1000x128xf32>
    %get3A_11 = arith.constant 0 : index
    %get3A_12 = arith.constant 0 : index
    %get3A_13 = vector.load %arg2[%get3A_11, %get3A_12] : memref<1000x128xf32, #tpu.memory_space<vmem>>, vector<1000x128xf32>
    %add3A_14 = arith.addf %get3A_10, %get3A_13 : vector<1000x128xf32>
    %mul3A = vector.broadcast %rsqrt3A : vector<1000x1xf32> to vector<1000x128xf32>
    %mul3A_15 = arith.mulf %mul3A, %add3A_14 : vector<1000x128xf32>
    %get3A_16 = arith.constant 0 : index
    %get3A_17 = arith.constant 0 : index
    %get3A_18 = vector.load %arg4[%get3A_16, %get3A_17] : memref<128x128xf32, #tpu.memory_space<vmem>>, vector<128x128xf32>
    %dot_general3A = arith.constant dense<0.000000e+00> : vector<1000x128xf32>
    %dot_general3A_19 = tpu.matmul %mul3A_15, %get3A_18, %dot_general3A {dimension_numbers = #tpu.dot_dimension_numbers<[1], [0], [0], [1], [0, 0, 1, 1], [], []>, transpose_lhs_hint = false} : vector<1000x128xf32>, vector<128x128xf32>, vector<1000x128xf32> -> vector<1000x128xf32>
    %get3A_20 = arith.constant 0 : index
    %get3A_21 = arith.constant 0 : index
    %get3A_22 = vector.load %arg5[%get3A_20, %get3A_21] : memref<1x128xf32, #tpu.memory_space<vmem>>, vector<1x128xf32>
    %add3A_23 = vector.broadcast %get3A_22 : vector<1x128xf32> to vector<1000x128xf32>
    %add3A_24 = arith.addf %dot_general3A_19, %add3A_23 : vector<1000x128xf32>
    %max3A = arith.constant 0.000000e+00 : f32
    %max3A_25 = vector.broadcast %max3A : f32 to vector<1000x128xf32>
    %max3A_26 = arith.maximumf %add3A_24, %max3A_25 : vector<1000x128xf32>
    %swap3A = arith.constant 0 : index
    %swap3A_27 = arith.constant 0 : index
    %swap3A_28 = vector.load %arg6[%swap3A, %swap3A_27] : memref<1000x128xf32, #tpu.memory_space<vmem>>, vector<1000x128xf32>
    tpu.vector_store %arg6[%swap3A, %swap3A_27], %max3A_26 {strides = array<i32>} : memref<1000x128xf32, #tpu.memory_space<vmem>>, vector<1000x128xf32>,
    return
  }
  func.func @transform_0(%arg0: i32) -> (i32, i32) {
    %c0_i32 = arith.constant 0 : i32
    %c0_i32_0 = arith.constant 0 : i32
    return %arg0, %c0_i32 : i32, i32
  }
  func.func @transform_1(%arg0: i32) -> (i32, i32) {
    %c0_i32 = arith.constant 0 : i32
    %c0_i32_0 = arith.constant 0 : i32
    return %arg0, %c0_i32 : i32, i32
  }
  func.func @transform_2(%arg0: i32) -> (i32, i32) {
    %c0_i32 = arith.constant 0 : i32
    %c0_i32_0 = arith.constant 0 : i32
    return %arg0, %c0_i32 : i32, i32
  }
  func.func @transform_3(%arg0: i32) -> (i32, i32) {
    %c0_i32 = arith.constant 0 : i32
    %c0_i32_0 = arith.constant 0 : i32
    %c0_i32_1 = arith.constant 0 : i32
    return %c0_i32, %c0_i32_0 : i32, i32
  }
  func.func @transform_4(%arg0: i32) -> (i32, i32) {
    %c0_i32 = arith.constant 0 : i32
    %c0_i32_0 = arith.constant 0 : i32
    %c0_i32_1 = arith.constant 0 : i32
    return %c0_i32, %c0_i32_0 : i32, i32
  }
  func.func @transform_5(%arg0: i32) -> (i32, i32) {
    %c0_i32 = arith.constant 0 : i32
    %c0_i32_0 = arith.constant 0 : i32
    return %arg0, %c0_i32 : i32, i32
  }
}

</mosaic_0001>

<sc_bundles>
// kernel: kernel.11.cloned.1.call-start
scs
__scs_entry_jumppad:
0x0: {  	(pc) =	sbr.rel $0x88, $3  }
0x1: {  	(tag) =	ssettag $0x0;
	lr =	simm.s32 $0x1  }
0x2: {  	[smem:$0x3F99] =	sst lr;
	_ =	strace $0xD0000000  }
0x3: {  	_ = 	snop  }
0x4: {  	_ = 	snop  }
0x5: {  	_ = 	snop  }
0x6: {  	_ = 	snop  }
0x7: {  	_ = 	snop  }
__scs_overlays_trampoline_lowered:
0x8: {  	[smem:$0x3FA8] =	sst s0  }
0x9: {  	[smem:$0x3FA9] =	sst s1  }
0xa: {  	[smem:$0x3FAA] =	sst s2  }
0xb: {  	[smem:$0x3FAB] =	sst s3  }
0xc: {  	[smem:$0x3FAC] =	sst s4  }
0xd: {  	[smem:$0x3FAD] =	sst s5  }
0xe: {  	[smem:$0x3FAE] =	sst s6  }
0xf: {  	[smem:$0x3FAF] =	sst s7  }
0x10: {  	[smem:$0x3FB0] =	sst s8  }
0x11: {  	[smem:$0x3FB1] =	sst s9;
	s0 =	simm.s32 @!p0 $0x0  }
0x12: {  	s1 =	sld [smem:$0x3F97];
	s0 =	simm.s32 @p0 $0x1  }
0x13: {  	[smem:$0x3FB2] =	sst s0;
	s0 =	simm.s32 @!p1 $0x0  }
0x14: {  	s2 =	sld [smem:$0x3F96];
	s0 =	simm.s32 @p1 $0x1  }
0x15: {  	[smem:$0x3FB3] =	sst s0;
	s0 =	simm.s32 @!p2 $0x0  }
0x16: {  	s3 =	sld [smem:$0x3FDB];
	s0 =	simm.s32 @p2 $0x1  }
0x17: {  	s4 =	simm.s32 $0x1BF5;
	[smem:$0x3FB5] =	sst s0  }
0x18: {  	s0 =	sld [smem:$0x3F98];
	_ =	swait.ge [sflag:s4], $0x0  }
0x19: {  	s7 =	sld [smem:$0x3F99]  }
0x1a: {  	s8 =	sadd.s32 $0xFFFFE003, lr  }
0x1b: {  	s9 =	sadd.s32 $0xFFFFFEF7, lr;
	s5 =	simm.s32 $0xFFFFFFFF;
	p2 =	slt.u32 s8, $0xFFFFF086  }
0x1c: {  	p1 =	slt.u32 s9, $0xF7A;
	s5 =	simm.s32 @!p2 $0x0  }
0x1d: {  	s5 =	simm.s32 @p1 $0x1;
	p0 =	seq.s32 s7, s2  }
0x1e: {  	s7 =	smul.u32 @!p0 $0xF7A, s2;
	p2 =	seq.s32 @!p0 s5, $0x0  }
0x1f: {  	s9 =	smul.u32 $0xF7A, s1;
	s8 =	simm.s32 @!p0 $0x1BF5;
	p2 =	por !p2, p0  }
0x20: {  	[sflag:s8] =	ssyncset.s32 @!p0 $0xFFFFF086;
	s6 =	sadd.s32 @!p0 s3, s7;
	s7 =	simm.s32 @!p0 $0x108  }
0x21: {  	s3 =	sadd.s32 s3, s9;
	s6 =	sadd.s32 @!p0 $0x88, s6;
	s7 =	simm.s32 @p2 $0x1082  }
0x22: {  	[simem:s7], [sflag:s8] =	dma.local @!p0 [hbm:s6], $0xF7A  }
0x23: {  	s9 =	sor.u32 $0xD0000000, s2;
	s6 =	simm.s32 $0x108;
	_ =	swait.ge @!p0 [sflag:s8], $0x0  }
0x24: {  	s3 =	sadd.s32 $0x88, s3;
	s6 =	simm.s32 @!p1 $0x1082;
	[sflag:s4] =	ssyncset.s32 $0xFFFFF086  }
0x25: {  	[simem:s6], [sflag:s4] =	dma.local [hbm:s3], $0xF7A  }
0x26: {  	[smem:$0x3F99] =	sst s1;
	(tag) =	ssettag s2;
	_ =	strace s9  }
0x27: {  	s1 =	sld [smem:$0x3FA9]  }
0x28: {  	s2 =	sld [smem:$0x3FAA]  }
0x29: {  	s4 =	sld [smem:$0x3FAC]  }
0x2a: {  	p0 =	seq.s32 s5, $0x0;
	s5 =	sld [smem:$0x3FAD]  }
0x2b: {  	s6 =	sld [smem:$0x3FAE]  }
0x2c: {  	s7 =	sld [smem:$0x3FAF]  }
0x2d: {  	s3 =	simm.s32 $0x108;
	s8 =	sld [smem:$0x3FB0]  }
0x2e: {  	s3 =	simm.s32 @!p0 $0x1082;
	s9 =	sld [smem:$0x3FB1]  }
0x2f: {  	lr =	sadd.s32 s0, s3;
	s0 =	sld [smem:$0x3FA8]  }
0x30: {  	s3 =	sld [smem:$0x3FAB]  }
0x31: {  	[smem:$0x3FB4] =	sst s10  }
0x32: {  	s10 =	sld [smem:$0x3FB2];
	_ =	sdelay $0x3  }
0x33: {  	p0 =	seq.s32 s10, $0x1;
	s10 =	sld [smem:$0x3FB4];
	_ =	sdelay $0x3  }
0x34: {  	[smem:$0x3FB4] =	sst s10  }
0x35: {  	s10 =	sld [smem:$0x3FB3];
	_ =	sdelay $0x3  }
0x36: {  	p1 =	seq.s32 s10, $0x1;
	s10 =	sld [smem:$0x3FB4];
	_ =	sdelay $0x3  }
0x37: {  	[smem:$0x3FB4] =	sst s10  }
0x38: {  	s10 =	sld [smem:$0x3FB5]  }
0x39: {  	_ = 	snop;
	(pc) =	sbr.ind lr, $3  }
0x3a: {  	_ = 	snop  }
0x3b: {  	_ = 	snop  }
0x3c: {  	p2 =	seq.s32 s10, $0x1;
	s10 =	sld [smem:$0x3FB4]  }
0x3d: {  	_ =	shalt  }
0x3e: {  	_ =	shalt  }
0x3f: {  	_ =	shalt  }
0x40: {  	_ =	shalt  }
0x41: {  	_ =	shalt  }
0x42: {  	_ =	shalt  }
0x43: {  	_ =	shalt  }
0x44: {  	_ =	shalt  }
0x45: {  	_ =	shalt  }
0x46: {  	_ =	shalt  }
0x47: {  	_ =	shalt  }
0x48: {  	_ =	shalt  }
0x49: {  	_ =	shalt  }
0x4a: {  	_ =	shalt  }
0x4b: {  	_ =	shalt  }
0x4c: {  	_ =	shalt  }
0x4d: {  	_ =	shalt  }
0x4e: {  	_ =	shalt  }
0x4f: {  	_ =	shalt  }
0x50: {  	_ =	shalt  }
0x51: {  	_ =	shalt  }
0x52: {  	_ =	shalt  }
0x53: {  	_ =	shalt  }
0x54: {  	_ =	shalt  }
0x55: {  	_ =	shalt  }
0x56: {  	_ =	shalt  }
0x57: {  	_ =	shalt  }
0x58: {  	_ =	shalt  }
0x59: {  	_ =	shalt  }
0x5a: {  	_ =	shalt  }
0x5b: {  	_ =	shalt  }
0x5c: {  	_ =	shalt  }
0x5d: {  	_ =	shalt  }
0x5e: {  	_ =	shalt  }
0x5f: {  	_ =	shalt  }
0x60: {  	_ =	shalt  }
0x61: {  	_ =	shalt  }
0x62: {  	_ =	shalt  }
0x63: {  	_ =	shalt  }
0x64: {  	_ =	shalt  }
0x65: {  	_ =	shalt  }
0x66: {  	_ =	shalt  }
0x67: {  	_ =	shalt  }
0x68: {  	_ =	shalt  }
0x69: {  	_ =	shalt  }
0x6a: {  	_ =	shalt  }
0x6b: {  	_ =	shalt  }
0x6c: {  	_ =	shalt  }
0x6d: {  	_ =	shalt  }
0x6e: {  	_ =	shalt  }
0x6f: {  	_ =	shalt  }
0x70: {  	_ =	shalt  }
0x71: {  	_ =	shalt  }
0x72: {  	_ =	shalt  }
0x73: {  	_ =	shalt  }
0x74: {  	_ =	shalt  }
0x75: {  	_ =	shalt  }
0x76: {  	_ =	shalt  }
0x77: {  	_ =	shalt  }
0x78: {  	_ =	shalt  }
0x79: {  	_ =	shalt  }
0x7a: {  	_ =	shalt  }
0x7b: {  	_ =	shalt  }
0x7c: {  	_ =	shalt  }
0x7d: {  	_ =	shalt  }
0x7e: {  	_ =	shalt  }
0x7f: {  	_ =	shalt  }
0x80: {  	_ =	shalt  }
0x81: {  	_ =	shalt  }
0x82: {  	_ =	shalt  }
0x83: {  	_ =	shalt  }
0x84: {  	_ =	shalt  }
0x85: {  	_ =	shalt  }
0x86: {  	_ =	shalt  }
0x87: {  	_ =	shalt  }
.Lfunc_end0:
.L_simem_size_0:
called_computation.1_lowered:
.L_overlay_start_0:
0x88: {  	s2 =	sld [smem:$0x3FD9]  }
0x89: {  	s3 =	sld [smem:$0x3FFE];
	_ =	sdelay $0x1  }
0x8a: {  	s1 =	srdreg.scid  }
0x8b: {  	s0 =	sand.u32 $0x1, s1  }
0x8c: {  	s17 =	sshll.u32 s0, $0xA;
	s2 =	sadd.s32 s3, s2  }
0x8d: {  	s2 =	sadd.s32 s2, s17  }
0x8e: {  	[smem:$0x3FC0] =	sst s2  }
0x8f: {  	_ = 	snop  }
0x90: {  	s2 =	sld [smem:$0x3FD0];
	(tm) =	ssettm $0x1  }
0x91: {  	s18 =	sld [smem:$0x3FFB];
	_ =	sdelay $0x3  }
0x92: {  	_ =	strace s18  }
0x93: {  	s3 =	sld [smem:$0x3FFC];
	_ =	sdelay $0x3  }
0x94: {  	_ =	strace s3  }
0x95: {  	s3 =	sld [smem:$0x3FFD];
	_ =	sdelay $0x3  }
0x96: {  	_ =	strace s3  }
0x97: {  	_ =	strace $0x8FFFFFFF  }
0x98: {  	s19 =	sld [smem:$0x3FDB];
	_ =	sdelay $0x1  }
0x99: {  	s4 =	simm.s32 $_scs_section_size  }
0x9a: {  	s5 =	simm.s32 $_size__tile_overlayer_lowered;
	s6 =	simm.s32 $_tile_overlayer_lowered  }
0x9b: {  	s22 =	simm.s32 $0x1BFF;
	s21 =	sshll.u32 s6, $0x1;
	s3 =	sadd.s32 s4, s19  }
0x9c: {  	s7 =	simm.s32 $0x0;
	s20 =	sshll.u32 s5, $0x1;
	s5 =	sadd.s32 s21, s3  }
0x9d: {  	[timem:s7], [sflag:s22] =	dma.local [hbm:s5], s20  }
0x9e: {  	_ =	swait.ge [sflag:s22], s20  }
0x9f: {  	s4 =	ssub.s32 $0x0, s20;
	[sflag:s22] =	ssyncset.done $0x0  }
0xa0: {  	[sflag:s22] =	ssyncadd.s32 s4;
	_ =	sdelay $0x1  }
0xa1: {  	s23 =	simm.s32 $0x1B8B  }
0xa2: {  	_ =	swait.ge [sflag:s23], $0x1  }
0xa3: {  	[sflag:s23] =	ssyncset.done $0x0  }
0xa4: {  	s25 =	simm.s32 $0x1B8E;
	s24 =	sld [smem:$0x3FFE];
	[sflag:s23] =	ssyncadd.s32 $0xFFFFFFFF  }
0xa5: {  	s26 =	simm.s32 $execute0_lowered;
	[smem:$0x3FD2] =	sst s25  }
0xa6: {  	s5 =	sshll.u32 s26, $0x1;
	_ =	strace $0x80000049;
	[dreg:$0x1] =	wrdreg $0xFFFFFFFF  }
0xa7: {  	s28 =	simm.s32 $_size_execute0_lowered;
	s3 =	sadd.s32 s3, s5;
	[dreg:$0x0] =	wrdreg $0x0  }
0xa8: {  	s5 =	sshll.u32 s28, $0x1;
	[dreg:$0x2] =	wrdreg s3  }
0xa9: {  	[dreg:$0x3] =	wrdreg s5  }
0xaa: {  	[dreg:$0x4] =	wrdreg $0xC0  }
0xab: {  	_ =	task [dreg:s7], $0x5FFFF  }
0xac: {  	[dreg:$0x1] =	wrdreg $0xFFFFFFFF  }
0xad: {  	[dreg:$0x0] =	wrdreg $0x60  }
0xae: {  	[dreg:$0x2] =	wrdreg s24  }
0xaf: {  	[dreg:$0x3] =	wrdreg s2  }
0xb0: {  	[dreg:$0x4] =	wrdreg $0x10C400  }
0xb1: {  	[dreg:$0x5] =	wrdreg $0x9  }
0xb2: {  	_ =	task.clear_ibuf [dreg:s7], $0x6FFFF;
	_ =	strace $0x90000049  }
0xb3: {  	s29 =	simm.s32 $0x9;
	_ =	strace $0x8000004B  }
0xb4: {  	_ =	swait.ge [sflag:s29], $0x1  }
0xb5: {  	[sflag:s29] =	ssyncadd.s32 $0xFFFFFFFF  }
0xb6: {  	_ =	strace $0x9000004B  }
0xb7: {  	_ =	sfence  }
0xb8: {  	s30 =	sld [smem:$0x0];
	_ =	sdelay $0x2  }
0xb9: {  	s31 =	sshll.u32 s1, $0xD;
	s1 =	sshrl.u32 s1, $0x2  }
0xba: {  	s3 =	sand.u32 $0x4000, s31;
	s1 =	sadd.s32 s1, s30  }
0xbb: {  	s0 =	sor.u32 s3, s0;
	s1 =	sshll.u32 s1, $0x11  }
0xbc: {  	s0 =	sor.u32 s1, s0  }
0xbd: {  	s0 =	sadd.s32 $0x8F2B, s0  }
0xbe: {  	[sflag:s0] =	ssyncadd.remote.s32 $0x1  }
0xbf: {  	_ =	sfence.sel $0xFFFF  }
0xc0: {  	[dreg:$0x0] =	wrdreg $0xFFFFFFFF;
	(pc) =	sbr.abs _section_cstart, $3  }
0xc1: {  	[dreg:$0x1] =	wrdreg $0xFFFFFFFF  }
0xc2: {  	_ =	task.clear_ibuf [dreg:s7], $0x2FFFF;
	_ =	strace $0x9FFFFFFF  }
0xc3: {  	(tm) =	ssettm $0x7FFFFFFF  }
tec
execute0_lowered:
.L_overlay_start_1:
0x0: {  	(tag) =	ssettag $0x1  }
0x1: {  	s0 =	rddreg [dreg:$0x0]  }
0x2: {  	s1 =	srdreg.scid;
	s2 =	rddreg [dreg:$0x1]  }
0x3: {  	s9 =	stileid.u32;
	s3 =	rddreg [dreg:$0x2];
	s4 =	simm.s32 $0x0  }
0x4: {  	s14 =	simm.s32 $0x5;
	s15 =	simm.s32 $0x50;
	s16 =	simm.s32 $0x9C40  }
0x5: {  	s17 =	simm.s32 $0xB040;
	s18 =	simm.s32 $0x4E20;
	s19 =	simm.s32 $0xEC40  }
0x6: {  	s20 =	simm.s32 $0x1;
	s28 =	simm.s32 $0x4;
	s5 =	smul.u32 $0x4E20, s9  }
0x7: {  	s29 =	simm.s32 $0x10;
	s30 =	simm.s32 $0x8;
	s7 =	smul.u32 $0x14000, s9  }
0x8: {  	s31 =	simm.s32 $0x2;
	s1 =	sand.u32 $0x1, s1;
	s22 =	smul.u32 $0x28000, s9  }
0x9: {  	[smem:$0x7FF] =	sst s4;
	s6 =	smul.u32 $0x4E200, s1;
	s8 =	sshll.u32 s1, $0x6  }
0xa: {  	_ =	strace $0x8000004A;
	s1 =	ssub.s32 $0x2, s1;
	s7 =	sor.u32 s8, s7  }
0xb: {  	s25 =	sshrl.u32 s1, $0x1;
	s26 =	sshrl.u32 s22, $0x2;
	s6 =	sadd.s32 s5, s6  }
0xc: {  	s5 =	sshrl.u32 s5, $0x3;
	s24 =	sshrl.u32 s7, $0x3;
	s1 =	ssub.s32 s1, s25  }
0xd: {  	s7 =	sadd.s32 s26, s3;
	s26 =	simm.s32 $0x3;
	s6 =	sshrl.u32 s6, $0x3  }
0xe: {  	s23 =	sadd.s32 s5, s0;
	s8 =	sadd.s32 $0x2000, s7;
	s9 =	sadd.s32 $0x4000, s7  }
0xf: {  	s10 =	sadd.s32 $0x6000, s7;
	s11 =	sadd.s32 $0x8000, s7;
	s13 =	smax.u32 s1, $0x1  }
0x10: {  	s1 =	simm.s32 $0x0;
	s6 =	sadd.s32 s6, s0;
	s0 =	sadd.s32 s24, s0  }
0x11: {  	v0 =	vimm.f32 $0.0e+00;
	s5 =	sadd.s32 $0x34E00, s6;
	s6 =	sadd.s32 $0x3000, s23;
	s12 =	sadd.s32 $0x48800, s0  }
.LBB2_1:
0x12: {  	[tilespmem:s4], [sflag:$0x5] =	stream.linear.gather [hbm4b:s5+s4], $0x4E20, $0x38;
	[tilespmem:$0x1AC40] =	vst v63  }
0x13: {  	_ =	swait.ge [sflag:s14], $0x4E20  }
0x14: {  	[sflag:s14] =	ssyncset.done $0x0  }
0x15: {  	[sflag:s14] =	ssyncadd.s32 $0xFFFFB1E0  }
0x16: {  	[tilespmem:s16], [sflag:$0x1] =	stream.indirect.gather [hbm4b:s2+s15], $0x40, s4, s15, $0xb8;
	[tilespmem:$0x1AC40] =	vst v63  }
0x17: {  	_ = 	snop  }
0x18: {  	[tilespmem:s17], [sflag:$0x2] =	stream.indirect.gather [hbm4b:s2+s15], $0x40, s15, s15, $0xb8;
	[tilespmem:$0x1AC40] =	vst v63  }
0x19: {  	_ = 	snop  }
0x1a: {  	[tilespmem:s18], [sflag:$0x5] =	stream.linear.gather [hbm4b:s6+s4], $0x4E20, $0x38;
	[tilespmem:$0x1AC40] =	vst v63  }
0x1b: {  	s0 =	sand.u32 $0x7F00, s4;
	s21 =	sand.u32 $0x30, s4;
	_ =	swait.ge [sflag:s14], $0x4E20  }
0x1c: {  	s22 =	sshrl.u32 s0, $0x2;
	s0 =	simm.s32 $0x40;
	[sflag:s14] =	ssyncset.done $0x0  }
0x1d: {  	s22 =	sor.u32 s21, s22;
	s21 =	simm.s32 $0x0;
	[sflag:s14] =	ssyncadd.s32 $0xFFFFB1E0  }
.LBB2_2:
0x1e: {  	p0 =	sne.s32 s0, $0x7FC0  }
0x1f: {  	[tilespmem:s22+$0xEC40] =	vst v0;
	s21 =	sadd.s32 $0x10, s21;
	s22 =	smov.u32 s0;
	s0 =	sadd.s32 $0x40, s0  }
.Ltmp0:
0x20: {  	(pc) =	sbr.rel @p0 .LBB2_2-.Ltmp0, $4  }
0x21: {  	_ = 	snop  }
0x22: {  	s22 =	sand.u32 $0x7F00, s22  }
0x23: {  	s23 =	sand.u32 $0x30, s21;
	s22 =	sshrl.u32 s22, $0x2  }
0x24: {  	s22 =	sor.u32 s23, s22  }
0x25: {  	[tilespmem:s22+$0xEC40] =	vst v0  }
0x26: {  	[spmem:s7] =	stream.linear.scatter [tilespmem:s19], [sflag:$0x5], $0x2000, $0x38;
	[tilespmem:$0x1AC40] =	vst v63  }
0x27: {  	_ =	swait.ge [sflag:s14], $0x2000  }
0x28: {  	[sflag:s14] =	ssyncset.done $0x0  }
0x29: {  	[sflag:s14] =	ssyncadd.s32 $0xFFFFE000  }
0x2a: {  	[spmem:s8] =	stream.linear.scatter [tilespmem:s19], [sflag:$0x5], $0x2000, $0x38;
	[tilespmem:$0x1AC40] =	vst v63  }
0x2b: {  	_ =	swait.ge [sflag:s14], $0x2000  }
0x2c: {  	[sflag:s14] =	ssyncset.done $0x0  }
0x2d: {  	[sflag:s14] =	ssyncadd.s32 $0xFFFFE000  }
0x2e: {  	[spmem:s9] =	stream.linear.scatter [tilespmem:s19], [sflag:$0x5], $0x2000, $0x38;
	[tilespmem:$0x1AC40] =	vst v63  }
0x2f: {  	_ =	swait.ge [sflag:s14], $0x2000  }
0x30: {  	[sflag:s14] =	ssyncset.done $0x0  }
0x31: {  	[sflag:s14] =	ssyncadd.s32 $0xFFFFE000  }
0x32: {  	[spmem:s10] =	stream.linear.scatter [tilespmem:s19], [sflag:$0x5], $0x2000, $0x38;
	[tilespmem:$0x1AC40] =	vst v63  }
0x33: {  	_ =	swait.ge [sflag:s14], $0x2000  }
0x34: {  	[sflag:s14] =	ssyncset.done $0x0  }
0x35: {  	[sflag:s14] =	ssyncadd.s32 $0xFFFFE000  }
0x36: {  	[spmem:s11] =	stream.linear.scatter [tilespmem:s19], [sflag:$0x5], $0x2000, $0x38;
	[tilespmem:$0x1AC40] =	vst v63  }
0x37: {  	_ =	swait.ge [sflag:s14], $0x2000  }
0x38: {  	[sflag:s14] =	ssyncset.done $0x0  }
0x39: {  	[sflag:s14] =	ssyncadd.s32 $0xFFFFE000  }
0x3a: {  	[bflag:$0x0] =	sbarrier.arrive $0xFFFF  }
0x3b: {  	_ =	swait.ge [sflag:s20], $0x1400  }
0x3c: {  	[sflag:s20] =	ssyncset.done $0x0  }
0x3d: {  	[sflag:s20] =	ssyncadd.s32 $0xFFFFEC00  }
0x3e: {  	[spmem:s3] =	stream.indirect.scatter.add.f32 [tilespmem:s16], [sflag:$0x3], $0x40, s18, s15, $0xb8;
	[tilespmem:$0x1AC40] =	vst v63  }
0x3f: {  	s0 =	simm.s32 $0xA0;
	s21 =	simm.s32 $0xC440  }
0x40: {  	[tilespmem:s21], [sflag:$0x1] =	stream.indirect.gather [hbm4b:s2+s15], $0x40, s0, s15, $0xb8;
	[tilespmem:$0x1AC40] =	vst v63  }
0x41: {  	s0 =	simm.s32 $0x2  }
0x42: {  	_ =	swait.ge [sflag:s0], $0x1400  }
0x43: {  	[sflag:s0] =	ssyncset.done $0x0  }
0x44: {  	s23 =	simm.s32 $0x4E70;
	s24 =	simm.s32 $0xF0;
	[sflag:s0] =	ssyncadd.s32 $0xFFFFEC00  }
0x45: {  	[spmem:s3] =	stream.indirect.scatter.add.f32 [tilespmem:s17], [sflag:$0x4], $0x40, s23, s15, $0xb8;
	[tilespmem:$0x1AC40] =	vst v63  }
0x46: {  	s25 =	simm.s32 $0xD840;
	s22 =	simm.s32 $0x4EC0;
	s21 =	simm.s32 $0x140  }
0x47: {  	[tilespmem:s25], [sflag:$0x2] =	stream.indirect.gather [hbm4b:s2+s15], $0x40, s24, s15, $0xb8;
	[tilespmem:$0x1AC40] =	vst v63  }
.LBB2_4:
0x48: {  	s23 =	sand.u32 $0x1, s0  }
0x49: {  	p0 =	seq.s32 s23, $0x1  }
0x4a: {  	s23 =	simm.s32 @!p0 $0x1  }
0x4b: {  	_ =	swait.ge @!p0 [sflag:s23], $0x1400  }
0x4c: {  	[sflag:s23] =	ssyncset.done @!p0 $0x0  }
0x4d: {  	[sflag:s23] =	ssyncadd.s32 @!p0 $0xFFFFEC00;
	s23 =	simm.s32 @!p0 $0x3  }
0x4e: {  	s24 =	sand.u32 @!p0 $0x1, s0;
	_ =	swait.ge @!p0 [sflag:s23], $0x1400  }
0x4f: {  	p1 =	seq.s32 @!p0 s24, $0x0;
	[sflag:s23] =	ssyncset.done @!p0 $0x0  }
0x50: {  	p1 =	por p0, !p1;
	[sflag:s23] =	ssyncadd.s32 @!p0 $0xFFFFEC00  }
0x51: {  	_ =	swait.ge @p1 [sflag:s31], $0x1400  }
0x52: {  	[sflag:s31] =	ssyncset.done @p1 $0x0  }
0x53: {  	[sflag:s31] =	ssyncadd.s32 @p1 $0xFFFFEC00  }
0x54: {  	s23 =	sand.u32 $0x3, s0;
	_ =	swait.ge @p1 [sflag:s28], $0x1400  }
0x55: {  	p0 =	sgt.s32 s23, $0x1;
	[sflag:s28] =	ssyncset.done @p1 $0x0  }
0x56: {  	[sflag:s28] =	ssyncadd.s32 @p1 $0xFFFFEC00;
	p1 =	seq.s32 @p0 s23, $0x2  }
0x57: {  	p2 =	por !p1, !p0  }
0x58: {  	p3 =	sgt.u32 @!p2 s0, $0xF7;
	s24 =	simm.s32 @!p2 $0x50;
	s25 =	simm.s32 @!p2 $0xC440  }
0x59: {  	[spmem:s3] =	stream.indirect.scatter.add.f32 @!p2 [tilespmem:s25], [sflag:$0x3], $0x40, s22, s24, $0xb8;
	[tilespmem:$0x1AC40] =	vst v63  }
0x5a: {  	p2 =	por @p0 p3, !p1  }
0x5b: {  	p2 =	por p2, !p0  }
0x5c: {  	s24 =	simm.s32 @!p2 $0x50;
	s25 =	simm.s32 @!p2 $0x9C40  }
0x5d: {  	[tilespmem:s25], [sflag:$0x1] =	stream.indirect.gather @!p2 [hbm4b:s2+s24], $0x40, s21, s24, $0xb8;
	[tilespmem:$0x1AC40] =	vst v63  }
0x5e: {  	p2 =	por p1, !p0  }
0x5f: {  	p3 =	sgt.u32 @!p2 s0, $0xF7;
	s24 =	simm.s32 @!p2 $0x50;
	s25 =	simm.s32 @!p2 $0xD840  }
0x60: {  	[spmem:s3] =	stream.indirect.scatter.add.f32 @!p2 [tilespmem:s25], [sflag:$0x4], $0x40, s22, s24, $0xb8;
	[tilespmem:$0x1AC40] =	vst v63  }
0x61: {  	p1 =	por @p0 p3, p1  }
0x62: {  	p1 =	por p1, !p0  }
0x63: {  	s24 =	simm.s32 @!p1 $0x50;
	s25 =	simm.s32 @!p1 $0xB040  }
0x64: {  	[tilespmem:s25], [sflag:$0x2] =	stream.indirect.gather @!p1 [hbm4b:s2+s24], $0x40, s21, s24, $0xb8;
	[tilespmem:$0x1AC40] =	vst v63  }
0x65: {  	p1 =	seq.s32 @!p0 s23, $0x0  }
0x66: {  	p2 =	por !p1, p0  }
0x67: {  	p3 =	sgt.u32 @!p2 s0, $0xF7;
	s23 =	simm.s32 @!p2 $0x50;
	s24 =	simm.s32 @!p2 $0x9C40  }
0x68: {  	[spmem:s3] =	stream.indirect.scatter.add.f32 @!p2 [tilespmem:s24], [sflag:$0x3], $0x40, s22, s23, $0xb8;
	[tilespmem:$0x1AC40] =	vst v63  }
0x69: {  	p2 =	por @!p0 p3, !p1  }
0x6a: {  	p2 =	por p2, p0  }
0x6b: {  	s23 =	simm.s32 @!p2 $0x50;
	s24 =	simm.s32 @!p2 $0xC440  }
0x6c: {  	[tilespmem:s24], [sflag:$0x1] =	stream.indirect.gather @!p2 [hbm4b:s2+s23], $0x40, s21, s23, $0xb8;
	[tilespmem:$0x1AC40] =	vst v63  }
0x6d: {  	p2 =	por p1, p0  }
0x6e: {  	p3 =	sgt.u32 @!p2 s0, $0xF7;
	s23 =	simm.s32 @!p2 $0x50;
	s24 =	simm.s32 @!p2 $0xB040  }
0x6f: {  	[spmem:s3] =	stream.indirect.scatter.add.f32 @!p2 [tilespmem:s24], [sflag:$0x4], $0x40, s22, s23, $0xb8;
	[tilespmem:$0x1AC40] =	vst v63  }
0x70: {  	p1 =	por @!p0 p3, p1  }
0x71: {  	p0 =	por p1, p0  }
0x72: {  	s0 =	sadd.s32 $0x1, s0;
	s23 =	simm.s32 @!p0 $0x50;
	s24 =	simm.s32 @!p0 $0xD840  }
0x73: {  	[tilespmem:s24], [sflag:$0x2] =	stream.indirect.gather @!p0 [hbm4b:s2+s23], $0x40, s21, s23, $0xb8;
	[tilespmem:$0x1AC40] =	vst v63  }
0x74: {  	p0 =	sne.s32 s0, $0xFA  }
.Ltmp1:
0x75: {  	_ = 	snop;
	(pc) =	sbr.rel @p0 .LBB2_4-.Ltmp1, $2  }
0x76: {  	_ =	sdelay $0x2  }
0x77: {  	s22 =	sadd.s32 $0x50, s22;
	s21 =	sadd.s32 $0x50, s21  }
0x78: {  	_ =	swait.ge [sflag:s26], $0x1400  }
0x79: {  	[sflag:s26] =	ssyncset.done $0x0  }
0x7a: {  	[sflag:s26] =	ssyncadd.s32 $0xFFFFEC00  }
0x7b: {  	s0 =	stileid.u32;
	_ =	swait.ge [sflag:s28], $0x1400  }
0x7c: {  	s21 =	sshrl.u32 s7, $0x3;
	s1 =	sadd.s32 $0x1, s1;
	[sflag:s28] =	ssyncset.done $0x0  }
0x7d: {  	s0 =	sshll.u32 s0, $0x6;
	p0 =	sne.s32 s1, s13;
	[sflag:s28] =	ssyncadd.s32 $0xFFFFEC00  }
.Ltmp2:
0x7e: {  	s0 =	sor.u32 $0x1C05, s0;
	[bflag:$0x0] =	sbarrier.arrive $0xFFFF;
	(pc) =	sbr.rel @p0 .LBB2_1-.Ltmp2, $4  }
0x7f: {  	[hbm:s12@s29], [sflag:s0] =	dma.strided [spmem:s21@s30], $0x1400, s20, $0x8   }
0x80: {  	_ =	swait.ge [sflag:s14], $0x1400  }
0x81: {  	[sflag:s14] =	ssyncset.done $0x0  }
0x82: {  	[sflag:s14] =	ssyncadd.s32 $0xFFFFEC00  }
0x83: {  	_ =	sfence.sel $0x180000  }
0x84: {  	[bflag:$0x0] =	sbarrier.arrive $0xFFFF  }
0x85: {  	_ =	strace $0x9000004A  }
0x86: {  	s0 =	stileid.u32;
	[bflag:$0x2] =	sbarrier.arrive $0xFFFF  }
0x87: {  	p0 =	sne.s32 s0, $0x0;
	s0 =	rddreg [dreg:$0x3]  }
0x88: {  	s0 =	sadd.s32 @!p0 $0x100000, s0  }
0x89: {  	[sflag:s0] =	ssyncadd.tile.s32 @!p0 $0x1;
	_ =	shalt  }
.Lfunc_end2:
_tile_overlayer_lowered:
.L_overlay_start_2:
0x8a: {  	(tag) =	ssettag $0x2  }
0x8b: {  	s0 =	rddreg [dreg:$0x0];
	s2 =	stileid.u32  }
0x8c: {  	s1 =	rddreg [dreg:$0x1];
	p0 =	sne.s32 s2, $0x0  }
0x8d: {  	s3 =	rddreg [dreg:$0x2];
	[bflag:$0x3] =	sbarrier.arrive $0xFFFF;
	s2 =	simm.s32 @!p0 $0x1C05  }
0x8e: {  	[timem:s3], [sflag:s2] =	dma.local @!p0 [hbm:s0], s1  }
0x8f: {  	s0 =	simm.s32 @!p0 $0x5  }
0x90: {  	_ =	swait.ge @!p0 [sflag:s0], s1  }
0x91: {  	s1 =	ssub.s32 @!p0 $0x0, s1;
	[sflag:s0] =	ssyncset.done @!p0 $0x0  }
0x92: {  	[sflag:s0] =	ssyncadd.s32 @!p0 s1  }
0x93: {  	[bflag:$0x3] =	sbarrier.arrive $0xFFFF  }
0x94: {  	_ =	shalt  }

// kernel: kernel.14.cloned.1.call-start
scs
__scs_entry_jumppad:
0x0: {  	(pc) =	sbr.rel $0x88, $3  }
0x1: {  	(tag) =	ssettag $0x0;
	lr =	simm.s32 $0x1  }
0x2: {  	[smem:$0x3F99] =	sst lr;
	_ =	strace $0xD0000000  }
0x3: {  	_ = 	snop  }
0x4: {  	_ = 	snop  }
0x5: {  	_ = 	snop  }
0x6: {  	_ = 	snop  }
0x7: {  	_ = 	snop  }
__scs_overlays_trampoline_lowered:
0x8: {  	[smem:$0x3FA8] =	sst s0  }
0x9: {  	[smem:$0x3FA9] =	sst s1  }
0xa: {  	[smem:$0x3FAA] =	sst s2  }
0xb: {  	[smem:$0x3FAB] =	sst s3  }
0xc: {  	[smem:$0x3FAC] =	sst s4  }
0xd: {  	[smem:$0x3FAD] =	sst s5  }
0xe: {  	[smem:$0x3FAE] =	sst s6  }
0xf: {  	[smem:$0x3FAF] =	sst s7  }
0x10: {  	[smem:$0x3FB0] =	sst s8  }
0x11: {  	[smem:$0x3FB1] =	sst s9;
	s0 =	simm.s32 @!p0 $0x0  }
0x12: {  	s1 =	sld [smem:$0x3F97];
	s0 =	simm.s32 @p0 $0x1  }
0x13: {  	[smem:$0x3FB2] =	sst s0;
	s0 =	simm.s32 @!p1 $0x0  }
0x14: {  	s2 =	sld [smem:$0x3F96];
	s0 =	simm.s32 @p1 $0x1  }
0x15: {  	[smem:$0x3FB3] =	sst s0;
	s0 =	simm.s32 @!p2 $0x0  }
0x16: {  	s3 =	sld [smem:$0x3FDB];
	s0 =	simm.s32 @p2 $0x1  }
0x17: {  	s4 =	simm.s32 $0x1BF5;
	[smem:$0x3FB5] =	sst s0  }
0x18: {  	s0 =	sld [smem:$0x3F98];
	_ =	swait.ge [sflag:s4], $0x0  }
0x19: {  	s7 =	sld [smem:$0x3F99]  }
0x1a: {  	s8 =	sadd.s32 $0xFFFFE003, lr  }
0x1b: {  	s9 =	sadd.s32 $0xFFFFFEF7, lr;
	s5 =	simm.s32 $0xFFFFFFFF;
	p2 =	slt.u32 s8, $0xFFFFF086  }
0x1c: {  	p1 =	slt.u32 s9, $0xF7A;
	s5 =	simm.s32 @!p2 $0x0  }
0x1d: {  	s5 =	simm.s32 @p1 $0x1;
	p0 =	seq.s32 s7, s2  }
0x1e: {  	s7 =	smul.u32 @!p0 $0xF7A, s2;
	p2 =	seq.s32 @!p0 s5, $0x0  }
0x1f: {  	s9 =	smul.u32 $0xF7A, s1;
	s8 =	simm.s32 @!p0 $0x1BF5;
	p2 =	por !p2, p0  }
0x20: {  	[sflag:s8] =	ssyncset.s32 @!p0 $0xFFFFF086;
	s6 =	sadd.s32 @!p0 s3, s7;
	s7 =	simm.s32 @!p0 $0x108  }
0x21: {  	s3 =	sadd.s32 s3, s9;
	s6 =	sadd.s32 @!p0 $0x88, s6;
	s7 =	simm.s32 @p2 $0x1082  }
0x22: {  	[simem:s7], [sflag:s8] =	dma.local @!p0 [hbm:s6], $0xF7A  }
0x23: {  	s9 =	sor.u32 $0xD0000000, s2;
	s6 =	simm.s32 $0x108;
	_ =	swait.ge @!p0 [sflag:s8], $0x0  }
0x24: {  	s3 =	sadd.s32 $0x88, s3;
	s6 =	simm.s32 @!p1 $0x1082;
	[sflag:s4] =	ssyncset.s32 $0xFFFFF086  }
0x25: {  	[simem:s6], [sflag:s4] =	dma.local [hbm:s3], $0xF7A  }
0x26: {  	[smem:$0x3F99] =	sst s1;
	(tag) =	ssettag s2;
	_ =	strace s9  }
0x27: {  	s1 =	sld [smem:$0x3FA9]  }
0x28: {  	s2 =	sld [smem:$0x3FAA]  }
0x29: {  	s4 =	sld [smem:$0x3FAC]  }
0x2a: {  	p0 =	seq.s32 s5, $0x0;
	s5 =	sld [smem:$0x3FAD]  }
0x2b: {  	s6 =	sld [smem:$0x3FAE]  }
0x2c: {  	s7 =	sld [smem:$0x3FAF]  }
0x2d: {  	s3 =	simm.s32 $0x108;
	s8 =	sld [smem:$0x3FB0]  }
0x2e: {  	s3 =	simm.s32 @!p0 $0x1082;
	s9 =	sld [smem:$0x3FB1]  }
0x2f: {  	lr =	sadd.s32 s0, s3;
	s0 =	sld [smem:$0x3FA8]  }
0x30: {  	s3 =	sld [smem:$0x3FAB]  }
0x31: {  	[smem:$0x3FB4] =	sst s10  }
0x32: {  	s10 =	sld [smem:$0x3FB2];
	_ =	sdelay $0x3  }
0x33: {  	p0 =	seq.s32 s10, $0x1;
	s10 =	sld [smem:$0x3FB4];
	_ =	sdelay $0x3  }
0x34: {  	[smem:$0x3FB4] =	sst s10  }
0x35: {  	s10 =	sld [smem:$0x3FB3];
	_ =	sdelay $0x3  }
0x36: {  	p1 =	seq.s32 s10, $0x1;
	s10 =	sld [smem:$0x3FB4];
	_ =	sdelay $0x3  }
0x37: {  	[smem:$0x3FB4] =	sst s10  }
0x38: {  	s10 =	sld [smem:$0x3FB5]  }
0x39: {  	_ = 	snop;
	(pc) =	sbr.ind lr, $3  }
0x3a: {  	_ = 	snop  }
0x3b: {  	_ = 	snop  }
0x3c: {  	p2 =	seq.s32 s10, $0x1;
	s10 =	sld [smem:$0x3FB4]  }
0x3d: {  	_ =	shalt  }
0x3e: {  	_ =	shalt  }
0x3f: {  	_ =	shalt  }
0x40: {  	_ =	shalt  }
0x41: {  	_ =	shalt  }
0x42: {  	_ =	shalt  }
0x43: {  	_ =	shalt  }
0x44: {  	_ =	shalt  }
0x45: {  	_ =	shalt  }
0x46: {  	_ =	shalt  }
0x47: {  	_ =	shalt  }
0x48: {  	_ =	shalt  }
0x49: {  	_ =	shalt  }
0x4a: {  	_ =	shalt  }
0x4b: {  	_ =	shalt  }
0x4c: {  	_ =	shalt  }
0x4d: {  	_ =	shalt  }
0x4e: {  	_ =	shalt  }
0x4f: {  	_ =	shalt  }
0x50: {  	_ =	shalt  }
0x51: {  	_ =	shalt  }
0x52: {  	_ =	shalt  }
0x53: {  	_ =	shalt  }
0x54: {  	_ =	shalt  }
0x55: {  	_ =	shalt  }
0x56: {  	_ =	shalt  }
0x57: {  	_ =	shalt  }
0x58: {  	_ =	shalt  }
0x59: {  	_ =	shalt  }
0x5a: {  	_ =	shalt  }
0x5b: {  	_ =	shalt  }
0x5c: {  	_ =	shalt  }
0x5d: {  	_ =	shalt  }
0x5e: {  	_ =	shalt  }
0x5f: {  	_ =	shalt  }
0x60: {  	_ =	shalt  }
0x61: {  	_ =	shalt  }
0x62: {  	_ =	shalt  }
0x63: {  	_ =	shalt  }
0x64: {  	_ =	shalt  }
0x65: {  	_ =	shalt  }
0x66: {  	_ =	shalt  }
0x67: {  	_ =	shalt  }
0x68: {  	_ =	shalt  }
0x69: {  	_ =	shalt  }
0x6a: {  	_ =	shalt  }
0x6b: {  	_ =	shalt  }
0x6c: {  	_ =	shalt  }
0x6d: {  	_ =	shalt  }
0x6e: {  	_ =	shalt  }
0x6f: {  	_ =	shalt  }
0x70: {  	_ =	shalt  }
0x71: {  	_ =	shalt  }
0x72: {  	_ =	shalt  }
0x73: {  	_ =	shalt  }
0x74: {  	_ =	shalt  }
0x75: {  	_ =	shalt  }
0x76: {  	_ =	shalt  }
0x77: {  	_ =	shalt  }
0x78: {  	_ =	shalt  }
0x79: {  	_ =	shalt  }
0x7a: {  	_ =	shalt  }
0x7b: {  	_ =	shalt  }
0x7c: {  	_ =	shalt  }
0x7d: {  	_ =	shalt  }
0x7e: {  	_ =	shalt  }
0x7f: {  	_ =	shalt  }
0x80: {  	_ =	shalt  }
0x81: {  	_ =	shalt  }
0x82: {  	_ =	shalt  }
0x83: {  	_ =	shalt  }
0x84: {  	_ =	shalt  }
0x85: {  	_ =	shalt  }
0x86: {  	_ =	shalt  }
0x87: {  	_ =	shalt  }
.Lfunc_end0:
.L_simem_size_0:
called_computation.2_lowered:
.L_overlay_start_0:
0x88: {  	s2 =	sld [smem:$0x3FD9]  }
0x89: {  	s3 =	sld [smem:$0x3FFE];
	_ =	sdelay $0x1  }
0x8a: {  	s1 =	srdreg.scid  }
0x8b: {  	s0 =	sand.u32 $0x1, s1  }
0x8c: {  	s17 =	sshll.u32 s0, $0xA;
	s2 =	sadd.s32 s3, s2  }
0x8d: {  	s2 =	sadd.s32 s2, s17  }
0x8e: {  	[smem:$0x3FC0] =	sst s2  }
0x8f: {  	_ = 	snop  }
0x90: {  	s2 =	sld [smem:$0x3FD0];
	(tm) =	ssettm $0x1  }
0x91: {  	s18 =	sld [smem:$0x3FFB];
	_ =	sdelay $0x3  }
0x92: {  	_ =	strace s18  }
0x93: {  	s3 =	sld [smem:$0x3FFC];
	_ =	sdelay $0x3  }
0x94: {  	_ =	strace s3  }
0x95: {  	s3 =	sld [smem:$0x3FFD];
	_ =	sdelay $0x3  }
0x96: {  	_ =	strace s3  }
0x97: {  	_ =	strace $0x8FFFFFFF  }
0x98: {  	s19 =	sld [smem:$0x3FDB];
	_ =	sdelay $0x1  }
0x99: {  	s4 =	simm.s32 $_scs_section_size  }
0x9a: {  	s5 =	simm.s32 $_size__tile_overlayer_lowered;
	s6 =	simm.s32 $_tile_overlayer_lowered  }
0x9b: {  	s22 =	simm.s32 $0x1BFF;
	s21 =	sshll.u32 s6, $0x1;
	s3 =	sadd.s32 s4, s19  }
0x9c: {  	s7 =	simm.s32 $0x0;
	s20 =	sshll.u32 s5, $0x1;
	s5 =	sadd.s32 s21, s3  }
0x9d: {  	[timem:s7], [sflag:s22] =	dma.local [hbm:s5], s20  }
0x9e: {  	_ =	swait.ge [sflag:s22], s20  }
0x9f: {  	s4 =	ssub.s32 $0x0, s20;
	[sflag:s22] =	ssyncset.done $0x0  }
0xa0: {  	[sflag:s22] =	ssyncadd.s32 s4;
	_ =	sdelay $0x1  }
0xa1: {  	s23 =	simm.s32 $0x1B8B  }
0xa2: {  	_ =	swait.ge [sflag:s23], $0x1  }
0xa3: {  	[sflag:s23] =	ssyncset.done $0x0  }
0xa4: {  	s25 =	simm.s32 $0x1B8E;
	s24 =	sld [smem:$0x3FFE];
	[sflag:s23] =	ssyncadd.s32 $0xFFFFFFFF  }
0xa5: {  	s26 =	simm.s32 $execute0_lowered;
	[smem:$0x3FD2] =	sst s25  }
0xa6: {  	s5 =	sshll.u32 s26, $0x1;
	_ =	strace $0x8000004C;
	[dreg:$0x1] =	wrdreg $0xFFFFFFFF  }
0xa7: {  	s28 =	simm.s32 $_size_execute0_lowered;
	s3 =	sadd.s32 s3, s5;
	[dreg:$0x0] =	wrdreg $0x0  }
0xa8: {  	s5 =	sshll.u32 s28, $0x1;
	[dreg:$0x2] =	wrdreg s3  }
0xa9: {  	[dreg:$0x3] =	wrdreg s5  }
0xaa: {  	[dreg:$0x4] =	wrdreg $0xC0  }
0xab: {  	_ =	task [dreg:s7], $0x5FFFF  }
0xac: {  	[dreg:$0x1] =	wrdreg $0xFFFFFFFF  }
0xad: {  	[dreg:$0x0] =	wrdreg $0x60  }
0xae: {  	[dreg:$0x2] =	wrdreg s24  }
0xaf: {  	[dreg:$0x3] =	wrdreg s2  }
0xb0: {  	[dreg:$0x4] =	wrdreg $0x10C400  }
0xb1: {  	[dreg:$0x5] =	wrdreg $0x9  }
0xb2: {  	_ =	task.clear_ibuf [dreg:s7], $0x6FFFF;
	_ =	strace $0x9000004C  }
0xb3: {  	s29 =	simm.s32 $0x9;
	_ =	strace $0x8000004E  }
0xb4: {  	_ =	swait.ge [sflag:s29], $0x1  }
0xb5: {  	[sflag:s29] =	ssyncadd.s32 $0xFFFFFFFF  }
0xb6: {  	_ =	strace $0x9000004E  }
0xb7: {  	_ =	sfence  }
0xb8: {  	s30 =	sld [smem:$0x0];
	_ =	sdelay $0x2  }
0xb9: {  	s31 =	sshll.u32 s1, $0xD;
	s1 =	sshrl.u32 s1, $0x2  }
0xba: {  	s3 =	sand.u32 $0x4000, s31;
	s1 =	sadd.s32 s1, s30  }
0xbb: {  	s0 =	sor.u32 s3, s0;
	s1 =	sshll.u32 s1, $0x11  }
0xbc: {  	s0 =	sor.u32 s1, s0  }
0xbd: {  	s0 =	sadd.s32 $0x8F2B, s0  }
0xbe: {  	[sflag:s0] =	ssyncadd.remote.s32 $0x1  }
0xbf: {  	_ =	sfence.sel $0xFFFF  }
0xc0: {  	[dreg:$0x0] =	wrdreg $0xFFFFFFFF;
	(pc) =	sbr.abs _section_cstart, $3  }
0xc1: {  	[dreg:$0x1] =	wrdreg $0xFFFFFFFF  }
0xc2: {  	_ =	task.clear_ibuf [dreg:s7], $0x2FFFF;
	_ =	strace $0x9FFFFFFF  }
0xc3: {  	(tm) =	ssettm $0x7FFFFFFF  }
tec
execute0_lowered:
.L_overlay_start_1:
0x0: {  	(tag) =	ssettag $0x1  }
0x1: {  	s0 =	rddreg [dreg:$0x0]  }
0x2: {  	s1 =	srdreg.scid;
	s2 =	rddreg [dreg:$0x1]  }
0x3: {  	s9 =	stileid.u32;
	s3 =	rddreg [dreg:$0x2];
	s4 =	simm.s32 $0x0  }
0x4: {  	s14 =	simm.s32 $0x5;
	s15 =	simm.s32 $0x50;
	s16 =	simm.s32 $0x9C40  }
0x5: {  	s17 =	simm.s32 $0xB040;
	s18 =	simm.s32 $0x4E20;
	s19 =	simm.s32 $0xEC40  }
0x6: {  	s20 =	simm.s32 $0x1;
	s28 =	simm.s32 $0x4;
	s5 =	smul.u32 $0x4E20, s9  }
0x7: {  	s29 =	simm.s32 $0x10;
	s30 =	simm.s32 $0x8;
	s7 =	smul.u32 $0x14000, s9  }
0x8: {  	s31 =	simm.s32 $0x2;
	s1 =	sand.u32 $0x1, s1;
	s22 =	smul.u32 $0x28000, s9  }
0x9: {  	[smem:$0x7FF] =	sst s4;
	s6 =	smul.u32 $0x4E200, s1;
	s8 =	sshll.u32 s1, $0x6  }
0xa: {  	_ =	strace $0x8000004D;
	s1 =	ssub.s32 $0x2, s1;
	s7 =	sor.u32 s8, s7  }
0xb: {  	s25 =	sshrl.u32 s1, $0x1;
	s26 =	sshrl.u32 s22, $0x2;
	s6 =	sadd.s32 s5, s6  }
0xc: {  	s5 =	sshrl.u32 s5, $0x3;
	s24 =	sshrl.u32 s7, $0x3;
	s1 =	ssub.s32 s1, s25  }
0xd: {  	s7 =	sadd.s32 s26, s3;
	s26 =	simm.s32 $0x3;
	s6 =	sshrl.u32 s6, $0x3  }
0xe: {  	s23 =	sadd.s32 s5, s0;
	s8 =	sadd.s32 $0x2000, s7;
	s9 =	sadd.s32 $0x4000, s7  }
0xf: {  	s10 =	sadd.s32 $0x6000, s7;
	s11 =	sadd.s32 $0x8000, s7;
	s13 =	smax.u32 s1, $0x1  }
0x10: {  	s1 =	simm.s32 $0x0;
	s6 =	sadd.s32 s6, s0;
	s0 =	sadd.s32 s24, s0  }
0x11: {  	v0 =	vimm.f32 $0.0e+00;
	s5 =	sadd.s32 $0x34E00, s6;
	s6 =	sadd.s32 $0x3000, s23;
	s12 =	sadd.s32 $0x48800, s0  }
.LBB2_1:
0x12: {  	[tilespmem:s4], [sflag:$0x5] =	stream.linear.gather [hbm4b:s5+s4], $0x4E20, $0x38;
	[tilespmem:$0x1AC40] =	vst v63  }
0x13: {  	_ =	swait.ge [sflag:s14], $0x4E20  }
0x14: {  	[sflag:s14] =	ssyncset.done $0x0  }
0x15: {  	[sflag:s14] =	ssyncadd.s32 $0xFFFFB1E0  }
0x16: {  	[tilespmem:s16], [sflag:$0x1] =	stream.indirect.gather [hbm4b:s2+s15], $0x40, s4, s15, $0xb8;
	[tilespmem:$0x1AC40] =	vst v63  }
0x17: {  	_ = 	snop  }
0x18: {  	[tilespmem:s17], [sflag:$0x2] =	stream.indirect.gather [hbm4b:s2+s15], $0x40, s15, s15, $0xb8;
	[tilespmem:$0x1AC40] =	vst v63  }
0x19: {  	_ = 	snop  }
0x1a: {  	[tilespmem:s18], [sflag:$0x5] =	stream.linear.gather [hbm4b:s6+s4], $0x4E20, $0x38;
	[tilespmem:$0x1AC40] =	vst v63  }
0x1b: {  	s0 =	sand.u32 $0x7F00, s4;
	s21 =	sand.u32 $0x30, s4;
	_ =	swait.ge [sflag:s14], $0x4E20  }
0x1c: {  	s22 =	sshrl.u32 s0, $0x2;
	s0 =	simm.s32 $0x40;
	[sflag:s14] =	ssyncset.done $0x0  }
0x1d: {  	s22 =	sor.u32 s21, s22;
	s21 =	simm.s32 $0x0;
	[sflag:s14] =	ssyncadd.s32 $0xFFFFB1E0  }
.LBB2_2:
0x1e: {  	p0 =	sne.s32 s0, $0x7FC0  }
0x1f: {  	[tilespmem:s22+$0xEC40] =	vst v0;
	s21 =	sadd.s32 $0x10, s21;
	s22 =	smov.u32 s0;
	s0 =	sadd.s32 $0x40, s0  }
.Ltmp0:
0x20: {  	(pc) =	sbr.rel @p0 .LBB2_2-.Ltmp0, $4  }
0x21: {  	_ = 	snop  }
0x22: {  	s22 =	sand.u32 $0x7F00, s22  }
0x23: {  	s23 =	sand.u32 $0x30, s21;
	s22 =	sshrl.u32 s22, $0x2  }
0x24: {  	s22 =	sor.u32 s23, s22  }
0x25: {  	[tilespmem:s22+$0xEC40] =	vst v0  }
0x26: {  	[spmem:s7] =	stream.linear.scatter [tilespmem:s19], [sflag:$0x5], $0x2000, $0x38;
	[tilespmem:$0x1AC40] =	vst v63  }
0x27: {  	_ =	swait.ge [sflag:s14], $0x2000  }
0x28: {  	[sflag:s14] =	ssyncset.done $0x0  }
0x29: {  	[sflag:s14] =	ssyncadd.s32 $0xFFFFE000  }
0x2a: {  	[spmem:s8] =	stream.linear.scatter [tilespmem:s19], [sflag:$0x5], $0x2000, $0x38;
	[tilespmem:$0x1AC40] =	vst v63  }
0x2b: {  	_ =	swait.ge [sflag:s14], $0x2000  }
0x2c: {  	[sflag:s14] =	ssyncset.done $0x0  }
0x2d: {  	[sflag:s14] =	ssyncadd.s32 $0xFFFFE000  }
0x2e: {  	[spmem:s9] =	stream.linear.scatter [tilespmem:s19], [sflag:$0x5], $0x2000, $0x38;
	[tilespmem:$0x1AC40] =	vst v63  }
0x2f: {  	_ =	swait.ge [sflag:s14], $0x2000  }
0x30: {  	[sflag:s14] =	ssyncset.done $0x0  }
0x31: {  	[sflag:s14] =	ssyncadd.s32 $0xFFFFE000  }
0x32: {  	[spmem:s10] =	stream.linear.scatter [tilespmem:s19], [sflag:$0x5], $0x2000, $0x38;
	[tilespmem:$0x1AC40] =	vst v63  }
0x33: {  	_ =	swait.ge [sflag:s14], $0x2000  }
0x34: {  	[sflag:s14] =	ssyncset.done $0x0  }
0x35: {  	[sflag:s14] =	ssyncadd.s32 $0xFFFFE000  }
0x36: {  	[spmem:s11] =	stream.linear.scatter [tilespmem:s19], [sflag:$0x5], $0x2000, $0x38;
	[tilespmem:$0x1AC40] =	vst v63  }
0x37: {  	_ =	swait.ge [sflag:s14], $0x2000  }
0x38: {  	[sflag:s14] =	ssyncset.done $0x0  }
0x39: {  	[sflag:s14] =	ssyncadd.s32 $0xFFFFE000  }
0x3a: {  	[bflag:$0x0] =	sbarrier.arrive $0xFFFF  }
0x3b: {  	_ =	swait.ge [sflag:s20], $0x1400  }
0x3c: {  	[sflag:s20] =	ssyncset.done $0x0  }
0x3d: {  	[sflag:s20] =	ssyncadd.s32 $0xFFFFEC00  }
0x3e: {  	[spmem:s3] =	stream.indirect.scatter.add.f32 [tilespmem:s16], [sflag:$0x3], $0x40, s18, s15, $0xb8;
	[tilespmem:$0x1AC40] =	vst v63  }
0x3f: {  	s0 =	simm.s32 $0xA0;
	s21 =	simm.s32 $0xC440  }
0x40: {  	[tilespmem:s21], [sflag:$0x1] =	stream.indirect.gather [hbm4b:s2+s15], $0x40, s0, s15, $0xb8;
	[tilespmem:$0x1AC40] =	vst v63  }
0x41: {  	s0 =	simm.s32 $0x2  }
0x42: {  	_ =	swait.ge [sflag:s0], $0x1400  }
0x43: {  	[sflag:s0] =	ssyncset.done $0x0  }
0x44: {  	s23 =	simm.s32 $0x4E70;
	s24 =	simm.s32 $0xF0;
	[sflag:s0] =	ssyncadd.s32 $0xFFFFEC00  }
0x45: {  	[spmem:s3] =	stream.indirect.scatter.add.f32 [tilespmem:s17], [sflag:$0x4], $0x40, s23, s15, $0xb8;
	[tilespmem:$0x1AC40] =	vst v63  }
0x46: {  	s25 =	simm.s32 $0xD840;
	s22 =	simm.s32 $0x4EC0;
	s21 =	simm.s32 $0x140  }
0x47: {  	[tilespmem:s25], [sflag:$0x2] =	stream.indirect.gather [hbm4b:s2+s15], $0x40, s24, s15, $0xb8;
	[tilespmem:$0x1AC40] =	vst v63  }
.LBB2_4:
0x48: {  	s23 =	sand.u32 $0x1, s0  }
0x49: {  	p0 =	seq.s32 s23, $0x1  }
0x4a: {  	s23 =	simm.s32 @!p0 $0x1  }
0x4b: {  	_ =	swait.ge @!p0 [sflag:s23], $0x1400  }
0x4c: {  	[sflag:s23] =	ssyncset.done @!p0 $0x0  }
0x4d: {  	[sflag:s23] =	ssyncadd.s32 @!p0 $0xFFFFEC00;
	s23 =	simm.s32 @!p0 $0x3  }
0x4e: {  	s24 =	sand.u32 @!p0 $0x1, s0;
	_ =	swait.ge @!p0 [sflag:s23], $0x1400  }
0x4f: {  	p1 =	seq.s32 @!p0 s24, $0x0;
	[sflag:s23] =	ssyncset.done @!p0 $0x0  }
0x50: {  	p1 =	por p0, !p1;
	[sflag:s23] =	ssyncadd.s32 @!p0 $0xFFFFEC00  }
0x51: {  	_ =	swait.ge @p1 [sflag:s31], $0x1400  }
0x52: {  	[sflag:s31] =	ssyncset.done @p1 $0x0  }
0x53: {  	[sflag:s31] =	ssyncadd.s32 @p1 $0xFFFFEC00  }
0x54: {  	s23 =	sand.u32 $0x3, s0;
	_ =	swait.ge @p1 [sflag:s28], $0x1400  }
0x55: {  	p0 =	sgt.s32 s23, $0x1;
	[sflag:s28] =	ssyncset.done @p1 $0x0  }
0x56: {  	[sflag:s28] =	ssyncadd.s32 @p1 $0xFFFFEC00;
	p1 =	seq.s32 @p0 s23, $0x2  }
0x57: {  	p2 =	por !p1, !p0  }
0x58: {  	p3 =	sgt.u32 @!p2 s0, $0xF7;
	s24 =	simm.s32 @!p2 $0x50;
	s25 =	simm.s32 @!p2 $0xC440  }
0x59: {  	[spmem:s3] =	stream.indirect.scatter.add.f32 @!p2 [tilespmem:s25], [sflag:$0x3], $0x40, s22, s24, $0xb8;
	[tilespmem:$0x1AC40] =	vst v63  }
0x5a: {  	p2 =	por @p0 p3, !p1  }
0x5b: {  	p2 =	por p2, !p0  }
0x5c: {  	s24 =	simm.s32 @!p2 $0x50;
	s25 =	simm.s32 @!p2 $0x9C40  }
0x5d: {  	[tilespmem:s25], [sflag:$0x1] =	stream.indirect.gather @!p2 [hbm4b:s2+s24], $0x40, s21, s24, $0xb8;
	[tilespmem:$0x1AC40] =	vst v63  }
0x5e: {  	p2 =	por p1, !p0  }
0x5f: {  	p3 =	sgt.u32 @!p2 s0, $0xF7;
	s24 =	simm.s32 @!p2 $0x50;
	s25 =	simm.s32 @!p2 $0xD840  }
0x60: {  	[spmem:s3] =	stream.indirect.scatter.add.f32 @!p2 [tilespmem:s25], [sflag:$0x4], $0x40, s22, s24, $0xb8;
	[tilespmem:$0x1AC40] =	vst v63  }
0x61: {  	p1 =	por @p0 p3, p1  }
0x62: {  	p1 =	por p1, !p0  }
0x63: {  	s24 =	simm.s32 @!p1 $0x50;
	s25 =	simm.s32 @!p1 $0xB040  }
0x64: {  	[tilespmem:s25], [sflag:$0x2] =	stream.indirect.gather @!p1 [hbm4b:s2+s24], $0x40, s21, s24, $0xb8;
	[tilespmem:$0x1AC40] =	vst v63  }
0x65: {  	p1 =	seq.s32 @!p0 s23, $0x0  }
0x66: {  	p2 =	por !p1, p0  }
0x67: {  	p3 =	sgt.u32 @!p2 s0, $0xF7;
	s23 =	simm.s32 @!p2 $0x50;
	s24 =	simm.s32 @!p2 $0x9C40  }
0x68: {  	[spmem:s3] =	stream.indirect.scatter.add.f32 @!p2 [tilespmem:s24], [sflag:$0x3], $0x40, s22, s23, $0xb8;
	[tilespmem:$0x1AC40] =	vst v63  }
0x69: {  	p2 =	por @!p0 p3, !p1  }
0x6a: {  	p2 =	por p2, p0  }
0x6b: {  	s23 =	simm.s32 @!p2 $0x50;
	s24 =	simm.s32 @!p2 $0xC440  }
0x6c: {  	[tilespmem:s24], [sflag:$0x1] =	stream.indirect.gather @!p2 [hbm4b:s2+s23], $0x40, s21, s23, $0xb8;
	[tilespmem:$0x1AC40] =	vst v63  }
0x6d: {  	p2 =	por p1, p0  }
0x6e: {  	p3 =	sgt.u32 @!p2 s0, $0xF7;
	s23 =	simm.s32 @!p2 $0x50;
	s24 =	simm.s32 @!p2 $0xB040  }
0x6f: {  	[spmem:s3] =	stream.indirect.scatter.add.f32 @!p2 [tilespmem:s24], [sflag:$0x4], $0x40, s22, s23, $0xb8;
	[tilespmem:$0x1AC40] =	vst v63  }
0x70: {  	p1 =	por @!p0 p3, p1  }
0x71: {  	p0 =	por p1, p0  }
0x72: {  	s0 =	sadd.s32 $0x1, s0;
	s23 =	simm.s32 @!p0 $0x50;
	s24 =	simm.s32 @!p0 $0xD840  }
0x73: {  	[tilespmem:s24], [sflag:$0x2] =	stream.indirect.gather @!p0 [hbm4b:s2+s23], $0x40, s21, s23, $0xb8;
	[tilespmem:$0x1AC40] =	vst v63  }
0x74: {  	p0 =	sne.s32 s0, $0xFA  }
.Ltmp1:
0x75: {  	_ = 	snop;
	(pc) =	sbr.rel @p0 .LBB2_4-.Ltmp1, $2  }
0x76: {  	_ =	sdelay $0x2  }
0x77: {  	s22 =	sadd.s32 $0x50, s22;
	s21 =	sadd.s32 $0x50, s21  }
0x78: {  	_ =	swait.ge [sflag:s26], $0x1400  }
0x79: {  	[sflag:s26] =	ssyncset.done $0x0  }
0x7a: {  	[sflag:s26] =	ssyncadd.s32 $0xFFFFEC00  }
0x7b: {  	s0 =	stileid.u32;
	_ =	swait.ge [sflag:s28], $0x1400  }
0x7c: {  	s21 =	sshrl.u32 s7, $0x3;
	s1 =	sadd.s32 $0x1, s1;
	[sflag:s28] =	ssyncset.done $0x0  }
0x7d: {  	s0 =	sshll.u32 s0, $0x6;
	p0 =	sne.s32 s1, s13;
	[sflag:s28] =	ssyncadd.s32 $0xFFFFEC00  }
.Ltmp2:
0x7e: {  	s0 =	sor.u32 $0x1C05, s0;
	[bflag:$0x0] =	sbarrier.arrive $0xFFFF;
	(pc) =	sbr.rel @p0 .LBB2_1-.Ltmp2, $4  }
0x7f: {  	[hbm:s12@s29], [sflag:s0] =	dma.strided [spmem:s21@s30], $0x1400, s20, $0x8   }
0x80: {  	_ =	swait.ge [sflag:s14], $0x1400  }
0x81: {  	[sflag:s14] =	ssyncset.done $0x0  }
0x82: {  	[sflag:s14] =	ssyncadd.s32 $0xFFFFEC00  }
0x83: {  	_ =	sfence.sel $0x180000  }
0x84: {  	[bflag:$0x0] =	sbarrier.arrive $0xFFFF  }
0x85: {  	_ =	strace $0x9000004D  }
0x86: {  	s0 =	stileid.u32;
	[bflag:$0x2] =	sbarrier.arrive $0xFFFF  }
0x87: {  	p0 =	sne.s32 s0, $0x0;
	s0 =	rddreg [dreg:$0x3]  }
0x88: {  	s0 =	sadd.s32 @!p0 $0x100000, s0  }
0x89: {  	[sflag:s0] =	ssyncadd.tile.s32 @!p0 $0x1;
	_ =	shalt  }
.Lfunc_end2:
_tile_overlayer_lowered:
.L_overlay_start_2:
0x8a: {  	(tag) =	ssettag $0x2  }
0x8b: {  	s0 =	rddreg [dreg:$0x0];
	s2 =	stileid.u32  }
0x8c: {  	s1 =	rddreg [dreg:$0x1];
	p0 =	sne.s32 s2, $0x0  }
0x8d: {  	s3 =	rddreg [dreg:$0x2];
	[bflag:$0x3] =	sbarrier.arrive $0xFFFF;
	s2 =	simm.s32 @!p0 $0x1C05  }
0x8e: {  	[timem:s3], [sflag:s2] =	dma.local @!p0 [hbm:s0], s1  }
0x8f: {  	s0 =	simm.s32 @!p0 $0x5  }
0x90: {  	_ =	swait.ge @!p0 [sflag:s0], s1  }
0x91: {  	s1 =	ssub.s32 @!p0 $0x0, s1;
	[sflag:s0] =	ssyncset.done @!p0 $0x0  }
0x92: {  	[sflag:s0] =	ssyncadd.s32 @!p0 s1  }
0x93: {  	[bflag:$0x3] =	sbarrier.arrive $0xFFFF  }
0x94: {  	_ =	shalt  }

// kernel: kernel.8.cloned.1.call-start
scs
__scs_entry_jumppad:
0x0: {  	(pc) =	sbr.rel $0x88, $3  }
0x1: {  	(tag) =	ssettag $0x0;
	lr =	simm.s32 $0x1  }
0x2: {  	[smem:$0x3F99] =	sst lr;
	_ =	strace $0xD0000000  }
0x3: {  	_ = 	snop  }
0x4: {  	_ = 	snop  }
0x5: {  	_ = 	snop  }
0x6: {  	_ = 	snop  }
0x7: {  	_ = 	snop  }
__scs_overlays_trampoline_lowered:
0x8: {  	[smem:$0x3FA8] =	sst s0  }
0x9: {  	[smem:$0x3FA9] =	sst s1  }
0xa: {  	[smem:$0x3FAA] =	sst s2  }
0xb: {  	[smem:$0x3FAB] =	sst s3  }
0xc: {  	[smem:$0x3FAC] =	sst s4  }
0xd: {  	[smem:$0x3FAD] =	sst s5  }
0xe: {  	[smem:$0x3FAE] =	sst s6  }
0xf: {  	[smem:$0x3FAF] =	sst s7  }
0x10: {  	[smem:$0x3FB0] =	sst s8  }
0x11: {  	[smem:$0x3FB1] =	sst s9;
	s0 =	simm.s32 @!p0 $0x0  }
0x12: {  	s1 =	sld [smem:$0x3F97];
	s0 =	simm.s32 @p0 $0x1  }
0x13: {  	[smem:$0x3FB2] =	sst s0;
	s0 =	simm.s32 @!p1 $0x0  }
0x14: {  	s2 =	sld [smem:$0x3F96];
	s0 =	simm.s32 @p1 $0x1  }
0x15: {  	[smem:$0x3FB3] =	sst s0;
	s0 =	simm.s32 @!p2 $0x0  }
0x16: {  	s3 =	sld [smem:$0x3FDB];
	s0 =	simm.s32 @p2 $0x1  }
0x17: {  	s4 =	simm.s32 $0x1BF5;
	[smem:$0x3FB5] =	sst s0  }
0x18: {  	s0 =	sld [smem:$0x3F98];
	_ =	swait.ge [sflag:s4], $0x0  }
0x19: {  	s7 =	sld [smem:$0x3F99]  }
0x1a: {  	s8 =	sadd.s32 $0xFFFFE003, lr  }
0x1b: {  	s9 =	sadd.s32 $0xFFFFFEF7, lr;
	s5 =	simm.s32 $0xFFFFFFFF;
	p2 =	slt.u32 s8, $0xFFFFF086  }
0x1c: {  	p1 =	slt.u32 s9, $0xF7A;
	s5 =	simm.s32 @!p2 $0x0  }
0x1d: {  	s5 =	simm.s32 @p1 $0x1;
	p0 =	seq.s32 s7, s2  }
0x1e: {  	s7 =	smul.u32 @!p0 $0xF7A, s2;
	p2 =	seq.s32 @!p0 s5, $0x0  }
0x1f: {  	s9 =	smul.u32 $0xF7A, s1;
	s8 =	simm.s32 @!p0 $0x1BF5;
	p2 =	por !p2, p0  }
0x20: {  	[sflag:s8] =	ssyncset.s32 @!p0 $0xFFFFF086;
	s6 =	sadd.s32 @!p0 s3, s7;
	s7 =	simm.s32 @!p0 $0x108  }
0x21: {  	s3 =	sadd.s32 s3, s9;
	s6 =	sadd.s32 @!p0 $0x88, s6;
	s7 =	simm.s32 @p2 $0x1082  }
0x22: {  	[simem:s7], [sflag:s8] =	dma.local @!p0 [hbm:s6], $0xF7A  }
0x23: {  	s9 =	sor.u32 $0xD0000000, s2;
	s6 =	simm.s32 $0x108;
	_ =	swait.ge @!p0 [sflag:s8], $0x0  }
0x24: {  	s3 =	sadd.s32 $0x88, s3;
	s6 =	simm.s32 @!p1 $0x1082;
	[sflag:s4] =	ssyncset.s32 $0xFFFFF086  }
0x25: {  	[simem:s6], [sflag:s4] =	dma.local [hbm:s3], $0xF7A  }
0x26: {  	[smem:$0x3F99] =	sst s1;
	(tag) =	ssettag s2;
	_ =	strace s9  }
0x27: {  	s1 =	sld [smem:$0x3FA9]  }
0x28: {  	s2 =	sld [smem:$0x3FAA]  }
0x29: {  	s4 =	sld [smem:$0x3FAC]  }
0x2a: {  	p0 =	seq.s32 s5, $0x0;
	s5 =	sld [smem:$0x3FAD]  }
0x2b: {  	s6 =	sld [smem:$0x3FAE]  }
0x2c: {  	s7 =	sld [smem:$0x3FAF]  }
0x2d: {  	s3 =	simm.s32 $0x108;
	s8 =	sld [smem:$0x3FB0]  }
0x2e: {  	s3 =	simm.s32 @!p0 $0x1082;
	s9 =	sld [smem:$0x3FB1]  }
0x2f: {  	lr =	sadd.s32 s0, s3;
	s0 =	sld [smem:$0x3FA8]  }
0x30: {  	s3 =	sld [smem:$0x3FAB]  }
0x31: {  	[smem:$0x3FB4] =	sst s10  }
0x32: {  	s10 =	sld [smem:$0x3FB2];
	_ =	sdelay $0x3  }
0x33: {  	p0 =	seq.s32 s10, $0x1;
	s10 =	sld [smem:$0x3FB4];
	_ =	sdelay $0x3  }
0x34: {  	[smem:$0x3FB4] =	sst s10  }
0x35: {  	s10 =	sld [smem:$0x3FB3];
	_ =	sdelay $0x3  }
0x36: {  	p1 =	seq.s32 s10, $0x1;
	s10 =	sld [smem:$0x3FB4];
	_ =	sdelay $0x3  }
0x37: {  	[smem:$0x3FB4] =	sst s10  }
0x38: {  	s10 =	sld [smem:$0x3FB5]  }
0x39: {  	_ = 	snop;
	(pc) =	sbr.ind lr, $3  }
0x3a: {  	_ = 	snop  }
0x3b: {  	_ = 	snop  }
0x3c: {  	p2 =	seq.s32 s10, $0x1;
	s10 =	sld [smem:$0x3FB4]  }
0x3d: {  	_ =	shalt  }
0x3e: {  	_ =	shalt  }
0x3f: {  	_ =	shalt  }
0x40: {  	_ =	shalt  }
0x41: {  	_ =	shalt  }
0x42: {  	_ =	shalt  }
0x43: {  	_ =	shalt  }
0x44: {  	_ =	shalt  }
0x45: {  	_ =	shalt  }
0x46: {  	_ =	shalt  }
0x47: {  	_ =	shalt  }
0x48: {  	_ =	shalt  }
0x49: {  	_ =	shalt  }
0x4a: {  	_ =	shalt  }
0x4b: {  	_ =	shalt  }
0x4c: {  	_ =	shalt  }
0x4d: {  	_ =	shalt  }
0x4e: {  	_ =	shalt  }
0x4f: {  	_ =	shalt  }
0x50: {  	_ =	shalt  }
0x51: {  	_ =	shalt  }
0x52: {  	_ =	shalt  }
0x53: {  	_ =	shalt  }
0x54: {  	_ =	shalt  }
0x55: {  	_ =	shalt  }
0x56: {  	_ =	shalt  }
0x57: {  	_ =	shalt  }
0x58: {  	_ =	shalt  }
0x59: {  	_ =	shalt  }
0x5a: {  	_ =	shalt  }
0x5b: {  	_ =	shalt  }
0x5c: {  	_ =	shalt  }
0x5d: {  	_ =	shalt  }
0x5e: {  	_ =	shalt  }
0x5f: {  	_ =	shalt  }
0x60: {  	_ =	shalt  }
0x61: {  	_ =	shalt  }
0x62: {  	_ =	shalt  }
0x63: {  	_ =	shalt  }
0x64: {  	_ =	shalt  }
0x65: {  	_ =	shalt  }
0x66: {  	_ =	shalt  }
0x67: {  	_ =	shalt  }
0x68: {  	_ =	shalt  }
0x69: {  	_ =	shalt  }
0x6a: {  	_ =	shalt  }
0x6b: {  	_ =	shalt  }
0x6c: {  	_ =	shalt  }
0x6d: {  	_ =	shalt  }
0x6e: {  	_ =	shalt  }
0x6f: {  	_ =	shalt  }
0x70: {  	_ =	shalt  }
0x71: {  	_ =	shalt  }
0x72: {  	_ =	shalt  }
0x73: {  	_ =	shalt  }
0x74: {  	_ =	shalt  }
0x75: {  	_ =	shalt  }
0x76: {  	_ =	shalt  }
0x77: {  	_ =	shalt  }
0x78: {  	_ =	shalt  }
0x79: {  	_ =	shalt  }
0x7a: {  	_ =	shalt  }
0x7b: {  	_ =	shalt  }
0x7c: {  	_ =	shalt  }
0x7d: {  	_ =	shalt  }
0x7e: {  	_ =	shalt  }
0x7f: {  	_ =	shalt  }
0x80: {  	_ =	shalt  }
0x81: {  	_ =	shalt  }
0x82: {  	_ =	shalt  }
0x83: {  	_ =	shalt  }
0x84: {  	_ =	shalt  }
0x85: {  	_ =	shalt  }
0x86: {  	_ =	shalt  }
0x87: {  	_ =	shalt  }
.Lfunc_end0:
.L_simem_size_0:
called_computation_lowered:
.L_overlay_start_0:
0x88: {  	s2 =	sld [smem:$0x3FD9]  }
0x89: {  	s3 =	sld [smem:$0x3FFE];
	_ =	sdelay $0x1  }
0x8a: {  	s1 =	srdreg.scid  }
0x8b: {  	s0 =	sand.u32 $0x1, s1  }
0x8c: {  	s16 =	sshll.u32 s0, $0xA;
	s2 =	sadd.s32 s3, s2  }
0x8d: {  	s2 =	sadd.s32 s2, s16  }
0x8e: {  	[smem:$0x3FC0] =	sst s2  }
0x8f: {  	_ = 	snop  }
0x90: {  	(tm) =	ssettm $0x1  }
0x91: {  	s17 =	sld [smem:$0x3FFB];
	_ =	sdelay $0x3  }
0x92: {  	_ =	strace s17  }
0x93: {  	s2 =	sld [smem:$0x3FFC];
	_ =	sdelay $0x3  }
0x94: {  	_ =	strace s2  }
0x95: {  	s2 =	sld [smem:$0x3FFD];
	_ =	sdelay $0x3  }
0x96: {  	_ =	strace s2  }
0x97: {  	_ =	strace $0x8FFFFFFF  }
0x98: {  	s18 =	sld [smem:$0x3FDB];
	_ =	sdelay $0x1  }
0x99: {  	s19 =	simm.s32 $_scs_section_size  }
0x9a: {  	s4 =	simm.s32 $_size__tile_overlayer_lowered;
	s5 =	simm.s32 $_tile_overlayer_lowered  }
0x9b: {  	s22 =	simm.s32 $0x1BFF;
	s21 =	sshll.u32 s5, $0x1;
	s2 =	sadd.s32 s19, s18  }
0x9c: {  	s6 =	simm.s32 $0x0;
	s20 =	sshll.u32 s4, $0x1;
	s4 =	sadd.s32 s21, s2  }
0x9d: {  	[timem:s6], [sflag:s22] =	dma.local [hbm:s4], s20  }
0x9e: {  	_ =	swait.ge [sflag:s22], s20  }
0x9f: {  	s3 =	ssub.s32 $0x0, s20;
	[sflag:s22] =	ssyncset.done $0x0  }
0xa0: {  	[sflag:s22] =	ssyncadd.s32 s3;
	_ =	sdelay $0x1  }
0xa1: {  	s23 =	simm.s32 $0x1B8B  }
0xa2: {  	_ =	swait.ge [sflag:s23], $0x1  }
0xa3: {  	[sflag:s23] =	ssyncset.done $0x0  }
0xa4: {  	s25 =	simm.s32 $0x1B8E;
	s24 =	sld [smem:$0x3FFE];
	[sflag:s23] =	ssyncadd.s32 $0xFFFFFFFF  }
0xa5: {  	s26 =	simm.s32 $execute0_lowered;
	[smem:$0x3FD2] =	sst s25  }
0xa6: {  	s4 =	sshll.u32 s26, $0x1;
	_ =	strace $0x80000046;
	[dreg:$0x1] =	wrdreg $0xFFFFFFFF  }
0xa7: {  	s28 =	simm.s32 $_size_execute0_lowered;
	s2 =	sadd.s32 s2, s4;
	[dreg:$0x0] =	wrdreg $0x0  }
0xa8: {  	s4 =	sshll.u32 s28, $0x1;
	[dreg:$0x2] =	wrdreg s2  }
0xa9: {  	[dreg:$0x3] =	wrdreg s4  }
0xaa: {  	[dreg:$0x4] =	wrdreg $0xC0  }
0xab: {  	_ =	task [dreg:s6], $0x5FFFF  }
0xac: {  	[dreg:$0x1] =	wrdreg $0xFFFFFFFF  }
0xad: {  	[dreg:$0x0] =	wrdreg $0x60  }
0xae: {  	[dreg:$0x2] =	wrdreg s24  }
0xaf: {  	[dreg:$0x3] =	wrdreg $0x34100  }
0xb0: {  	[dreg:$0x4] =	wrdreg $0x9  }
0xb1: {  	_ =	task.clear_ibuf [dreg:s6], $0x5FFFF;
	_ =	strace $0x90000046  }
0xb2: {  	s29 =	simm.s32 $0x9;
	_ =	strace $0x80000048  }
0xb3: {  	_ =	swait.ge [sflag:s29], $0x1  }
0xb4: {  	[sflag:s29] =	ssyncadd.s32 $0xFFFFFFFF  }
0xb5: {  	_ =	strace $0x90000048  }
0xb6: {  	_ =	sfence  }
0xb7: {  	s30 =	sld [smem:$0x0];
	_ =	sdelay $0x2  }
0xb8: {  	s31 =	sshll.u32 s1, $0xD;
	s1 =	sshrl.u32 s1, $0x2  }
0xb9: {  	s3 =	sand.u32 $0x4000, s31;
	s1 =	sadd.s32 s1, s30  }
0xba: {  	s0 =	sor.u32 s3, s0;
	s1 =	sshll.u32 s1, $0x11  }
0xbb: {  	s0 =	sor.u32 s1, s0  }
0xbc: {  	s0 =	sadd.s32 $0x8F2B, s0  }
0xbd: {  	[sflag:s0] =	ssyncadd.remote.s32 $0x1  }
0xbe: {  	_ =	sfence.sel $0xFFFF  }
0xbf: {  	[dreg:$0x0] =	wrdreg $0xFFFFFFFF;
	(pc) =	sbr.abs _section_cstart, $3  }
0xc0: {  	[dreg:$0x1] =	wrdreg $0xFFFFFFFF  }
0xc1: {  	_ =	task.clear_ibuf [dreg:s6], $0x2FFFF;
	_ =	strace $0x9FFFFFFF  }
0xc2: {  	(tm) =	ssettm $0x7FFFFFFF  }
0xc3: {  	_ =	shalt  }
tec
execute0_lowered:
.L_overlay_start_1:
0x0: {  	(tag) =	ssettag $0x1  }
0x1: {  	s6 =	rddreg [dreg:$0x0]  }
0x2: {  	s0 =	srdreg.scid;
	s2 =	rddreg [dreg:$0x1];
	s3 =	simm.s32 $0x0  }
0x3: {  	s12 =	simm.s32 $0x1;
	s13 =	simm.s32 $0x2C10;
	s14 =	simm.s32 $0x50  }
0x4: {  	s15 =	simm.s32 $0x2710;
	s18 =	simm.s32 $0x10;
	s19 =	simm.s32 $0x2  }
0x5: {  	s20 =	simm.s32 $0x0;
	s4 =	sand.u32 $0x1, s0;
	s0 =	stileid.u32  }
0x6: {  	[smem:$0x7FF] =	sst s3;
	s5 =	sshll.u32 s4, $0x4;
	s8 =	smul.u32 $0x14000, s0  }
0x7: {  	s9 =	smul.u32 $0xA000, s0;
	s29 =	ssub.s32 $0x2, s4;
	s16 =	sshll.u32 s0, $0x6  }
0x8: {  	s1 =	sor.u32 s0, s5;
	s31 =	sshrl.u32 s29, $0x1;
	s16 =	sor.u32 $0x1C01, s16  }
0x9: {  	s7 =	smul.u32 $0x4E2, s1;
	s1 =	rddreg [dreg:$0x2];
	_ =	strace $0x80000047  }
0xa: {  	s5 =	sor.u32 s5, s8;
	s30 =	sshrl.u32 s9, $0x2;
	s11 =	ssub.s32 s29, s31  }
0xb: {  	s5 =	sshrl.u32 s5, $0x3;
	s4 =	sadd.s32 s30, s2;
	s11 =	smax.u32 s11, $0x1  }
0xc: {  	s7 =	sadd.s32 s7, s6;
	s10 =	sadd.s32 s5, s6;
	s6 =	sadd.s32 $0x800, s4  }
0xd: {  	s8 =	sadd.s32 $0x1800, s4;
	s9 =	sadd.s32 $0x2000, s4;
	s17 =	sshrl.u32 s4, $0x3  }
0xe: {  	v0 =	vimm.f32 $0.0e+00;
	v1 =	vimm.f32 $1.000000000e+00;
	s5 =	sadd.s32 $0x3000, s7;
	s7 =	sadd.s32 $0x1000, s4;
	s10 =	sadd.s32 $0xCE00, s10  }
.LBB2_1:
0xf: {  	[tilespmem:s3], [sflag:$0x1] =	stream.linear.gather [hbm4b:s5+s3], $0x2710, $0x38;
	[tilespmem:$0x5C10] =	vst v63  }
0x10: {  	_ =	swait.ge [sflag:s12], $0x2710  }
0x11: {  	[sflag:s12] =	ssyncset.done $0x0  }
0x12: {  	s21 =	simm.s32 $0x0;
	[sflag:s12] =	ssyncadd.s32 $0xFFFFD8F0  }
.LBB2_2:
0x13: {  	p0 =	sne.s32 s21, $0x1FC0  }
.Ltmp0:
0x14: {  	_ = 	snop;
	(pc) =	sbr.rel @p0 .LBB2_2-.Ltmp0, $3  }
0x15: {  	_ =	sdelay $0x1  }
0x16: {  	s22 =	sshra.s32 s21, $0x2  }
0x17: {  	s21 =	sadd.s32 $0x40, s21;
	[tilespmem:s22+$0x2C10] =	vst v0  }
0x18: {  	s21 =	simm.s32 $0x40;
	s22 =	simm.s32 $0x0  }
.LBB2_4:
0x19: {  	p0 =	sne.s32 s21, $0x13C0;
	[tilespmem:s22+$0x2710] =	vst v1;
	s22 =	smov.u32 s21;
	s21 =	sadd.s32 $0x40, s21  }
.Ltmp1:
0x1a: {  	(pc) =	sbr.rel @p0 .LBB2_4-.Ltmp1, $2  }
0x1b: {  	_ =	sdelay $0x2  }
0x1c: {  	s22 =	sshra.s32 s22, $0x2  }
0x1d: {  	[tilespmem:s22+$0x2710] =	vst v1  }
0x1e: {  	[spmem:s4] =	stream.linear.scatter [tilespmem:s13], [sflag:$0x1], $0x800, $0x38;
	[tilespmem:$0x5C10] =	vst v63  }
0x1f: {  	_ =	swait.ge [sflag:s12], $0x800  }
0x20: {  	[sflag:s12] =	ssyncset.done $0x0  }
0x21: {  	[sflag:s12] =	ssyncadd.s32 $0xFFFFF800  }
0x22: {  	[spmem:s6] =	stream.linear.scatter [tilespmem:s13], [sflag:$0x1], $0x800, $0x38;
	[tilespmem:$0x5C10] =	vst v63  }
0x23: {  	_ =	swait.ge [sflag:s12], $0x800  }
0x24: {  	[sflag:s12] =	ssyncset.done $0x0  }
0x25: {  	[sflag:s12] =	ssyncadd.s32 $0xFFFFF800  }
0x26: {  	[spmem:s7] =	stream.linear.scatter [tilespmem:s13], [sflag:$0x1], $0x800, $0x38;
	[tilespmem:$0x5C10] =	vst v63  }
0x27: {  	_ =	swait.ge [sflag:s12], $0x800  }
0x28: {  	[sflag:s12] =	ssyncset.done $0x0  }
0x29: {  	[sflag:s12] =	ssyncadd.s32 $0xFFFFF800  }
0x2a: {  	[spmem:s8] =	stream.linear.scatter [tilespmem:s13], [sflag:$0x1], $0x800, $0x38;
	[tilespmem:$0x5C10] =	vst v63  }
0x2b: {  	_ =	swait.ge [sflag:s12], $0x800  }
0x2c: {  	[sflag:s12] =	ssyncset.done $0x0  }
0x2d: {  	[sflag:s12] =	ssyncadd.s32 $0xFFFFF800  }
0x2e: {  	[spmem:s9] =	stream.linear.scatter [tilespmem:s13], [sflag:$0x1], $0x800, $0x38;
	[tilespmem:$0x5C10] =	vst v63  }
0x2f: {  	_ =	swait.ge [sflag:s12], $0x800  }
0x30: {  	[sflag:s12] =	ssyncset.done $0x0  }
0x31: {  	[sflag:s12] =	ssyncadd.s32 $0xFFFFF800  }
0x32: {  	s21 =	simm.s32 $0x0;
	[bflag:$0x0] =	sbarrier.arrive $0xFFFF  }
0x33: {  	[spmem:s2] =	stream.indirect.scatter.add.f32 [tilespmem:s15], [sflag:$0x1], $0x10, s21, s14, $0xb8;
	[tilespmem:$0x5C10] =	vst v63  }
0x34: {  	_ =	swait.ge [sflag:s12], $0x500  }
0x35: {  	s21 =	simm.s32 $0x140;
	[sflag:s12] =	ssyncset.done $0x0  }
.LBB2_6:
0x36: {  	s22 =	sshra.s32 s21, $0x2;
	[sflag:s12] =	ssyncadd.s32 $0xFFFFFB00;
	p0 =	sne.s32 s21, $0x9B00  }
0x37: {  	[spmem:s2] =	stream.indirect.scatter.add.f32 [tilespmem:s15], [sflag:$0x1], $0x10, s22, s14, $0xb8;
	[tilespmem:$0x5C10] =	vst v63  }
.Ltmp2:
0x38: {  	_ = 	snop;
	(pc) =	sbr.rel @p0 .LBB2_6-.Ltmp2, $4  }
0x39: {  	_ = 	snop  }
0x3a: {  	s21 =	sadd.s32 $0x140, s21  }
0x3b: {  	_ =	swait.ge [sflag:s12], $0x500  }
0x3c: {  	[sflag:s12] =	ssyncset.done $0x0  }
0x3d: {  	s20 =	sadd.s32 $0x1, s20  }
0x3e: {  	[sflag:s12] =	ssyncadd.s32 $0xFFFFFB00;
	p0 =	sne.s32 s20, s11  }
.Ltmp3:
0x3f: {  	[bflag:$0x0] =	sbarrier.arrive $0xFFFF;
	(pc) =	sbr.rel @p0 .LBB2_1-.Ltmp3, $4  }
0x40: {  	[hbm:s10@s18], [sflag:s16] =	dma.strided [spmem:s17@s19], $0x500, s12, $0x2   }
0x41: {  	_ =	swait.ge [sflag:s12], $0x500  }
0x42: {  	[sflag:s12] =	ssyncset.done $0x0  }
0x43: {  	[sflag:s12] =	ssyncadd.s32 $0xFFFFFB00  }
0x44: {  	_ =	sfence.sel $0x180000  }
0x45: {  	[bflag:$0x0] =	sbarrier.arrive $0xFFFF  }
0x46: {  	p0 =	sne.s32 s0, $0x0;
	_ =	strace $0x90000047  }
0x47: {  	s0 =	sadd.s32 @!p0 $0x100000, s1;
	[bflag:$0x2] =	sbarrier.arrive $0xFFFF  }
0x48: {  	[sflag:s0] =	ssyncadd.tile.s32 @!p0 $0x1;
	_ =	shalt  }
.Lfunc_end2:
_tile_overlayer_lowered:
.L_overlay_start_2:
0x49: {  	(tag) =	ssettag $0x2  }
0x4a: {  	s0 =	rddreg [dreg:$0x0];
	s2 =	stileid.u32  }
0x4b: {  	s1 =	rddreg [dreg:$0x1];
	p0 =	sne.s32 s2, $0x0  }
0x4c: {  	s3 =	rddreg [dreg:$0x2];
	[bflag:$0x3] =	sbarrier.arrive $0xFFFF;
	s2 =	simm.s32 @!p0 $0x1C01  }
0x4d: {  	[timem:s3], [sflag:s2] =	dma.local @!p0 [hbm:s0], s1  }
0x4e: {  	s0 =	simm.s32 @!p0 $0x1  }
0x4f: {  	_ =	swait.ge @!p0 [sflag:s0], s1  }
0x50: {  	s1 =	ssub.s32 @!p0 $0x0, s1;
	[sflag:s0] =	ssyncset.done @!p0 $0x0  }
0x51: {  	[sflag:s0] =	ssyncadd.s32 @!p0 s1  }
0x52: {  	[bflag:$0x3] =	sbarrier.arrive $0xFFFF  }
0x53: {  	_ =	shalt  }

</sc_bundles>
